<compile_context>
chip_gen: v7x
topology: tpu7x:2x2x1
jax: 0.10.2.dev20260603
libtpu: 0.0.44.dev20260713+nightly
codegen_flags: <defaults>
</compile_context>

<pallas_src>
import functools

import jax
import jax.numpy as jnp
from jax import lax
from jax.experimental import pallas as pl
from jax.experimental.pallas import tpu as pltpu
from jax.experimental.pallas import tpu_sc as plsc

N = 10000
E = 320000
D = 128
H = 32
C = 2

NC = 2
NS = 16
L = 16
NW = NC * NS
NPAD = 10240
K = 128
CPW = 80
EPW = K * CPW
EPAD = EPW * NW
NCHUNK = EPAD // K
RPT = NPAD // NS
NSLOT = 10
DEPTH = 5
NCA = 1
CPWA = EPAD // K // (NCA * NS)

_mesh = plsc.VectorSubcoreMesh(
    core_axis_name="c", subcore_axis_name="s", num_cores=NC, num_subcores=NS
)
_mesh1 = plsc.VectorSubcoreMesh(
    core_axis_name="c", subcore_axis_name="s", num_cores=NCA, num_subcores=NS
)
_sc_params = pltpu.CompilerParams(
    use_tc_tiling_on_sc=False, needs_layout_passes=False
)


@functools.partial(
    pl.kernel,
    out_type=jax.ShapeDtypeStruct((2, NW, NPAD), jnp.float32),
    mesh=_mesh,
    scratch_types=[
        pltpu.VMEM((EPW,), jnp.int32),
        pltpu.VMEM((NPAD,), jnp.float32),
        pltpu.VMEM((NPAD,), jnp.float32),
    ],
    compiler_params=_sc_params,
)
def _deg_kernel(ed_hbm, out_hbm, idx_v, hs_v, hd_v):
    wid = lax.axis_index("s") * NC + lax.axis_index("c")
    zeros = jnp.zeros((L,), jnp.float32)
    ones = jnp.ones((L,), jnp.float32)
    mask16 = jnp.full((L,), 0xFFFF, jnp.int32)

    def zero_body(i, _):
        b = i * 4 * L
        for u in range(4):
            hs_v[pl.ds(b + u * L, L)] = zeros
            hd_v[pl.ds(b + u * L, L)] = zeros
        return 0

    lax.fori_loop(0, NPAD // (4 * L), zero_body, 0)
    pltpu.sync_copy(ed_hbm.at[pl.ds(wid * EPW, EPW)], idx_v)

    def add_body(i, _):
        b = i * 2 * L
        for u in range(2):
            w = idx_v[pl.ds(b + u * L, L)]
            plsc.addupdate_scatter(hs_v, [jnp.bitwise_and(w, mask16)], ones)
            plsc.addupdate_scatter(hd_v, [lax.shift_right_logical(w, 16)],
                                   ones)
        return 0

    lax.fori_loop(0, EPW // (2 * L), add_body, 0)
    pltpu.sync_copy(hs_v, out_hbm.at[0, wid])
    pltpu.sync_copy(hd_v, out_hbm.at[1, wid])


@functools.partial(
    pl.kernel,
    out_type=jax.ShapeDtypeStruct((NCA, NPAD, H), jnp.float32),
    mesh=_mesh1,
    scratch_types=[
        pltpu.VMEM_SHARED((NPAD, H), jnp.float32),
        pltpu.VMEM((CPWA, K), jnp.int32),
        pltpu.VMEM((CPWA, K), jnp.int32),
        [pltpu.VMEM((K, H), jnp.float32)] * NSLOT,
        pltpu.VMEM((RPT, H), jnp.float32),
        [pltpu.SemaphoreType.DMA] * NSLOT,
        [pltpu.SemaphoreType.DMA] * NSLOT,
    ],
    compiler_params=_sc_params,
)
def _agg_kernel(h_hbm, ed_hbm, out_hbm, agg_sh, src_v, dst_v,
                rows, stage_v, sem_g, sem_s):
    c = lax.axis_index("c")
    s = lax.axis_index("s")
    wid = s * NCA + c
    zeros = jnp.zeros((L,), jnp.float32)

    def zero_body(i, _):
        b = i * 4
        for u in range(4):
            stage_v[b + u, pl.ds(0, L)] = zeros
            stage_v[b + u, pl.ds(L, L)] = zeros
        return 0

    lax.fori_loop(0, RPT // 4, zero_body, 0)
    pltpu.sync_copy(stage_v, agg_sh.at[pl.ds(s * RPT, RPT)])
    pltpu.sync_copy(ed_hbm.at[pl.ds(wid * CPWA, CPWA)], src_v)
    mask16 = jnp.full((L,), 0xFFFF, jnp.int32)

    def unpack_body(i, _):
        b = i * 2 * L
        for u in range(2):
            r = (b + u * L) // K
            o = (b + u * L) % K
            w = src_v[r, pl.ds(o, L)]
            dst_v[r, pl.ds(o, L)] = lax.shift_right_logical(w, 16)
            src_v[r, pl.ds(o, L)] = jnp.bitwise_and(w, mask16)
        return 0

    lax.fori_loop(0, CPWA * K // (2 * L), unpack_body, 0)
    plsc.subcore_barrier()

    for u in range(DEPTH):
        pltpu.async_copy(h_hbm.at[src_v.at[u]], rows[u], sem_g[u])

    def body(k, _):
        for u in range(NSLOT):
            j = NSLOT * k + u
            pltpu.make_async_copy(h_hbm.at[src_v.at[j]], rows[u],
                                  sem_g[u]).wait()
            pltpu.async_copy(rows[u], agg_sh.at[dst_v.at[j]], sem_s[u],
                             add=True)
            v = (u + DEPTH) % NSLOT
            jn = j + DEPTH

            @pl.when(jn < CPWA)
            def _():
                @pl.when(jn >= NSLOT)
                def _():
                    pltpu.make_async_copy(
                        rows[v], agg_sh.at[dst_v.at[jn - NSLOT]],
                        sem_s[v]).wait()

                pltpu.async_copy(h_hbm.at[src_v.at[jn]], rows[v], sem_g[v])
        return 0

    lax.fori_loop(0, CPWA // NSLOT, body, 0)
    for u in range(NSLOT):
        j = CPWA - NSLOT + u
        pltpu.make_async_copy(rows[u if (j % NSLOT) == u else (j % NSLOT)],
                              agg_sh.at[dst_v.at[j]],
                              sem_s[j % NSLOT]).wait()
    plsc.subcore_barrier()
    pltpu.sync_copy(agg_sh.at[pl.ds(s * RPT, RPT)], stage_v)
    pltpu.sync_copy(stage_v, out_hbm.at[c, pl.ds(s * RPT, RPT)])


def _prep_body(deg_ref, x_ref, w1_ref, scales_ref, h1_ref):
    deg = jnp.sum(deg_ref[...], axis=1)
    sc = lax.rsqrt(jnp.maximum(deg, 1.0))
    sc_t = sc.T[:N]
    scales_ref[...] = sc_t
    h1_ref[pl.ds(0, N)] = jnp.dot(x_ref[...] * sc_t[:, 0:1], w1_ref[...],
                                  preferred_element_type=jnp.float32)
    h1_ref[pl.ds(N, NPAD - N)] = jnp.zeros((NPAD - N, H), jnp.float32)


_prep = pl.pallas_call(
    _prep_body,
    out_shape=(
        jax.ShapeDtypeStruct((N, 2), jnp.float32),
        jax.ShapeDtypeStruct((NPAD, H), jnp.float32),
    ),
)


def _post1_body(parts_ref, scales_ref, b1_ref, w2_ref, h2_ref):
    agg = parts_ref[0][:N]
    scn = scales_ref[...]
    t = jnp.maximum(agg * scn[:, 1:2] + b1_ref[...], 0.0)
    h2_ref[pl.ds(0, N)] = jnp.dot(t * scn[:, 0:1], w2_ref[...],
                                  preferred_element_type=jnp.float32)
    h2_ref[pl.ds(N, NPAD - N)] = jnp.zeros((NPAD - N, H), jnp.float32)


_post1 = pl.pallas_call(
    _post1_body,
    out_shape=jax.ShapeDtypeStruct((NPAD, H), jnp.float32),
)


def _post2_body(parts_ref, scales_ref, b2_ref, mw1_ref, mb1_ref, mw2_ref,
                mb2_ref, out_ref):
    agg = parts_ref[0][:N]
    scn = scales_ref[...]
    t = jnp.maximum(agg * scn[:, 1:2] + b2_ref[...], 0.0)
    m = jnp.maximum(
        jnp.dot(t, mw1_ref[...], preferred_element_type=jnp.float32)
        + mb1_ref[...], 0.0)
    out_ref[...] = (jnp.dot(m, mw2_ref[...], preferred_element_type=jnp.float32)
                    + mb2_ref[...])


_post2 = pl.pallas_call(
    _post2_body,
    out_shape=jax.ShapeDtypeStruct((N, C), jnp.float32),
)


def kernel(edge_index, x, W1, b1, W2, b2, mW1, mb1, mW2, mb2):
    pad = jnp.full((EPAD - E,), N, jnp.int32)
    src = jnp.concatenate([edge_index[0].astype(jnp.int32), pad])
    dst = jnp.concatenate([edge_index[1].astype(jnp.int32), pad])
    packed = jnp.bitwise_or(src, dst << 16)
    packed2d = packed.reshape(NCHUNK, K)

    deg_parts = _deg_kernel(packed)
    scales, h1 = _prep(deg_parts, x, W1)
    parts1 = _agg_kernel(h1, packed2d)
    h2 = _post1(parts1, scales, b1, W2)
    parts2 = _agg_kernel(h2, packed2d)
    out = _post2(parts2, scales, b2, mW1, mb1, mW2, mb2)
    return out

# --- scband reference (transcript-rebuilt; emitter-appended) ---
"""Pipeline reference for scband-gcn-25159918420461 (READ-ONLY COPY).

The authoritative reference and input builder live on the scoring server;
editing this copy changes nothing except your own understanding.
"""

import jax, jax.numpy as jnp
import numpy as np

N = 10000
E = 320000
D = 128
H = 32
C = 2


def setup_inputs(seed: int = 0) -> dict:
    key = jax.random.key(seed)
    ks = jax.random.split(key, 12)
    x = jax.random.normal(ks[0], (N, D), dtype=jnp.float32)
    edge_index = jax.random.randint(ks[1], (2, E), 0, N)
    # GraphConv layer 1: in=128 -> h=32
    W1 = jax.random.normal(ks[2], (D, H), dtype=jnp.float32) * (1.0 / np.sqrt(D))
    b1 = jnp.zeros((H,), dtype=jnp.float32)
    # GraphConv layer 2: h=32 -> h=32
    W2 = jax.random.normal(ks[3], (H, H), dtype=jnp.float32) * (1.0 / np.sqrt(H))
    b2 = jnp.zeros((H,), dtype=jnp.float32)
    # MLP: 32 -> 32 -> 2
    mW1 = jax.random.normal(ks[4], (H, H), dtype=jnp.float32) * (1.0 / np.sqrt(H))
    mb1 = jnp.zeros((H,), dtype=jnp.float32)
    mW2 = jax.random.normal(ks[5], (H, C), dtype=jnp.float32) * (1.0 / np.sqrt(H))
    mb2 = jnp.zeros((C,), dtype=jnp.float32)
    return {"edge_index": edge_index, "x": x, "W1": W1, "b1": b1, "W2": W2, "b2": b2,
            "mW1": mW1, "mb1": mb1, "mW2": mW2, "mb2": mb2}


def _graph_conv(h, W, b, src, dst, dout_isqrt, din_isqrt):
    # DGL GraphConv with norm='both': D_out^{-1/2} applied to src feats,
    # linear transform, sum-aggregate over edges, D_in^{-1/2} on dst, bias, ReLU.
    h = h * dout_isqrt
    h = h @ W
    msg = jnp.take(h, src, axis=0)
    agg = jax.ops.segment_sum(msg, dst, num_segments=N)
    agg = agg * din_isqrt
    return jax.nn.relu(agg + b)


def reference(edge_index, x, W1, b1, W2, b2, mW1, mb1, mW2, mb2):
    src = edge_index[0]
    dst = edge_index[1]
    deg_out = jnp.bincount(src, length=N).astype(jnp.float32)
    deg_in = jnp.bincount(dst, length=N).astype(jnp.float32)
    dout_isqrt = (jnp.clip(deg_out, 1.0, None) ** -0.5)[:, None]
    din_isqrt = (jnp.clip(deg_in, 1.0, None) ** -0.5)[:, None]
    h = _graph_conv(x, W1, b1, src, dst, dout_isqrt, din_isqrt)
    h = _graph_conv(h, W2, b2, src, dst, dout_isqrt, din_isqrt)
    # MLP head: Linear -> ReLU -> Linear
    h = jax.nn.relu(h @ mW1 + mb1)
    out = h @ mW2 + mb2
    return out

if __name__ == "__main__":
    import jax
    _d = setup_inputs()
    print(jax.jit(kernel)(*tuple(_d.values())))

</pallas_src>

<mosaic_0001>
#map = affine_map<(d0, d1) -> (0, 0)>
#map1 = affine_map<(d0, d1) -> (0, 0, 0)>
module attributes {stable_mosaic.version = 14 : i64} {
  func.func @_agg_kernel(%arg0: i32, %arg1: i32, %arg2: memref<10240x32xf32, #tpu.memory_space<hbm>>, %arg3: memref<2560x128xi32, #tpu.memory_space<hbm>>, %arg4: memref<1x10240x32xf32, #tpu.memory_space<hbm>>, %arg5: memref<10240x32xf32, #tpu.memory_space<vmem_shared>>, %arg6: memref<160x128xi32, #tpu.memory_space<vmem>>, %arg7: memref<160x128xi32, #tpu.memory_space<vmem>>, %arg8: memref<128x32xf32, #tpu.memory_space<vmem>>, %arg9: memref<128x32xf32, #tpu.memory_space<vmem>>, %arg10: memref<128x32xf32, #tpu.memory_space<vmem>>, %arg11: memref<128x32xf32, #tpu.memory_space<vmem>>, %arg12: memref<128x32xf32, #tpu.memory_space<vmem>>, %arg13: memref<128x32xf32, #tpu.memory_space<vmem>>, %arg14: memref<128x32xf32, #tpu.memory_space<vmem>>, %arg15: memref<128x32xf32, #tpu.memory_space<vmem>>, %arg16: memref<128x32xf32, #tpu.memory_space<vmem>>, %arg17: memref<128x32xf32, #tpu.memory_space<vmem>>, %arg18: memref<640x32xf32, #tpu.memory_space<vmem>>, %arg19: memref<!tpu.dma_semaphore, #tpu.memory_space<semaphore_mem>>, %arg20: memref<!tpu.dma_semaphore, #tpu.memory_space<semaphore_mem>>, %arg21: memref<!tpu.dma_semaphore, #tpu.memory_space<semaphore_mem>>, %arg22: memref<!tpu.dma_semaphore, #tpu.memory_space<semaphore_mem>>, %arg23: memref<!tpu.dma_semaphore, #tpu.memory_space<semaphore_mem>>, %arg24: memref<!tpu.dma_semaphore, #tpu.memory_space<semaphore_mem>>, %arg25: memref<!tpu.dma_semaphore, #tpu.memory_space<semaphore_mem>>, %arg26: memref<!tpu.dma_semaphore, #tpu.memory_space<semaphore_mem>>, %arg27: memref<!tpu.dma_semaphore, #tpu.memory_space<semaphore_mem>>, %arg28: memref<!tpu.dma_semaphore, #tpu.memory_space<semaphore_mem>>, %arg29: memref<!tpu.dma_semaphore, #tpu.memory_space<semaphore_mem>>, %arg30: memref<!tpu.dma_semaphore, #tpu.memory_space<semaphore_mem>>, %arg31: memref<!tpu.dma_semaphore, #tpu.memory_space<semaphore_mem>>, %arg32: memref<!tpu.dma_semaphore, #tpu.memory_space<semaphore_mem>>, %arg33: memref<!tpu.dma_semaphore, #tpu.memory_space<semaphore_mem>>, %arg34: memref<!tpu.dma_semaphore, #tpu.memory_space<semaphore_mem>>, %arg35: memref<!tpu.dma_semaphore, #tpu.memory_space<semaphore_mem>>, %arg36: memref<!tpu.dma_semaphore, #tpu.memory_space<semaphore_mem>>, %arg37: memref<!tpu.dma_semaphore, #tpu.memory_space<semaphore_mem>>, %arg38: memref<!tpu.dma_semaphore, #tpu.memory_space<semaphore_mem>>) attributes {dimension_semantics = [#tpu.dimension_semantics<core_parallel>, #tpu.dimension_semantics<subcore_parallel>], iteration_bounds = array<i64: 1, 16>, scalar_prefetch = 0 : i64, scratch_operands = 34 : i64, tpu.core_type = #tpu.core_type<sc_vector_subcore>, window_params = [{transform_indices = #map}, {transform_indices = #map}, {transform_indices = #map1}]} {
    %mul3A = arith.constant 1 : i32
    %mul3A_0 = arith.muli %arg1, %mul3A : i32
    %add3A = arith.addi %mul3A_0, %arg0 : i32
    %broadcast_in_dim3A = arith.constant 0.000000e+00 : f32
    %broadcast_in_dim3A_1 = vector.broadcast %broadcast_in_dim3A : f32 to vector<16xf32>
    %scan3A = arith.constant 0 : i32
    %scan3A_2 = arith.constant 0 : i32
    %scan3A_3 = arith.constant 160 : i32
    %scan3A_4 = arith.addi %scan3A_2, %scan3A_3 : i32
    %scan3A_5 = arith.constant 1 : i32
    %scan3A_6 = scf.for %scan3A_136 = %scan3A_2 to %scan3A_4 step %scan3A_5 iter_args(%scan3A_137 = %scan3A) -> (i32)  : i32 {
      %mul3A_138 = arith.constant 4 : i32
      %mul3A_139 = arith.muli %scan3A_136, %mul3A_138 : i32
      %add3A_140 = arith.constant 0 : i32
      %add3A_141 = arith.addi %mul3A_139, %add3A_140 : i32
      %swap3A = arith.index_cast %add3A_141 : i32 to index
      %swap3A_142 = arith.constant 0 : index
      %swap3A_143 = tpu.vector_load %arg18[%swap3A, %swap3A_142] {strides = array<i32>} : memref<640x32xf32, #tpu.memory_space<vmem>>, vector<16xf32>,
      tpu.vector_store %arg18[%swap3A, %swap3A_142], %broadcast_in_dim3A_1 {strides = array<i32>} : memref<640x32xf32, #tpu.memory_space<vmem>>, vector<16xf32>,
      %add3A_144 = arith.constant 0 : i32
      %add3A_145 = arith.addi %mul3A_139, %add3A_144 : i32
      %swap3A_146 = arith.index_cast %add3A_145 : i32 to index
      %swap3A_147 = arith.constant 16 : index
      %swap3A_148 = tpu.vector_load %arg18[%swap3A_146, %swap3A_147] {strides = array<i32>} : memref<640x32xf32, #tpu.memory_space<vmem>>, vector<16xf32>,
      tpu.vector_store %arg18[%swap3A_146, %swap3A_147], %broadcast_in_dim3A_1 {strides = array<i32>} : memref<640x32xf32, #tpu.memory_space<vmem>>, vector<16xf32>,
      %add3A_149 = arith.constant 1 : i32
      %add3A_150 = arith.addi %mul3A_139, %add3A_149 : i32
      %swap3A_151 = arith.index_cast %add3A_150 : i32 to index
      %swap3A_152 = arith.constant 0 : index
      %swap3A_153 = tpu.vector_load %arg18[%swap3A_151, %swap3A_152] {strides = array<i32>} : memref<640x32xf32, #tpu.memory_space<vmem>>, vector<16xf32>,
      tpu.vector_store %arg18[%swap3A_151, %swap3A_152], %broadcast_in_dim3A_1 {strides = array<i32>} : memref<640x32xf32, #tpu.memory_space<vmem>>, vector<16xf32>,
      %add3A_154 = arith.constant 1 : i32
      %add3A_155 = arith.addi %mul3A_139, %add3A_154 : i32
      %swap3A_156 = arith.index_cast %add3A_155 : i32 to index
      %swap3A_157 = arith.constant 16 : index
      %swap3A_158 = tpu.vector_load %arg18[%swap3A_156, %swap3A_157] {strides = array<i32>} : memref<640x32xf32, #tpu.memory_space<vmem>>, vector<16xf32>,
      tpu.vector_store %arg18[%swap3A_156, %swap3A_157], %broadcast_in_dim3A_1 {strides = array<i32>} : memref<640x32xf32, #tpu.memory_space<vmem>>, vector<16xf32>,
      %add3A_159 = arith.constant 2 : i32
      %add3A_160 = arith.addi %mul3A_139, %add3A_159 : i32
      %swap3A_161 = arith.index_cast %add3A_160 : i32 to index
      %swap3A_162 = arith.constant 0 : index
      %swap3A_163 = tpu.vector_load %arg18[%swap3A_161, %swap3A_162] {strides = array<i32>} : memref<640x32xf32, #tpu.memory_space<vmem>>, vector<16xf32>,
      tpu.vector_store %arg18[%swap3A_161, %swap3A_162], %broadcast_in_dim3A_1 {strides = array<i32>} : memref<640x32xf32, #tpu.memory_space<vmem>>, vector<16xf32>,
      %add3A_164 = arith.constant 2 : i32
      %add3A_165 = arith.addi %mul3A_139, %add3A_164 : i32
      %swap3A_166 = arith.index_cast %add3A_165 : i32 to index
      %swap3A_167 = arith.constant 16 : index
      %swap3A_168 = tpu.vector_load %arg18[%swap3A_166, %swap3A_167] {strides = array<i32>} : memref<640x32xf32, #tpu.memory_space<vmem>>, vector<16xf32>,
      tpu.vector_store %arg18[%swap3A_166, %swap3A_167], %broadcast_in_dim3A_1 {strides = array<i32>} : memref<640x32xf32, #tpu.memory_space<vmem>>, vector<16xf32>,
      %add3A_169 = arith.constant 3 : i32
      %add3A_170 = arith.addi %mul3A_139, %add3A_169 : i32
      %swap3A_171 = arith.index_cast %add3A_170 : i32 to index
      %swap3A_172 = arith.constant 0 : index
      %swap3A_173 = tpu.vector_load %arg18[%swap3A_171, %swap3A_172] {strides = array<i32>} : memref<640x32xf32, #tpu.memory_space<vmem>>, vector<16xf32>,
      tpu.vector_store %arg18[%swap3A_171, %swap3A_172], %broadcast_in_dim3A_1 {strides = array<i32>} : memref<640x32xf32, #tpu.memory_space<vmem>>, vector<16xf32>,
      %add3A_174 = arith.constant 3 : i32
      %add3A_175 = arith.addi %mul3A_139, %add3A_174 : i32
      %swap3A_176 = arith.index_cast %add3A_175 : i32 to index
      %swap3A_177 = arith.constant 16 : index
      %swap3A_178 = tpu.vector_load %arg18[%swap3A_176, %swap3A_177] {strides = array<i32>} : memref<640x32xf32, #tpu.memory_space<vmem>>, vector<16xf32>,
      tpu.vector_store %arg18[%swap3A_176, %swap3A_177], %broadcast_in_dim3A_1 {strides = array<i32>} : memref<640x32xf32, #tpu.memory_space<vmem>>, vector<16xf32>,
      %scan3A_179 = arith.constant 0 : i32
      scf.yield %scan3A_179 : i32
    }
    %scan3A_7 = arith.constant 160 : i32
    %mul3A_8 = arith.constant 640 : i32
    %mul3A_9 = arith.muli %arg1, %mul3A_8 : i32
    "tpu.region"() ({
      %run_scoped3A = tpu.sem_alloc : memref<!tpu.dma_semaphore, #tpu.memory_space<semaphore_mem>>
      %dma_start3A_136 = arith.constant 0 : i32
      %dma_start3A_137 = tpu.memref_slice %arg5[%mul3A_9, %dma_start3A_136] : memref<10240x32xf32, #tpu.memory_space<vmem_shared>> -> memref<640x32xf32, #tpu.memory_space<vmem_shared>>
      %dma_start3A_138 = arith.constant 0 : i32
      %dma_start3A_139 = tpu.memref_slice %arg5[%mul3A_9, %dma_start3A_138] : memref<10240x32xf32, #tpu.memory_space<vmem_shared>> -> memref<640x32xf32, #tpu.memory_space<vmem_shared>>
      tpu.enqueue_dma source(%arg18 : memref<640x32xf32, #tpu.memory_space<vmem>>) target(%dma_start3A_139 : memref<640x32xf32, #tpu.memory_space<vmem_shared>>) target_semaphore(%run_scoped3A : memref<!tpu.dma_semaphore, #tpu.memory_space<semaphore_mem>>)
      %dma_wait3A_140 = arith.constant 0 : i32
      %dma_wait3A_141 = tpu.memref_slice %arg5[%mul3A_9, %dma_wait3A_140] : memref<10240x32xf32, #tpu.memory_space<vmem_shared>> -> memref<640x32xf32, #tpu.memory_space<vmem_shared>>
      %dma_wait3A_142 = arith.constant 0 : i32
      %dma_wait3A_143 = tpu.memref_slice %arg5[%mul3A_9, %dma_wait3A_142] : memref<10240x32xf32, #tpu.memory_space<vmem_shared>> -> memref<640x32xf32, #tpu.memory_space<vmem_shared>>
      tpu.wait_dma2 semaphore(%run_scoped3A : memref<!tpu.dma_semaphore, #tpu.memory_space<semaphore_mem>>) src(%arg18 : memref<640x32xf32, #tpu.memory_space<vmem>>) dst(%dma_wait3A_143 : memref<640x32xf32, #tpu.memory_space<vmem_shared>>)
      tpu.yield
    }) : () -> ()
    %mul3A_10 = arith.constant 160 : i32
    %mul3A_11 = arith.muli %add3A, %mul3A_10 : i32
    "tpu.region"() ({
      %run_scoped3A = tpu.sem_alloc : memref<!tpu.dma_semaphore, #tpu.memory_space<semaphore_mem>>
      %dma_start3A_136 = arith.constant 0 : i32
      %dma_start3A_137 = tpu.memref_slice %arg3[%mul3A_11, %dma_start3A_136] : memref<2560x128xi32, #tpu.memory_space<hbm>> -> memref<160x128xi32, #tpu.memory_space<hbm>>
      %dma_start3A_138 = arith.constant 0 : i32
      %dma_start3A_139 = tpu.memref_slice %arg3[%mul3A_11, %dma_start3A_138] : memref<2560x128xi32, #tpu.memory_space<hbm>> -> memref<160x128xi32, #tpu.memory_space<hbm>>
      tpu.enqueue_dma source(%dma_start3A_139 : memref<160x128xi32, #tpu.memory_space<hbm>>) target(%arg6 : memref<160x128xi32, #tpu.memory_space<vmem>>) target_semaphore(%run_scoped3A : memref<!tpu.dma_semaphore, #tpu.memory_space<semaphore_mem>>)
      %dma_wait3A_140 = arith.constant 0 : i32
      %dma_wait3A_141 = tpu.memref_slice %arg3[%mul3A_11, %dma_wait3A_140] : memref<2560x128xi32, #tpu.memory_space<hbm>> -> memref<160x128xi32, #tpu.memory_space<hbm>>
      %dma_wait3A_142 = arith.constant 0 : i32
      %dma_wait3A_143 = tpu.memref_slice %arg3[%mul3A_11, %dma_wait3A_142] : memref<2560x128xi32, #tpu.memory_space<hbm>> -> memref<160x128xi32, #tpu.memory_space<hbm>>
      tpu.wait_dma2 semaphore(%run_scoped3A : memref<!tpu.dma_semaphore, #tpu.memory_space<semaphore_mem>>) src(%dma_wait3A_143 : memref<160x128xi32, #tpu.memory_space<hbm>>) dst(%arg6 : memref<160x128xi32, #tpu.memory_space<vmem>>)
      tpu.yield
    }) : () -> ()
    %broadcast_in_dim3A_12 = arith.constant 65535 : i32
    %broadcast_in_dim3A_13 = vector.broadcast %broadcast_in_dim3A_12 : i32 to vector<16xi32>
    %scan3A_14 = arith.constant 0 : i32
    %scan3A_15 = arith.constant 0 : i32
    %scan3A_16 = arith.constant 640 : i32
    %scan3A_17 = arith.addi %scan3A_15, %scan3A_16 : i32
    %scan3A_18 = arith.constant 1 : i32
    %scan3A_19 = scf.for %scan3A_136 = %scan3A_15 to %scan3A_17 step %scan3A_18 iter_args(%scan3A_137 = %scan3A_14) -> (i32)  : i32 {
      %mul3A_138 = arith.constant 2 : i32
      %mul3A_139 = arith.muli %scan3A_136, %mul3A_138 : i32
      %mul3A_140 = arith.constant 16 : i32
      %mul3A_141 = arith.muli %mul3A_139, %mul3A_140 : i32
      %add3A_142 = arith.constant 0 : i32
      %add3A_143 = arith.addi %mul3A_141, %add3A_142 : i32
      %jit3A = arith.constant 128 : i32
      %div3A = arith.divsi %add3A_143, %jit3A : i32
      %sign3A = arith.constant 0 : i32
      %sign3A_144 = arith.cmpi sgt, %add3A_143, %sign3A : i32
      %sign3A_145 = arith.extui %sign3A_144 : i1 to i32
      %sign3A_146 = arith.constant 0 : i32
      %sign3A_147 = arith.cmpi slt, %add3A_143, %sign3A_146 : i32
      %sign3A_148 = arith.extui %sign3A_147 : i1 to i32
      %sign3A_149 = arith.subi %sign3A_145, %sign3A_148 : i32
      %sign3A_150 = arith.constant 0 : i32
      %sign3A_151 = arith.cmpi sgt, %jit3A, %sign3A_150 : i32
      %sign3A_152 = arith.extui %sign3A_151 : i1 to i32
      %sign3A_153 = arith.constant 0 : i32
      %sign3A_154 = arith.cmpi slt, %jit3A, %sign3A_153 : i32
      %sign3A_155 = arith.extui %sign3A_154 : i1 to i32
      %sign3A_156 = arith.subi %sign3A_152, %sign3A_155 : i32
      %ne3A = arith.cmpi ne, %sign3A_149, %sign3A_156 : i32
      %rem3A = arith.remsi %add3A_143, %jit3A : i32
      %ne3A_157 = arith.constant 0 : i32
      %ne3A_158 = arith.cmpi ne, %rem3A, %ne3A_157 : i32
      %and3A = arith.andi %ne3A, %ne3A_158 : i1
      %sub3A = arith.constant 1 : i32
      %sub3A_159 = arith.subi %div3A, %sub3A : i32
      %select_n3A = arith.select %and3A, %sub3A_159, %div3A : i32
      %add3A_160 = arith.constant 0 : i32
      %add3A_161 = arith.addi %mul3A_141, %add3A_160 : i32
      %jit3A_162 = arith.constant 128 : i32
      %eq3A = arith.constant 0 : i32
      %eq3A_163 = arith.cmpi eq, %jit3A_162, %eq3A : i32
      %jit3A_164 = arith.constant 1 : i32
      %select_n3A_165 = arith.select %eq3A_163, %jit3A_164, %jit3A_162 : i32
      %rem3A_166 = arith.remsi %add3A_161, %select_n3A_165 : i32
      %ne3A_167 = arith.constant 0 : i32
      %ne3A_168 = arith.cmpi ne, %rem3A_166, %ne3A_167 : i32
      %lt3A = arith.constant 0 : i32
      %lt3A_169 = arith.cmpi slt, %rem3A_166, %lt3A : i32
      %lt3A_170 = arith.constant 0 : i32
      %lt3A_171 = arith.cmpi slt, %select_n3A_165, %lt3A_170 : i32
      %ne3A_172 = arith.xori %lt3A_169, %lt3A_171 : i1
      %and3A_173 = arith.andi %ne3A_172, %ne3A_168 : i1
      %add3A_174 = arith.addi %rem3A_166, %select_n3A_165 : i32
      %select_n3A_175 = arith.select %and3A_173, %add3A_174, %rem3A_166 : i32
      %get3A = arith.index_cast %select_n3A : i32 to index
      %get3A_176 = arith.index_cast %select_n3A_175 : i32 to index
      %get3A_177 = tpu.vector_load %arg6[%get3A, %get3A_176] {strides = array<i32>} : memref<160x128xi32, #tpu.memory_space<vmem>>, vector<16xi32>,
      %shift_right_logical3A = arith.constant 16 : i32
      %shift_right_logical3A_178 = vector.broadcast %shift_right_logical3A : i32 to vector<16xi32>
      %shift_right_logical3A_179 = arith.shrui %get3A_177, %shift_right_logical3A_178 : vector<16xi32>
      %swap3A = arith.index_cast %select_n3A : i32 to index
      %swap3A_180 = arith.index_cast %select_n3A_175 : i32 to index
      %swap3A_181 = tpu.vector_load %arg7[%swap3A, %swap3A_180] {strides = array<i32>} : memref<160x128xi32, #tpu.memory_space<vmem>>, vector<16xi32>,
      tpu.vector_store %arg7[%swap3A, %swap3A_180], %shift_right_logical3A_179 {strides = array<i32>} : memref<160x128xi32, #tpu.memory_space<vmem>>, vector<16xi32>,
      %and3A_182 = arith.andi %get3A_177, %broadcast_in_dim3A_13 : vector<16xi32>
      %swap3A_183 = arith.index_cast %select_n3A : i32 to index
      %swap3A_184 = arith.index_cast %select_n3A_175 : i32 to index
      %swap3A_185 = tpu.vector_load %arg6[%swap3A_183, %swap3A_184] {strides = array<i32>} : memref<160x128xi32, #tpu.memory_space<vmem>>, vector<16xi32>,
      tpu.vector_store %arg6[%swap3A_183, %swap3A_184], %and3A_182 {strides = array<i32>} : memref<160x128xi32, #tpu.memory_space<vmem>>, vector<16xi32>,
      %add3A_186 = arith.constant 16 : i32
      %add3A_187 = arith.addi %mul3A_141, %add3A_186 : i32
      %jit3A_188 = arith.constant 128 : i32
      %div3A_189 = arith.divsi %add3A_187, %jit3A_188 : i32
      %sign3A_190 = arith.constant 0 : i32
      %sign3A_191 = arith.cmpi sgt, %add3A_187, %sign3A_190 : i32
      %sign3A_192 = arith.extui %sign3A_191 : i1 to i32
      %sign3A_193 = arith.constant 0 : i32
      %sign3A_194 = arith.cmpi slt, %add3A_187, %sign3A_193 : i32
      %sign3A_195 = arith.extui %sign3A_194 : i1 to i32
      %sign3A_196 = arith.subi %sign3A_192, %sign3A_195 : i32
      %sign3A_197 = arith.constant 0 : i32
      %sign3A_198 = arith.cmpi sgt, %jit3A_188, %sign3A_197 : i32
      %sign3A_199 = arith.extui %sign3A_198 : i1 to i32
      %sign3A_200 = arith.constant 0 : i32
      %sign3A_201 = arith.cmpi slt, %jit3A_188, %sign3A_200 : i32
      %sign3A_202 = arith.extui %sign3A_201 : i1 to i32
      %sign3A_203 = arith.subi %sign3A_199, %sign3A_202 : i32
      %ne3A_204 = arith.cmpi ne, %sign3A_196, %sign3A_203 : i32
      %rem3A_205 = arith.remsi %add3A_187, %jit3A_188 : i32
      %ne3A_206 = arith.constant 0 : i32
      %ne3A_207 = arith.cmpi ne, %rem3A_205, %ne3A_206 : i32
      %and3A_208 = arith.andi %ne3A_204, %ne3A_207 : i1
      %sub3A_209 = arith.constant 1 : i32
      %sub3A_210 = arith.subi %div3A_189, %sub3A_209 : i32
      %select_n3A_211 = arith.select %and3A_208, %sub3A_210, %div3A_189 : i32
      %add3A_212 = arith.constant 16 : i32
      %add3A_213 = arith.addi %mul3A_141, %add3A_212 : i32
      %jit3A_214 = arith.constant 128 : i32
      %eq3A_215 = arith.constant 0 : i32
      %eq3A_216 = arith.cmpi eq, %jit3A_214, %eq3A_215 : i32
      %jit3A_217 = arith.constant 1 : i32
      %select_n3A_218 = arith.select %eq3A_216, %jit3A_217, %jit3A_214 : i32
      %rem3A_219 = arith.remsi %add3A_213, %select_n3A_218 : i32
      %ne3A_220 = arith.constant 0 : i32
      %ne3A_221 = arith.cmpi ne, %rem3A_219, %ne3A_220 : i32
      %lt3A_222 = arith.constant 0 : i32
      %lt3A_223 = arith.cmpi slt, %rem3A_219, %lt3A_222 : i32
      %lt3A_224 = arith.constant 0 : i32
      %lt3A_225 = arith.cmpi slt, %select_n3A_218, %lt3A_224 : i32
      %ne3A_226 = arith.xori %lt3A_223, %lt3A_225 : i1
      %and3A_227 = arith.andi %ne3A_226, %ne3A_221 : i1
      %add3A_228 = arith.addi %rem3A_219, %select_n3A_218 : i32
      %select_n3A_229 = arith.select %and3A_227, %add3A_228, %rem3A_219 : i32
      %get3A_230 = arith.index_cast %select_n3A_211 : i32 to index
      %get3A_231 = arith.index_cast %select_n3A_229 : i32 to index
      %get3A_232 = tpu.vector_load %arg6[%get3A_230, %get3A_231] {strides = array<i32>} : memref<160x128xi32, #tpu.memory_space<vmem>>, vector<16xi32>,
      %shift_right_logical3A_233 = arith.constant 16 : i32
      %shift_right_logical3A_234 = vector.broadcast %shift_right_logical3A_233 : i32 to vector<16xi32>
      %shift_right_logical3A_235 = arith.shrui %get3A_232, %shift_right_logical3A_234 : vector<16xi32>
      %swap3A_236 = arith.index_cast %select_n3A_211 : i32 to index
      %swap3A_237 = arith.index_cast %select_n3A_229 : i32 to index
      %swap3A_238 = tpu.vector_load %arg7[%swap3A_236, %swap3A_237] {strides = array<i32>} : memref<160x128xi32, #tpu.memory_space<vmem>>, vector<16xi32>,
      tpu.vector_store %arg7[%swap3A_236, %swap3A_237], %shift_right_logical3A_235 {strides = array<i32>} : memref<160x128xi32, #tpu.memory_space<vmem>>, vector<16xi32>,
      %and3A_239 = arith.andi %get3A_232, %broadcast_in_dim3A_13 : vector<16xi32>
      %swap3A_240 = arith.index_cast %select_n3A_211 : i32 to index
      %swap3A_241 = arith.index_cast %select_n3A_229 : i32 to index
      %swap3A_242 = tpu.vector_load %arg6[%swap3A_240, %swap3A_241] {strides = array<i32>} : memref<160x128xi32, #tpu.memory_space<vmem>>, vector<16xi32>,
      tpu.vector_store %arg6[%swap3A_240, %swap3A_241], %and3A_239 {strides = array<i32>} : memref<160x128xi32, #tpu.memory_space<vmem>>, vector<16xi32>,
      %scan3A_243 = arith.constant 0 : i32
      scf.yield %scan3A_243 : i32
    }
    %scan3A_20 = arith.constant 640 : i32
    %barrier3A = arith.constant 0 : index
    tpu.barrier barrier_id(%barrier3A)
    %dma_start3A = arith.constant 0 : i32
    %dma_start3A_21 = arith.constant 0 : i32
    %dma_start3A_22 = tpu.memref_slice %arg6[%dma_start3A, %dma_start3A_21] : memref<160x128xi32, #tpu.memory_space<vmem>> -> memref<1x128xi32, #tpu.memory_space<vmem>>
    %dma_start3A_23 = tpu.memref_squeeze %dma_start3A_22 : memref<1x128xi32, #tpu.memory_space<vmem>> -> memref<128xi32, #tpu.memory_space<vmem>>
    %dma_start3A_24 = arith.constant 0 : i32
    %dma_start3A_25 = arith.constant 0 : i32
    %dma_start3A_26 = tpu.memref_slice %arg2[%dma_start3A_24, %dma_start3A_25] : memref<10240x32xf32, #tpu.memory_space<hbm>> -> memref<10240x32xf32, #tpu.memory_space<hbm>>
    tpu.enqueue_indirect_dma source(%dma_start3A_26 : memref<10240x32xf32, #tpu.memory_space<hbm>>) target(%arg8 : memref<128x32xf32, #tpu.memory_space<vmem>>) offsets(%dma_start3A_23 : memref<128xi32, #tpu.memory_space<vmem>>) semaphore(%arg19 : memref<!tpu.dma_semaphore, #tpu.memory_space<semaphore_mem>>)
    %dma_start3A_27 = arith.constant 1 : i32
    %dma_start3A_28 = arith.constant 0 : i32
    %dma_start3A_29 = tpu.memref_slice %arg6[%dma_start3A_27, %dma_start3A_28] : memref<160x128xi32, #tpu.memory_space<vmem>> -> memref<1x128xi32, #tpu.memory_space<vmem>>
    %dma_start3A_30 = tpu.memref_squeeze %dma_start3A_29 : memref<1x128xi32, #tpu.memory_space<vmem>> -> memref<128xi32, #tpu.memory_space<vmem>>
    %dma_start3A_31 = arith.constant 0 : i32
    %dma_start3A_32 = arith.constant 0 : i32
    %dma_start3A_33 = tpu.memref_slice %arg2[%dma_start3A_31, %dma_start3A_32] : memref<10240x32xf32, #tpu.memory_space<hbm>> -> memref<10240x32xf32, #tpu.memory_space<hbm>>
    tpu.enqueue_indirect_dma source(%dma_start3A_33 : memref<10240x32xf32, #tpu.memory_space<hbm>>) target(%arg9 : memref<128x32xf32, #tpu.memory_space<vmem>>) offsets(%dma_start3A_30 : memref<128xi32, #tpu.memory_space<vmem>>) semaphore(%arg20 : memref<!tpu.dma_semaphore, #tpu.memory_space<semaphore_mem>>)
    %dma_start3A_34 = arith.constant 2 : i32
    %dma_start3A_35 = arith.constant 0 : i32
    %dma_start3A_36 = tpu.memref_slice %arg6[%dma_start3A_34, %dma_start3A_35] : memref<160x128xi32, #tpu.memory_space<vmem>> -> memref<1x128xi32, #tpu.memory_space<vmem>>
    %dma_start3A_37 = tpu.memref_squeeze %dma_start3A_36 : memref<1x128xi32, #tpu.memory_space<vmem>> -> memref<128xi32, #tpu.memory_space<vmem>>
    %dma_start3A_38 = arith.constant 0 : i32
    %dma_start3A_39 = arith.constant 0 : i32
    %dma_start3A_40 = tpu.memref_slice %arg2[%dma_start3A_38, %dma_start3A_39] : memref<10240x32xf32, #tpu.memory_space<hbm>> -> memref<10240x32xf32, #tpu.memory_space<hbm>>
    tpu.enqueue_indirect_dma source(%dma_start3A_40 : memref<10240x32xf32, #tpu.memory_space<hbm>>) target(%arg10 : memref<128x32xf32, #tpu.memory_space<vmem>>) offsets(%dma_start3A_37 : memref<128xi32, #tpu.memory_space<vmem>>) semaphore(%arg21 : memref<!tpu.dma_semaphore, #tpu.memory_space<semaphore_mem>>)
    %dma_start3A_41 = arith.constant 3 : i32
    %dma_start3A_42 = arith.constant 0 : i32
    %dma_start3A_43 = tpu.memref_slice %arg6[%dma_start3A_41, %dma_start3A_42] : memref<160x128xi32, #tpu.memory_space<vmem>> -> memref<1x128xi32, #tpu.memory_space<vmem>>
    %dma_start3A_44 = tpu.memref_squeeze %dma_start3A_43 : memref<1x128xi32, #tpu.memory_space<vmem>> -> memref<128xi32, #tpu.memory_space<vmem>>
    %dma_start3A_45 = arith.constant 0 : i32
    %dma_start3A_46 = arith.constant 0 : i32
    %dma_start3A_47 = tpu.memref_slice %arg2[%dma_start3A_45, %dma_start3A_46] : memref<10240x32xf32, #tpu.memory_space<hbm>> -> memref<10240x32xf32, #tpu.memory_space<hbm>>
    tpu.enqueue_indirect_dma source(%dma_start3A_47 : memref<10240x32xf32, #tpu.memory_space<hbm>>) target(%arg11 : memref<128x32xf32, #tpu.memory_space<vmem>>) offsets(%dma_start3A_44 : memref<128xi32, #tpu.memory_space<vmem>>) semaphore(%arg22 : memref<!tpu.dma_semaphore, #tpu.memory_space<semaphore_mem>>)
    %dma_start3A_48 = arith.constant 4 : i32
    %dma_start3A_49 = arith.constant 0 : i32
    %dma_start3A_50 = tpu.memref_slice %arg6[%dma_start3A_48, %dma_start3A_49] : memref<160x128xi32, #tpu.memory_space<vmem>> -> memref<1x128xi32, #tpu.memory_space<vmem>>
    %dma_start3A_51 = tpu.memref_squeeze %dma_start3A_50 : memref<1x128xi32, #tpu.memory_space<vmem>> -> memref<128xi32, #tpu.memory_space<vmem>>
    %dma_start3A_52 = arith.constant 0 : i32
    %dma_start3A_53 = arith.constant 0 : i32
    %dma_start3A_54 = tpu.memref_slice %arg2[%dma_start3A_52, %dma_start3A_53] : memref<10240x32xf32, #tpu.memory_space<hbm>> -> memref<10240x32xf32, #tpu.memory_space<hbm>>
    tpu.enqueue_indirect_dma source(%dma_start3A_54 : memref<10240x32xf32, #tpu.memory_space<hbm>>) target(%arg12 : memref<128x32xf32, #tpu.memory_space<vmem>>) offsets(%dma_start3A_51 : memref<128xi32, #tpu.memory_space<vmem>>) semaphore(%arg23 : memref<!tpu.dma_semaphore, #tpu.memory_space<semaphore_mem>>)
    %scan3A_55 = arith.constant 0 : i32
    %scan3A_56 = arith.constant 0 : i32
    %scan3A_57 = arith.constant 16 : i32
    %scan3A_58 = arith.addi %scan3A_56, %scan3A_57 : i32
    %scan3A_59 = arith.constant 1 : i32
    %scan3A_60 = scf.for %scan3A_136 = %scan3A_56 to %scan3A_58 step %scan3A_59 iter_args(%scan3A_137 = %scan3A_55) -> (i32)  : i32 {
      %mul3A_138 = arith.constant 10 : i32
      %mul3A_139 = arith.muli %mul3A_138, %scan3A_136 : i32
      %add3A_140 = arith.constant 0 : i32
      %add3A_141 = arith.addi %mul3A_139, %add3A_140 : i32
      %dma_wait3A_142 = arith.constant 0 : i32
      %dma_wait3A_143 = tpu.memref_slice %arg6[%add3A_141, %dma_wait3A_142] : memref<160x128xi32, #tpu.memory_space<vmem>> -> memref<1x128xi32, #tpu.memory_space<vmem>>
      %dma_wait3A_144 = tpu.memref_squeeze %dma_wait3A_143 : memref<1x128xi32, #tpu.memory_space<vmem>> -> memref<128xi32, #tpu.memory_space<vmem>>
      %dma_wait3A_145 = arith.constant 0 : i32
      %dma_wait3A_146 = arith.constant 0 : i32
      %dma_wait3A_147 = tpu.memref_slice %arg2[%dma_wait3A_145, %dma_wait3A_146] : memref<10240x32xf32, #tpu.memory_space<hbm>> -> memref<10240x32xf32, #tpu.memory_space<hbm>>
      tpu.wait_indirect_dma semaphore(%arg19 : memref<!tpu.dma_semaphore, #tpu.memory_space<semaphore_mem>>) src(%dma_wait3A_147 : memref<10240x32xf32, #tpu.memory_space<hbm>>) dst(%arg8 : memref<128x32xf32, #tpu.memory_space<vmem>>)
      %dma_start3A_148 = arith.constant 0 : i32
      %dma_start3A_149 = tpu.memref_slice %arg7[%add3A_141, %dma_start3A_148] : memref<160x128xi32, #tpu.memory_space<vmem>> -> memref<1x128xi32, #tpu.memory_space<vmem>>
      %dma_start3A_150 = tpu.memref_squeeze %dma_start3A_149 : memref<1x128xi32, #tpu.memory_space<vmem>> -> memref<128xi32, #tpu.memory_space<vmem>>
      %dma_start3A_151 = arith.constant 0 : i32
      %dma_start3A_152 = arith.constant 0 : i32
      %dma_start3A_153 = tpu.memref_slice %arg5[%dma_start3A_151, %dma_start3A_152] : memref<10240x32xf32, #tpu.memory_space<vmem_shared>> -> memref<10240x32xf32, #tpu.memory_space<vmem_shared>>
      tpu.enqueue_indirect_dma source(%arg8 : memref<128x32xf32, #tpu.memory_space<vmem>>) target(%dma_start3A_153 : memref<10240x32xf32, #tpu.memory_space<vmem_shared>>) offsets(%dma_start3A_150 : memref<128xi32, #tpu.memory_space<vmem>>) semaphore(%arg29 : memref<!tpu.dma_semaphore, #tpu.memory_space<semaphore_mem>>) {add = true}
      %add3A_154 = arith.constant 5 : i32
      %add3A_155 = arith.addi %add3A_141, %add3A_154 : i32
      %lt3A = arith.constant 160 : i32
      %lt3A_156 = arith.cmpi slt, %add3A_155, %lt3A : i32
      %convert_element_type3A = arith.extui %lt3A_156 : i1 to i32
      %cond3A = arith.constant 0 : i32
      %cond3A_157 = arith.cmpi ne, %convert_element_type3A, %cond3A : i32
      scf.if %cond3A_157 {
        %ge3A = arith.constant 10 : i32
        %ge3A_366 = arith.cmpi sge, %add3A_155, %ge3A : i32
        %convert_element_type3A_367 = arith.extui %ge3A_366 : i1 to i32
        %cond3A_368 = arith.constant 0 : i32
        %cond3A_369 = arith.cmpi ne, %convert_element_type3A_367, %cond3A_368 : i32
        scf.if %cond3A_369 {
          %sub3A = arith.constant 10 : i32
          %sub3A_376 = arith.subi %add3A_155, %sub3A : i32
          %dma_wait3A_377 = arith.constant 0 : i32
          %dma_wait3A_378 = tpu.memref_slice %arg7[%sub3A_376, %dma_wait3A_377] : memref<160x128xi32, #tpu.memory_space<vmem>> -> memref<1x128xi32, #tpu.memory_space<vmem>>
          %dma_wait3A_379 = tpu.memref_squeeze %dma_wait3A_378 : memref<1x128xi32, #tpu.memory_space<vmem>> -> memref<128xi32, #tpu.memory_space<vmem>>
          %dma_wait3A_380 = arith.constant 0 : i32
          %dma_wait3A_381 = arith.constant 0 : i32
          %dma_wait3A_382 = tpu.memref_slice %arg5[%dma_wait3A_380, %dma_wait3A_381] : memref<10240x32xf32, #tpu.memory_space<vmem_shared>> -> memref<10240x32xf32, #tpu.memory_space<vmem_shared>>
          tpu.wait_indirect_dma semaphore(%arg34 : memref<!tpu.dma_semaphore, #tpu.memory_space<semaphore_mem>>) src(%arg13 : memref<128x32xf32, #tpu.memory_space<vmem>>) dst(%dma_wait3A_382 : memref<10240x32xf32, #tpu.memory_space<vmem_shared>>)
        } else {
        }
        %dma_start3A_370 = arith.constant 0 : i32
        %dma_start3A_371 = tpu.memref_slice %arg6[%add3A_155, %dma_start3A_370] : memref<160x128xi32, #tpu.memory_space<vmem>> -> memref<1x128xi32, #tpu.memory_space<vmem>>
        %dma_start3A_372 = tpu.memref_squeeze %dma_start3A_371 : memref<1x128xi32, #tpu.memory_space<vmem>> -> memref<128xi32, #tpu.memory_space<vmem>>
        %dma_start3A_373 = arith.constant 0 : i32
        %dma_start3A_374 = arith.constant 0 : i32
        %dma_start3A_375 = tpu.memref_slice %arg2[%dma_start3A_373, %dma_start3A_374] : memref<10240x32xf32, #tpu.memory_space<hbm>> -> memref<10240x32xf32, #tpu.memory_space<hbm>>
        tpu.enqueue_indirect_dma source(%dma_start3A_375 : memref<10240x32xf32, #tpu.memory_space<hbm>>) target(%arg13 : memref<128x32xf32, #tpu.memory_space<vmem>>) offsets(%dma_start3A_372 : memref<128xi32, #tpu.memory_space<vmem>>) semaphore(%arg24 : memref<!tpu.dma_semaphore, #tpu.memory_space<semaphore_mem>>)
      } else {
      }
      %mul3A_158 = arith.constant 10 : i32
      %mul3A_159 = arith.muli %mul3A_158, %scan3A_136 : i32
      %add3A_160 = arith.constant 1 : i32
      %add3A_161 = arith.addi %mul3A_159, %add3A_160 : i32
      %dma_wait3A_162 = arith.constant 0 : i32
      %dma_wait3A_163 = tpu.memref_slice %arg6[%add3A_161, %dma_wait3A_162] : memref<160x128xi32, #tpu.memory_space<vmem>> -> memref<1x128xi32, #tpu.memory_space<vmem>>
      %dma_wait3A_164 = tpu.memref_squeeze %dma_wait3A_163 : memref<1x128xi32, #tpu.memory_space<vmem>> -> memref<128xi32, #tpu.memory_space<vmem>>
      %dma_wait3A_165 = arith.constant 0 : i32
      %dma_wait3A_166 = arith.constant 0 : i32
      %dma_wait3A_167 = tpu.memref_slice %arg2[%dma_wait3A_165, %dma_wait3A_166] : memref<10240x32xf32, #tpu.memory_space<hbm>> -> memref<10240x32xf32, #tpu.memory_space<hbm>>
      tpu.wait_indirect_dma semaphore(%arg20 : memref<!tpu.dma_semaphore, #tpu.memory_space<semaphore_mem>>) src(%dma_wait3A_167 : memref<10240x32xf32, #tpu.memory_space<hbm>>) dst(%arg9 : memref<128x32xf32, #tpu.memory_space<vmem>>)
      %dma_start3A_168 = arith.constant 0 : i32
      %dma_start3A_169 = tpu.memref_slice %arg7[%add3A_161, %dma_start3A_168] : memref<160x128xi32, #tpu.memory_space<vmem>> -> memref<1x128xi32, #tpu.memory_space<vmem>>
      %dma_start3A_170 = tpu.memref_squeeze %dma_start3A_169 : memref<1x128xi32, #tpu.memory_space<vmem>> -> memref<128xi32, #tpu.memory_space<vmem>>
      %dma_start3A_171 = arith.constant 0 : i32
      %dma_start3A_172 = arith.constant 0 : i32
      %dma_start3A_173 = tpu.memref_slice %arg5[%dma_start3A_171, %dma_start3A_172] : memref<10240x32xf32, #tpu.memory_space<vmem_shared>> -> memref<10240x32xf32, #tpu.memory_space<vmem_shared>>
      tpu.enqueue_indirect_dma source(%arg9 : memref<128x32xf32, #tpu.memory_space<vmem>>) target(%dma_start3A_173 : memref<10240x32xf32, #tpu.memory_space<vmem_shared>>) offsets(%dma_start3A_170 : memref<128xi32, #tpu.memory_space<vmem>>) semaphore(%arg30 : memref<!tpu.dma_semaphore, #tpu.memory_space<semaphore_mem>>) {add = true}
      %add3A_174 = arith.constant 5 : i32
      %add3A_175 = arith.addi %add3A_161, %add3A_174 : i32
      %lt3A_176 = arith.constant 160 : i32
      %lt3A_177 = arith.cmpi slt, %add3A_175, %lt3A_176 : i32
      %convert_element_type3A_178 = arith.extui %lt3A_177 : i1 to i32
      %cond3A_179 = arith.constant 0 : i32
      %cond3A_180 = arith.cmpi ne, %convert_element_type3A_178, %cond3A_179 : i32
      scf.if %cond3A_180 {
        %ge3A = arith.constant 10 : i32
        %ge3A_366 = arith.cmpi sge, %add3A_175, %ge3A : i32
        %convert_element_type3A_367 = arith.extui %ge3A_366 : i1 to i32
        %cond3A_368 = arith.constant 0 : i32
        %cond3A_369 = arith.cmpi ne, %convert_element_type3A_367, %cond3A_368 : i32
        scf.if %cond3A_369 {
          %sub3A = arith.constant 10 : i32
          %sub3A_376 = arith.subi %add3A_175, %sub3A : i32
          %dma_wait3A_377 = arith.constant 0 : i32
          %dma_wait3A_378 = tpu.memref_slice %arg7[%sub3A_376, %dma_wait3A_377] : memref<160x128xi32, #tpu.memory_space<vmem>> -> memref<1x128xi32, #tpu.memory_space<vmem>>
          %dma_wait3A_379 = tpu.memref_squeeze %dma_wait3A_378 : memref<1x128xi32, #tpu.memory_space<vmem>> -> memref<128xi32, #tpu.memory_space<vmem>>
          %dma_wait3A_380 = arith.constant 0 : i32
          %dma_wait3A_381 = arith.constant 0 : i32
          %dma_wait3A_382 = tpu.memref_slice %arg5[%dma_wait3A_380, %dma_wait3A_381] : memref<10240x32xf32, #tpu.memory_space<vmem_shared>> -> memref<10240x32xf32, #tpu.memory_space<vmem_shared>>
          tpu.wait_indirect_dma semaphore(%arg35 : memref<!tpu.dma_semaphore, #tpu.memory_space<semaphore_mem>>) src(%arg14 : memref<128x32xf32, #tpu.memory_space<vmem>>) dst(%dma_wait3A_382 : memref<10240x32xf32, #tpu.memory_space<vmem_shared>>)
        } else {
        }
        %dma_start3A_370 = arith.constant 0 : i32
        %dma_start3A_371 = tpu.memref_slice %arg6[%add3A_175, %dma_start3A_370] : memref<160x128xi32, #tpu.memory_space<vmem>> -> memref<1x128xi32, #tpu.memory_space<vmem>>
        %dma_start3A_372 = tpu.memref_squeeze %dma_start3A_371 : memref<1x128xi32, #tpu.memory_space<vmem>> -> memref<128xi32, #tpu.memory_space<vmem>>
        %dma_start3A_373 = arith.constant 0 : i32
        %dma_start3A_374 = arith.constant 0 : i32
        %dma_start3A_375 = tpu.memref_slice %arg2[%dma_start3A_373, %dma_start3A_374] : memref<10240x32xf32, #tpu.memory_space<hbm>> -> memref<10240x32xf32, #tpu.memory_space<hbm>>
        tpu.enqueue_indirect_dma source(%dma_start3A_375 : memref<10240x32xf32, #tpu.memory_space<hbm>>) target(%arg14 : memref<128x32xf32, #tpu.memory_space<vmem>>) offsets(%dma_start3A_372 : memref<128xi32, #tpu.memory_space<vmem>>) semaphore(%arg25 : memref<!tpu.dma_semaphore, #tpu.memory_space<semaphore_mem>>)
      } else {
      }
      %mul3A_181 = arith.constant 10 : i32
      %mul3A_182 = arith.muli %mul3A_181, %scan3A_136 : i32
      %add3A_183 = arith.constant 2 : i32
      %add3A_184 = arith.addi %mul3A_182, %add3A_183 : i32
      %dma_wait3A_185 = arith.constant 0 : i32
      %dma_wait3A_186 = tpu.memref_slice %arg6[%add3A_184, %dma_wait3A_185] : memref<160x128xi32, #tpu.memory_space<vmem>> -> memref<1x128xi32, #tpu.memory_space<vmem>>
      %dma_wait3A_187 = tpu.memref_squeeze %dma_wait3A_186 : memref<1x128xi32, #tpu.memory_space<vmem>> -> memref<128xi32, #tpu.memory_space<vmem>>
      %dma_wait3A_188 = arith.constant 0 : i32
      %dma_wait3A_189 = arith.constant 0 : i32
      %dma_wait3A_190 = tpu.memref_slice %arg2[%dma_wait3A_188, %dma_wait3A_189] : memref<10240x32xf32, #tpu.memory_space<hbm>> -> memref<10240x32xf32, #tpu.memory_space<hbm>>
      tpu.wait_indirect_dma semaphore(%arg21 : memref<!tpu.dma_semaphore, #tpu.memory_space<semaphore_mem>>) src(%dma_wait3A_190 : memref<10240x32xf32, #tpu.memory_space<hbm>>) dst(%arg10 : memref<128x32xf32, #tpu.memory_space<vmem>>)
      %dma_start3A_191 = arith.constant 0 : i32
      %dma_start3A_192 = tpu.memref_slice %arg7[%add3A_184, %dma_start3A_191] : memref<160x128xi32, #tpu.memory_space<vmem>> -> memref<1x128xi32, #tpu.memory_space<vmem>>
      %dma_start3A_193 = tpu.memref_squeeze %dma_start3A_192 : memref<1x128xi32, #tpu.memory_space<vmem>> -> memref<128xi32, #tpu.memory_space<vmem>>
      %dma_start3A_194 = arith.constant 0 : i32
      %dma_start3A_195 = arith.constant 0 : i32
      %dma_start3A_196 = tpu.memref_slice %arg5[%dma_start3A_194, %dma_start3A_195] : memref<10240x32xf32, #tpu.memory_space<vmem_shared>> -> memref<10240x32xf32, #tpu.memory_space<vmem_shared>>
      tpu.enqueue_indirect_dma source(%arg10 : memref<128x32xf32, #tpu.memory_space<vmem>>) target(%dma_start3A_196 : memref<10240x32xf32, #tpu.memory_space<vmem_shared>>) offsets(%dma_start3A_193 : memref<128xi32, #tpu.memory_space<vmem>>) semaphore(%arg31 : memref<!tpu.dma_semaphore, #tpu.memory_space<semaphore_mem>>) {add = true}
      %add3A_197 = arith.constant 5 : i32
      %add3A_198 = arith.addi %add3A_184, %add3A_197 : i32
      %lt3A_199 = arith.constant 160 : i32
      %lt3A_200 = arith.cmpi slt, %add3A_198, %lt3A_199 : i32
      %convert_element_type3A_201 = arith.extui %lt3A_200 : i1 to i32
      %cond3A_202 = arith.constant 0 : i32
      %cond3A_203 = arith.cmpi ne, %convert_element_type3A_201, %cond3A_202 : i32
      scf.if %cond3A_203 {
        %ge3A = arith.constant 10 : i32
        %ge3A_366 = arith.cmpi sge, %add3A_198, %ge3A : i32
        %convert_element_type3A_367 = arith.extui %ge3A_366 : i1 to i32
        %cond3A_368 = arith.constant 0 : i32
        %cond3A_369 = arith.cmpi ne, %convert_element_type3A_367, %cond3A_368 : i32
        scf.if %cond3A_369 {
          %sub3A = arith.constant 10 : i32
          %sub3A_376 = arith.subi %add3A_198, %sub3A : i32
          %dma_wait3A_377 = arith.constant 0 : i32
          %dma_wait3A_378 = tpu.memref_slice %arg7[%sub3A_376, %dma_wait3A_377] : memref<160x128xi32, #tpu.memory_space<vmem>> -> memref<1x128xi32, #tpu.memory_space<vmem>>
          %dma_wait3A_379 = tpu.memref_squeeze %dma_wait3A_378 : memref<1x128xi32, #tpu.memory_space<vmem>> -> memref<128xi32, #tpu.memory_space<vmem>>
          %dma_wait3A_380 = arith.constant 0 : i32
          %dma_wait3A_381 = arith.constant 0 : i32
          %dma_wait3A_382 = tpu.memref_slice %arg5[%dma_wait3A_380, %dma_wait3A_381] : memref<10240x32xf32, #tpu.memory_space<vmem_shared>> -> memref<10240x32xf32, #tpu.memory_space<vmem_shared>>
          tpu.wait_indirect_dma semaphore(%arg36 : memref<!tpu.dma_semaphore, #tpu.memory_space<semaphore_mem>>) src(%arg15 : memref<128x32xf32, #tpu.memory_space<vmem>>) dst(%dma_wait3A_382 : memref<10240x32xf32, #tpu.memory_space<vmem_shared>>)
        } else {
        }
        %dma_start3A_370 = arith.constant 0 : i32
        %dma_start3A_371 = tpu.memref_slice %arg6[%add3A_198, %dma_start3A_370] : memref<160x128xi32, #tpu.memory_space<vmem>> -> memref<1x128xi32, #tpu.memory_space<vmem>>
        %dma_start3A_372 = tpu.memref_squeeze %dma_start3A_371 : memref<1x128xi32, #tpu.memory_space<vmem>> -> memref<128xi32, #tpu.memory_space<vmem>>
        %dma_start3A_373 = arith.constant 0 : i32
        %dma_start3A_374 = arith.constant 0 : i32
        %dma_start3A_375 = tpu.memref_slice %arg2[%dma_start3A_373, %dma_start3A_374] : memref<10240x32xf32, #tpu.memory_space<hbm>> -> memref<10240x32xf32, #tpu.memory_space<hbm>>
        tpu.enqueue_indirect_dma source(%dma_start3A_375 : memref<10240x32xf32, #tpu.memory_space<hbm>>) target(%arg15 : memref<128x32xf32, #tpu.memory_space<vmem>>) offsets(%dma_start3A_372 : memref<128xi32, #tpu.memory_space<vmem>>) semaphore(%arg26 : memref<!tpu.dma_semaphore, #tpu.memory_space<semaphore_mem>>)
      } else {
      }
      %mul3A_204 = arith.constant 10 : i32
      %mul3A_205 = arith.muli %mul3A_204, %scan3A_136 : i32
      %add3A_206 = arith.constant 3 : i32
      %add3A_207 = arith.addi %mul3A_205, %add3A_206 : i32
      %dma_wait3A_208 = arith.constant 0 : i32
      %dma_wait3A_209 = tpu.memref_slice %arg6[%add3A_207, %dma_wait3A_208] : memref<160x128xi32, #tpu.memory_space<vmem>> -> memref<1x128xi32, #tpu.memory_space<vmem>>
      %dma_wait3A_210 = tpu.memref_squeeze %dma_wait3A_209 : memref<1x128xi32, #tpu.memory_space<vmem>> -> memref<128xi32, #tpu.memory_space<vmem>>
      %dma_wait3A_211 = arith.constant 0 : i32
      %dma_wait3A_212 = arith.constant 0 : i32
      %dma_wait3A_213 = tpu.memref_slice %arg2[%dma_wait3A_211, %dma_wait3A_212] : memref<10240x32xf32, #tpu.memory_space<hbm>> -> memref<10240x32xf32, #tpu.memory_space<hbm>>
      tpu.wait_indirect_dma semaphore(%arg22 : memref<!tpu.dma_semaphore, #tpu.memory_space<semaphore_mem>>) src(%dma_wait3A_213 : memref<10240x32xf32, #tpu.memory_space<hbm>>) dst(%arg11 : memref<128x32xf32, #tpu.memory_space<vmem>>)
      %dma_start3A_214 = arith.constant 0 : i32
      %dma_start3A_215 = tpu.memref_slice %arg7[%add3A_207, %dma_start3A_214] : memref<160x128xi32, #tpu.memory_space<vmem>> -> memref<1x128xi32, #tpu.memory_space<vmem>>
      %dma_start3A_216 = tpu.memref_squeeze %dma_start3A_215 : memref<1x128xi32, #tpu.memory_space<vmem>> -> memref<128xi32, #tpu.memory_space<vmem>>
      %dma_start3A_217 = arith.constant 0 : i32
      %dma_start3A_218 = arith.constant 0 : i32
      %dma_start3A_219 = tpu.memref_slice %arg5[%dma_start3A_217, %dma_start3A_218] : memref<10240x32xf32, #tpu.memory_space<vmem_shared>> -> memref<10240x32xf32, #tpu.memory_space<vmem_shared>>
      tpu.enqueue_indirect_dma source(%arg11 : memref<128x32xf32, #tpu.memory_space<vmem>>) target(%dma_start3A_219 : memref<10240x32xf32, #tpu.memory_space<vmem_shared>>) offsets(%dma_start3A_216 : memref<128xi32, #tpu.memory_space<vmem>>) semaphore(%arg32 : memref<!tpu.dma_semaphore, #tpu.memory_space<semaphore_mem>>) {add = true}
      %add3A_220 = arith.constant 5 : i32
      %add3A_221 = arith.addi %add3A_207, %add3A_220 : i32
      %lt3A_222 = arith.constant 160 : i32
      %lt3A_223 = arith.cmpi slt, %add3A_221, %lt3A_222 : i32
      %convert_element_type3A_224 = arith.extui %lt3A_223 : i1 to i32
      %cond3A_225 = arith.constant 0 : i32
      %cond3A_226 = arith.cmpi ne, %convert_element_type3A_224, %cond3A_225 : i32
      scf.if %cond3A_226 {
        %ge3A = arith.constant 10 : i32
        %ge3A_366 = arith.cmpi sge, %add3A_221, %ge3A : i32
        %convert_element_type3A_367 = arith.extui %ge3A_366 : i1 to i32
        %cond3A_368 = arith.constant 0 : i32
        %cond3A_369 = arith.cmpi ne, %convert_element_type3A_367, %cond3A_368 : i32
        scf.if %cond3A_369 {
          %sub3A = arith.constant 10 : i32
          %sub3A_376 = arith.subi %add3A_221, %sub3A : i32
          %dma_wait3A_377 = arith.constant 0 : i32
          %dma_wait3A_378 = tpu.memref_slice %arg7[%sub3A_376, %dma_wait3A_377] : memref<160x128xi32, #tpu.memory_space<vmem>> -> memref<1x128xi32, #tpu.memory_space<vmem>>
          %dma_wait3A_379 = tpu.memref_squeeze %dma_wait3A_378 : memref<1x128xi32, #tpu.memory_space<vmem>> -> memref<128xi32, #tpu.memory_space<vmem>>
          %dma_wait3A_380 = arith.constant 0 : i32
          %dma_wait3A_381 = arith.constant 0 : i32
          %dma_wait3A_382 = tpu.memref_slice %arg5[%dma_wait3A_380, %dma_wait3A_381] : memref<10240x32xf32, #tpu.memory_space<vmem_shared>> -> memref<10240x32xf32, #tpu.memory_space<vmem_shared>>
          tpu.wait_indirect_dma semaphore(%arg37 : memref<!tpu.dma_semaphore, #tpu.memory_space<semaphore_mem>>) src(%arg16 : memref<128x32xf32, #tpu.memory_space<vmem>>) dst(%dma_wait3A_382 : memref<10240x32xf32, #tpu.memory_space<vmem_shared>>)
        } else {
        }
        %dma_start3A_370 = arith.constant 0 : i32
        %dma_start3A_371 = tpu.memref_slice %arg6[%add3A_221, %dma_start3A_370] : memref<160x128xi32, #tpu.memory_space<vmem>> -> memref<1x128xi32, #tpu.memory_space<vmem>>
        %dma_start3A_372 = tpu.memref_squeeze %dma_start3A_371 : memref<1x128xi32, #tpu.memory_space<vmem>> -> memref<128xi32, #tpu.memory_space<vmem>>
        %dma_start3A_373 = arith.constant 0 : i32
        %dma_start3A_374 = arith.constant 0 : i32
        %dma_start3A_375 = tpu.memref_slice %arg2[%dma_start3A_373, %dma_start3A_374] : memref<10240x32xf32, #tpu.memory_space<hbm>> -> memref<10240x32xf32, #tpu.memory_space<hbm>>
        tpu.enqueue_indirect_dma source(%dma_start3A_375 : memref<10240x32xf32, #tpu.memory_space<hbm>>) target(%arg16 : memref<128x32xf32, #tpu.memory_space<vmem>>) offsets(%dma_start3A_372 : memref<128xi32, #tpu.memory_space<vmem>>) semaphore(%arg27 : memref<!tpu.dma_semaphore, #tpu.memory_space<semaphore_mem>>)
      } else {
      }
      %mul3A_227 = arith.constant 10 : i32
      %mul3A_228 = arith.muli %mul3A_227, %scan3A_136 : i32
      %add3A_229 = arith.constant 4 : i32
      %add3A_230 = arith.addi %mul3A_228, %add3A_229 : i32
      %dma_wait3A_231 = arith.constant 0 : i32
      %dma_wait3A_232 = tpu.memref_slice %arg6[%add3A_230, %dma_wait3A_231] : memref<160x128xi32, #tpu.memory_space<vmem>> -> memref<1x128xi32, #tpu.memory_space<vmem>>
      %dma_wait3A_233 = tpu.memref_squeeze %dma_wait3A_232 : memref<1x128xi32, #tpu.memory_space<vmem>> -> memref<128xi32, #tpu.memory_space<vmem>>
      %dma_wait3A_234 = arith.constant 0 : i32
      %dma_wait3A_235 = arith.constant 0 : i32
      %dma_wait3A_236 = tpu.memref_slice %arg2[%dma_wait3A_234, %dma_wait3A_235] : memref<10240x32xf32, #tpu.memory_space<hbm>> -> memref<10240x32xf32, #tpu.memory_space<hbm>>
      tpu.wait_indirect_dma semaphore(%arg23 : memref<!tpu.dma_semaphore, #tpu.memory_space<semaphore_mem>>) src(%dma_wait3A_236 : memref<10240x32xf32, #tpu.memory_space<hbm>>) dst(%arg12 : memref<128x32xf32, #tpu.memory_space<vmem>>)
      %dma_start3A_237 = arith.constant 0 : i32
      %dma_start3A_238 = tpu.memref_slice %arg7[%add3A_230, %dma_start3A_237] : memref<160x128xi32, #tpu.memory_space<vmem>> -> memref<1x128xi32, #tpu.memory_space<vmem>>
      %dma_start3A_239 = tpu.memref_squeeze %dma_start3A_238 : memref<1x128xi32, #tpu.memory_space<vmem>> -> memref<128xi32, #tpu.memory_space<vmem>>
      %dma_start3A_240 = arith.constant 0 : i32
      %dma_start3A_241 = arith.constant 0 : i32
      %dma_start3A_242 = tpu.memref_slice %arg5[%dma_start3A_240, %dma_start3A_241] : memref<10240x32xf32, #tpu.memory_space<vmem_shared>> -> memref<10240x32xf32, #tpu.memory_space<vmem_shared>>
      tpu.enqueue_indirect_dma source(%arg12 : memref<128x32xf32, #tpu.memory_space<vmem>>) target(%dma_start3A_242 : memref<10240x32xf32, #tpu.memory_space<vmem_shared>>) offsets(%dma_start3A_239 : memref<128xi32, #tpu.memory_space<vmem>>) semaphore(%arg33 : memref<!tpu.dma_semaphore, #tpu.memory_space<semaphore_mem>>) {add = true}
      %add3A_243 = arith.constant 5 : i32
      %add3A_244 = arith.addi %add3A_230, %add3A_243 : i32
      %lt3A_245 = arith.constant 160 : i32
      %lt3A_246 = arith.cmpi slt, %add3A_244, %lt3A_245 : i32
      %convert_element_type3A_247 = arith.extui %lt3A_246 : i1 to i32
      %cond3A_248 = arith.constant 0 : i32
      %cond3A_249 = arith.cmpi ne, %convert_element_type3A_247, %cond3A_248 : i32
      scf.if %cond3A_249 {
        %ge3A = arith.constant 10 : i32
        %ge3A_366 = arith.cmpi sge, %add3A_244, %ge3A : i32
        %convert_element_type3A_367 = arith.extui %ge3A_366 : i1 to i32
        %cond3A_368 = arith.constant 0 : i32
        %cond3A_369 = arith.cmpi ne, %convert_element_type3A_367, %cond3A_368 : i32
        scf.if %cond3A_369 {
          %sub3A = arith.constant 10 : i32
          %sub3A_376 = arith.subi %add3A_244, %sub3A : i32
          %dma_wait3A_377 = arith.constant 0 : i32
          %dma_wait3A_378 = tpu.memref_slice %arg7[%sub3A_376, %dma_wait3A_377] : memref<160x128xi32, #tpu.memory_space<vmem>> -> memref<1x128xi32, #tpu.memory_space<vmem>>
          %dma_wait3A_379 = tpu.memref_squeeze %dma_wait3A_378 : memref<1x128xi32, #tpu.memory_space<vmem>> -> memref<128xi32, #tpu.memory_space<vmem>>
          %dma_wait3A_380 = arith.constant 0 : i32
          %dma_wait3A_381 = arith.constant 0 : i32
          %dma_wait3A_382 = tpu.memref_slice %arg5[%dma_wait3A_380, %dma_wait3A_381] : memref<10240x32xf32, #tpu.memory_space<vmem_shared>> -> memref<10240x32xf32, #tpu.memory_space<vmem_shared>>
          tpu.wait_indirect_dma semaphore(%arg38 : memref<!tpu.dma_semaphore, #tpu.memory_space<semaphore_mem>>) src(%arg17 : memref<128x32xf32, #tpu.memory_space<vmem>>) dst(%dma_wait3A_382 : memref<10240x32xf32, #tpu.memory_space<vmem_shared>>)
        } else {
        }
        %dma_start3A_370 = arith.constant 0 : i32
        %dma_start3A_371 = tpu.memref_slice %arg6[%add3A_244, %dma_start3A_370] : memref<160x128xi32, #tpu.memory_space<vmem>> -> memref<1x128xi32, #tpu.memory_space<vmem>>
        %dma_start3A_372 = tpu.memref_squeeze %dma_start3A_371 : memref<1x128xi32, #tpu.memory_space<vmem>> -> memref<128xi32, #tpu.memory_space<vmem>>
        %dma_start3A_373 = arith.constant 0 : i32
        %dma_start3A_374 = arith.constant 0 : i32
        %dma_start3A_375 = tpu.memref_slice %arg2[%dma_start3A_373, %dma_start3A_374] : memref<10240x32xf32, #tpu.memory_space<hbm>> -> memref<10240x32xf32, #tpu.memory_space<hbm>>
        tpu.enqueue_indirect_dma source(%dma_start3A_375 : memref<10240x32xf32, #tpu.memory_space<hbm>>) target(%arg17 : memref<128x32xf32, #tpu.memory_space<vmem>>) offsets(%dma_start3A_372 : memref<128xi32, #tpu.memory_space<vmem>>) semaphore(%arg28 : memref<!tpu.dma_semaphore, #tpu.memory_space<semaphore_mem>>)
      } else {
      }
      %mul3A_250 = arith.constant 10 : i32
      %mul3A_251 = arith.muli %mul3A_250, %scan3A_136 : i32
      %add3A_252 = arith.constant 5 : i32
      %add3A_253 = arith.addi %mul3A_251, %add3A_252 : i32
      %dma_wait3A_254 = arith.constant 0 : i32
      %dma_wait3A_255 = tpu.memref_slice %arg6[%add3A_253, %dma_wait3A_254] : memref<160x128xi32, #tpu.memory_space<vmem>> -> memref<1x128xi32, #tpu.memory_space<vmem>>
      %dma_wait3A_256 = tpu.memref_squeeze %dma_wait3A_255 : memref<1x128xi32, #tpu.memory_space<vmem>> -> memref<128xi32, #tpu.memory_space<vmem>>
      %dma_wait3A_257 = arith.constant 0 : i32
      %dma_wait3A_258 = arith.constant 0 : i32
      %dma_wait3A_259 = tpu.memref_slice %arg2[%dma_wait3A_257, %dma_wait3A_258] : memref<10240x32xf32, #tpu.memory_space<hbm>> -> memref<10240x32xf32, #tpu.memory_space<hbm>>
      tpu.wait_indirect_dma semaphore(%arg24 : memref<!tpu.dma_semaphore, #tpu.memory_space<semaphore_mem>>) src(%dma_wait3A_259 : memref<10240x32xf32, #tpu.memory_space<hbm>>) dst(%arg13 : memref<128x32xf32, #tpu.memory_space<vmem>>)
      %dma_start3A_260 = arith.constant 0 : i32
      %dma_start3A_261 = tpu.memref_slice %arg7[%add3A_253, %dma_start3A_260] : memref<160x128xi32, #tpu.memory_space<vmem>> -> memref<1x128xi32, #tpu.memory_space<vmem>>
      %dma_start3A_262 = tpu.memref_squeeze %dma_start3A_261 : memref<1x128xi32, #tpu.memory_space<vmem>> -> memref<128xi32, #tpu.memory_space<vmem>>
      %dma_start3A_263 = arith.constant 0 : i32
      %dma_start3A_264 = arith.constant 0 : i32
      %dma_start3A_265 = tpu.memref_slice %arg5[%dma_start3A_263, %dma_start3A_264] : memref<10240x32xf32, #tpu.memory_space<vmem_shared>> -> memref<10240x32xf32, #tpu.memory_space<vmem_shared>>
      tpu.enqueue_indirect_dma source(%arg13 : memref<128x32xf32, #tpu.memory_space<vmem>>) target(%dma_start3A_265 : memref<10240x32xf32, #tpu.memory_space<vmem_shared>>) offsets(%dma_start3A_262 : memref<128xi32, #tpu.memory_space<vmem>>) semaphore(%arg34 : memref<!tpu.dma_semaphore, #tpu.memory_space<semaphore_mem>>) {add = true}
      %add3A_266 = arith.constant 5 : i32
      %add3A_267 = arith.addi %add3A_253, %add3A_266 : i32
      %lt3A_268 = arith.constant 160 : i32
      %lt3A_269 = arith.cmpi slt, %add3A_267, %lt3A_268 : i32
      %convert_element_type3A_270 = arith.extui %lt3A_269 : i1 to i32
      %cond3A_271 = arith.constant 0 : i32
      %cond3A_272 = arith.cmpi ne, %convert_element_type3A_270, %cond3A_271 : i32
      scf.if %cond3A_272 {
        %ge3A = arith.constant 10 : i32
        %ge3A_366 = arith.cmpi sge, %add3A_267, %ge3A : i32
        %convert_element_type3A_367 = arith.extui %ge3A_366 : i1 to i32
        %cond3A_368 = arith.constant 0 : i32
        %cond3A_369 = arith.cmpi ne, %convert_element_type3A_367, %cond3A_368 : i32
        scf.if %cond3A_369 {
          %sub3A = arith.constant 10 : i32
          %sub3A_376 = arith.subi %add3A_267, %sub3A : i32
          %dma_wait3A_377 = arith.constant 0 : i32
          %dma_wait3A_378 = tpu.memref_slice %arg7[%sub3A_376, %dma_wait3A_377] : memref<160x128xi32, #tpu.memory_space<vmem>> -> memref<1x128xi32, #tpu.memory_space<vmem>>
          %dma_wait3A_379 = tpu.memref_squeeze %dma_wait3A_378 : memref<1x128xi32, #tpu.memory_space<vmem>> -> memref<128xi32, #tpu.memory_space<vmem>>
          %dma_wait3A_380 = arith.constant 0 : i32
          %dma_wait3A_381 = arith.constant 0 : i32
          %dma_wait3A_382 = tpu.memref_slice %arg5[%dma_wait3A_380, %dma_wait3A_381] : memref<10240x32xf32, #tpu.memory_space<vmem_shared>> -> memref<10240x32xf32, #tpu.memory_space<vmem_shared>>
          tpu.wait_indirect_dma semaphore(%arg29 : memref<!tpu.dma_semaphore, #tpu.memory_space<semaphore_mem>>) src(%arg8 : memref<128x32xf32, #tpu.memory_space<vmem>>) dst(%dma_wait3A_382 : memref<10240x32xf32, #tpu.memory_space<vmem_shared>>)
        } else {
        }
        %dma_start3A_370 = arith.constant 0 : i32
        %dma_start3A_371 = tpu.memref_slice %arg6[%add3A_267, %dma_start3A_370] : memref<160x128xi32, #tpu.memory_space<vmem>> -> memref<1x128xi32, #tpu.memory_space<vmem>>
        %dma_start3A_372 = tpu.memref_squeeze %dma_start3A_371 : memref<1x128xi32, #tpu.memory_space<vmem>> -> memref<128xi32, #tpu.memory_space<vmem>>
        %dma_start3A_373 = arith.constant 0 : i32
        %dma_start3A_374 = arith.constant 0 : i32
        %dma_start3A_375 = tpu.memref_slice %arg2[%dma_start3A_373, %dma_start3A_374] : memref<10240x32xf32, #tpu.memory_space<hbm>> -> memref<10240x32xf32, #tpu.memory_space<hbm>>
        tpu.enqueue_indirect_dma source(%dma_start3A_375 : memref<10240x32xf32, #tpu.memory_space<hbm>>) target(%arg8 : memref<128x32xf32, #tpu.memory_space<vmem>>) offsets(%dma_start3A_372 : memref<128xi32, #tpu.memory_space<vmem>>) semaphore(%arg19 : memref<!tpu.dma_semaphore, #tpu.memory_space<semaphore_mem>>)
      } else {
      }
      %mul3A_273 = arith.constant 10 : i32
      %mul3A_274 = arith.muli %mul3A_273, %scan3A_136 : i32
      %add3A_275 = arith.constant 6 : i32
      %add3A_276 = arith.addi %mul3A_274, %add3A_275 : i32
      %dma_wait3A_277 = arith.constant 0 : i32
      %dma_wait3A_278 = tpu.memref_slice %arg6[%add3A_276, %dma_wait3A_277] : memref<160x128xi32, #tpu.memory_space<vmem>> -> memref<1x128xi32, #tpu.memory_space<vmem>>
      %dma_wait3A_279 = tpu.memref_squeeze %dma_wait3A_278 : memref<1x128xi32, #tpu.memory_space<vmem>> -> memref<128xi32, #tpu.memory_space<vmem>>
      %dma_wait3A_280 = arith.constant 0 : i32
      %dma_wait3A_281 = arith.constant 0 : i32
      %dma_wait3A_282 = tpu.memref_slice %arg2[%dma_wait3A_280, %dma_wait3A_281] : memref<10240x32xf32, #tpu.memory_space<hbm>> -> memref<10240x32xf32, #tpu.memory_space<hbm>>
      tpu.wait_indirect_dma semaphore(%arg25 : memref<!tpu.dma_semaphore, #tpu.memory_space<semaphore_mem>>) src(%dma_wait3A_282 : memref<10240x32xf32, #tpu.memory_space<hbm>>) dst(%arg14 : memref<128x32xf32, #tpu.memory_space<vmem>>)
      %dma_start3A_283 = arith.constant 0 : i32
      %dma_start3A_284 = tpu.memref_slice %arg7[%add3A_276, %dma_start3A_283] : memref<160x128xi32, #tpu.memory_space<vmem>> -> memref<1x128xi32, #tpu.memory_space<vmem>>
      %dma_start3A_285 = tpu.memref_squeeze %dma_start3A_284 : memref<1x128xi32, #tpu.memory_space<vmem>> -> memref<128xi32, #tpu.memory_space<vmem>>
      %dma_start3A_286 = arith.constant 0 : i32
      %dma_start3A_287 = arith.constant 0 : i32
      %dma_start3A_288 = tpu.memref_slice %arg5[%dma_start3A_286, %dma_start3A_287] : memref<10240x32xf32, #tpu.memory_space<vmem_shared>> -> memref<10240x32xf32, #tpu.memory_space<vmem_shared>>
      tpu.enqueue_indirect_dma source(%arg14 : memref<128x32xf32, #tpu.memory_space<vmem>>) target(%dma_start3A_288 : memref<10240x32xf32, #tpu.memory_space<vmem_shared>>) offsets(%dma_start3A_285 : memref<128xi32, #tpu.memory_space<vmem>>) semaphore(%arg35 : memref<!tpu.dma_semaphore, #tpu.memory_space<semaphore_mem>>) {add = true}
      %add3A_289 = arith.constant 5 : i32
      %add3A_290 = arith.addi %add3A_276, %add3A_289 : i32
      %lt3A_291 = arith.constant 160 : i32
      %lt3A_292 = arith.cmpi slt, %add3A_290, %lt3A_291 : i32
      %convert_element_type3A_293 = arith.extui %lt3A_292 : i1 to i32
      %cond3A_294 = arith.constant 0 : i32
      %cond3A_295 = arith.cmpi ne, %convert_element_type3A_293, %cond3A_294 : i32
      scf.if %cond3A_295 {
        %ge3A = arith.constant 10 : i32
        %ge3A_366 = arith.cmpi sge, %add3A_290, %ge3A : i32
        %convert_element_type3A_367 = arith.extui %ge3A_366 : i1 to i32
        %cond3A_368 = arith.constant 0 : i32
        %cond3A_369 = arith.cmpi ne, %convert_element_type3A_367, %cond3A_368 : i32
        scf.if %cond3A_369 {
          %sub3A = arith.constant 10 : i32
          %sub3A_376 = arith.subi %add3A_290, %sub3A : i32
          %dma_wait3A_377 = arith.constant 0 : i32
          %dma_wait3A_378 = tpu.memref_slice %arg7[%sub3A_376, %dma_wait3A_377] : memref<160x128xi32, #tpu.memory_space<vmem>> -> memref<1x128xi32, #tpu.memory_space<vmem>>
          %dma_wait3A_379 = tpu.memref_squeeze %dma_wait3A_378 : memref<1x128xi32, #tpu.memory_space<vmem>> -> memref<128xi32, #tpu.memory_space<vmem>>
          %dma_wait3A_380 = arith.constant 0 : i32
          %dma_wait3A_381 = arith.constant 0 : i32
          %dma_wait3A_382 = tpu.memref_slice %arg5[%dma_wait3A_380, %dma_wait3A_381] : memref<10240x32xf32, #tpu.memory_space<vmem_shared>> -> memref<10240x32xf32, #tpu.memory_space<vmem_shared>>
          tpu.wait_indirect_dma semaphore(%arg30 : memref<!tpu.dma_semaphore, #tpu.memory_space<semaphore_mem>>) src(%arg9 : memref<128x32xf32, #tpu.memory_space<vmem>>) dst(%dma_wait3A_382 : memref<10240x32xf32, #tpu.memory_space<vmem_shared>>)
        } else {
        }
        %dma_start3A_370 = arith.constant 0 : i32
        %dma_start3A_371 = tpu.memref_slice %arg6[%add3A_290, %dma_start3A_370] : memref<160x128xi32, #tpu.memory_space<vmem>> -> memref<1x128xi32, #tpu.memory_space<vmem>>
        %dma_start3A_372 = tpu.memref_squeeze %dma_start3A_371 : memref<1x128xi32, #tpu.memory_space<vmem>> -> memref<128xi32, #tpu.memory_space<vmem>>
        %dma_start3A_373 = arith.constant 0 : i32
        %dma_start3A_374 = arith.constant 0 : i32
        %dma_start3A_375 = tpu.memref_slice %arg2[%dma_start3A_373, %dma_start3A_374] : memref<10240x32xf32, #tpu.memory_space<hbm>> -> memref<10240x32xf32, #tpu.memory_space<hbm>>
        tpu.enqueue_indirect_dma source(%dma_start3A_375 : memref<10240x32xf32, #tpu.memory_space<hbm>>) target(%arg9 : memref<128x32xf32, #tpu.memory_space<vmem>>) offsets(%dma_start3A_372 : memref<128xi32, #tpu.memory_space<vmem>>) semaphore(%arg20 : memref<!tpu.dma_semaphore, #tpu.memory_space<semaphore_mem>>)
      } else {
      }
      %mul3A_296 = arith.constant 10 : i32
      %mul3A_297 = arith.muli %mul3A_296, %scan3A_136 : i32
      %add3A_298 = arith.constant 7 : i32
      %add3A_299 = arith.addi %mul3A_297, %add3A_298 : i32
      %dma_wait3A_300 = arith.constant 0 : i32
      %dma_wait3A_301 = tpu.memref_slice %arg6[%add3A_299, %dma_wait3A_300] : memref<160x128xi32, #tpu.memory_space<vmem>> -> memref<1x128xi32, #tpu.memory_space<vmem>>
      %dma_wait3A_302 = tpu.memref_squeeze %dma_wait3A_301 : memref<1x128xi32, #tpu.memory_space<vmem>> -> memref<128xi32, #tpu.memory_space<vmem>>
      %dma_wait3A_303 = arith.constant 0 : i32
      %dma_wait3A_304 = arith.constant 0 : i32
      %dma_wait3A_305 = tpu.memref_slice %arg2[%dma_wait3A_303, %dma_wait3A_304] : memref<10240x32xf32, #tpu.memory_space<hbm>> -> memref<10240x32xf32, #tpu.memory_space<hbm>>
      tpu.wait_indirect_dma semaphore(%arg26 : memref<!tpu.dma_semaphore, #tpu.memory_space<semaphore_mem>>) src(%dma_wait3A_305 : memref<10240x32xf32, #tpu.memory_space<hbm>>) dst(%arg15 : memref<128x32xf32, #tpu.memory_space<vmem>>)
      %dma_start3A_306 = arith.constant 0 : i32
      %dma_start3A_307 = tpu.memref_slice %arg7[%add3A_299, %dma_start3A_306] : memref<160x128xi32, #tpu.memory_space<vmem>> -> memref<1x128xi32, #tpu.memory_space<vmem>>
      %dma_start3A_308 = tpu.memref_squeeze %dma_start3A_307 : memref<1x128xi32, #tpu.memory_space<vmem>> -> memref<128xi32, #tpu.memory_space<vmem>>
      %dma_start3A_309 = arith.constant 0 : i32
      %dma_start3A_310 = arith.constant 0 : i32
      %dma_start3A_311 = tpu.memref_slice %arg5[%dma_start3A_309, %dma_start3A_310] : memref<10240x32xf32, #tpu.memory_space<vmem_shared>> -> memref<10240x32xf32, #tpu.memory_space<vmem_shared>>
      tpu.enqueue_indirect_dma source(%arg15 : memref<128x32xf32, #tpu.memory_space<vmem>>) target(%dma_start3A_311 : memref<10240x32xf32, #tpu.memory_space<vmem_shared>>) offsets(%dma_start3A_308 : memref<128xi32, #tpu.memory_space<vmem>>) semaphore(%arg36 : memref<!tpu.dma_semaphore, #tpu.memory_space<semaphore_mem>>) {add = true}
      %add3A_312 = arith.constant 5 : i32
      %add3A_313 = arith.addi %add3A_299, %add3A_312 : i32
      %lt3A_314 = arith.constant 160 : i32
      %lt3A_315 = arith.cmpi slt, %add3A_313, %lt3A_314 : i32
      %convert_element_type3A_316 = arith.extui %lt3A_315 : i1 to i32
      %cond3A_317 = arith.constant 0 : i32
      %cond3A_318 = arith.cmpi ne, %convert_element_type3A_316, %cond3A_317 : i32
      scf.if %cond3A_318 {
        %ge3A = arith.constant 10 : i32
        %ge3A_366 = arith.cmpi sge, %add3A_313, %ge3A : i32
        %convert_element_type3A_367 = arith.extui %ge3A_366 : i1 to i32
        %cond3A_368 = arith.constant 0 : i32
        %cond3A_369 = arith.cmpi ne, %convert_element_type3A_367, %cond3A_368 : i32
        scf.if %cond3A_369 {
          %sub3A = arith.constant 10 : i32
          %sub3A_376 = arith.subi %add3A_313, %sub3A : i32
          %dma_wait3A_377 = arith.constant 0 : i32
          %dma_wait3A_378 = tpu.memref_slice %arg7[%sub3A_376, %dma_wait3A_377] : memref<160x128xi32, #tpu.memory_space<vmem>> -> memref<1x128xi32, #tpu.memory_space<vmem>>
          %dma_wait3A_379 = tpu.memref_squeeze %dma_wait3A_378 : memref<1x128xi32, #tpu.memory_space<vmem>> -> memref<128xi32, #tpu.memory_space<vmem>>
          %dma_wait3A_380 = arith.constant 0 : i32
          %dma_wait3A_381 = arith.constant 0 : i32
          %dma_wait3A_382 = tpu.memref_slice %arg5[%dma_wait3A_380, %dma_wait3A_381] : memref<10240x32xf32, #tpu.memory_space<vmem_shared>> -> memref<10240x32xf32, #tpu.memory_space<vmem_shared>>
          tpu.wait_indirect_dma semaphore(%arg31 : memref<!tpu.dma_semaphore, #tpu.memory_space<semaphore_mem>>) src(%arg10 : memref<128x32xf32, #tpu.memory_space<vmem>>) dst(%dma_wait3A_382 : memref<10240x32xf32, #tpu.memory_space<vmem_shared>>)
        } else {
        }
        %dma_start3A_370 = arith.constant 0 : i32
        %dma_start3A_371 = tpu.memref_slice %arg6[%add3A_313, %dma_start3A_370] : memref<160x128xi32, #tpu.memory_space<vmem>> -> memref<1x128xi32, #tpu.memory_space<vmem>>
        %dma_start3A_372 = tpu.memref_squeeze %dma_start3A_371 : memref<1x128xi32, #tpu.memory_space<vmem>> -> memref<128xi32, #tpu.memory_space<vmem>>
        %dma_start3A_373 = arith.constant 0 : i32
        %dma_start3A_374 = arith.constant 0 : i32
        %dma_start3A_375 = tpu.memref_slice %arg2[%dma_start3A_373, %dma_start3A_374] : memref<10240x32xf32, #tpu.memory_space<hbm>> -> memref<10240x32xf32, #tpu.memory_space<hbm>>
        tpu.enqueue_indirect_dma source(%dma_start3A_375 : memref<10240x32xf32, #tpu.memory_space<hbm>>) target(%arg10 : memref<128x32xf32, #tpu.memory_space<vmem>>) offsets(%dma_start3A_372 : memref<128xi32, #tpu.memory_space<vmem>>) semaphore(%arg21 : memref<!tpu.dma_semaphore, #tpu.memory_space<semaphore_mem>>)
      } else {
      }
      %mul3A_319 = arith.constant 10 : i32
      %mul3A_320 = arith.muli %mul3A_319, %scan3A_136 : i32
      %add3A_321 = arith.constant 8 : i32
      %add3A_322 = arith.addi %mul3A_320, %add3A_321 : i32
      %dma_wait3A_323 = arith.constant 0 : i32
      %dma_wait3A_324 = tpu.memref_slice %arg6[%add3A_322, %dma_wait3A_323] : memref<160x128xi32, #tpu.memory_space<vmem>> -> memref<1x128xi32, #tpu.memory_space<vmem>>
      %dma_wait3A_325 = tpu.memref_squeeze %dma_wait3A_324 : memref<1x128xi32, #tpu.memory_space<vmem>> -> memref<128xi32, #tpu.memory_space<vmem>>
      %dma_wait3A_326 = arith.constant 0 : i32
      %dma_wait3A_327 = arith.constant 0 : i32
      %dma_wait3A_328 = tpu.memref_slice %arg2[%dma_wait3A_326, %dma_wait3A_327] : memref<10240x32xf32, #tpu.memory_space<hbm>> -> memref<10240x32xf32, #tpu.memory_space<hbm>>
      tpu.wait_indirect_dma semaphore(%arg27 : memref<!tpu.dma_semaphore, #tpu.memory_space<semaphore_mem>>) src(%dma_wait3A_328 : memref<10240x32xf32, #tpu.memory_space<hbm>>) dst(%arg16 : memref<128x32xf32, #tpu.memory_space<vmem>>)
      %dma_start3A_329 = arith.constant 0 : i32
      %dma_start3A_330 = tpu.memref_slice %arg7[%add3A_322, %dma_start3A_329] : memref<160x128xi32, #tpu.memory_space<vmem>> -> memref<1x128xi32, #tpu.memory_space<vmem>>
      %dma_start3A_331 = tpu.memref_squeeze %dma_start3A_330 : memref<1x128xi32, #tpu.memory_space<vmem>> -> memref<128xi32, #tpu.memory_space<vmem>>
      %dma_start3A_332 = arith.constant 0 : i32
      %dma_start3A_333 = arith.constant 0 : i32
      %dma_start3A_334 = tpu.memref_slice %arg5[%dma_start3A_332, %dma_start3A_333] : memref<10240x32xf32, #tpu.memory_space<vmem_shared>> -> memref<10240x32xf32, #tpu.memory_space<vmem_shared>>
      tpu.enqueue_indirect_dma source(%arg16 : memref<128x32xf32, #tpu.memory_space<vmem>>) target(%dma_start3A_334 : memref<10240x32xf32, #tpu.memory_space<vmem_shared>>) offsets(%dma_start3A_331 : memref<128xi32, #tpu.memory_space<vmem>>) semaphore(%arg37 : memref<!tpu.dma_semaphore, #tpu.memory_space<semaphore_mem>>) {add = true}
      %add3A_335 = arith.constant 5 : i32
      %add3A_336 = arith.addi %add3A_322, %add3A_335 : i32
      %lt3A_337 = arith.constant 160 : i32
      %lt3A_338 = arith.cmpi slt, %add3A_336, %lt3A_337 : i32
      %convert_element_type3A_339 = arith.extui %lt3A_338 : i1 to i32
      %cond3A_340 = arith.constant 0 : i32
      %cond3A_341 = arith.cmpi ne, %convert_element_type3A_339, %cond3A_340 : i32
      scf.if %cond3A_341 {
        %ge3A = arith.constant 10 : i32
        %ge3A_366 = arith.cmpi sge, %add3A_336, %ge3A : i32
        %convert_element_type3A_367 = arith.extui %ge3A_366 : i1 to i32
        %cond3A_368 = arith.constant 0 : i32
        %cond3A_369 = arith.cmpi ne, %convert_element_type3A_367, %cond3A_368 : i32
        scf.if %cond3A_369 {
          %sub3A = arith.constant 10 : i32
          %sub3A_376 = arith.subi %add3A_336, %sub3A : i32
          %dma_wait3A_377 = arith.constant 0 : i32
          %dma_wait3A_378 = tpu.memref_slice %arg7[%sub3A_376, %dma_wait3A_377] : memref<160x128xi32, #tpu.memory_space<vmem>> -> memref<1x128xi32, #tpu.memory_space<vmem>>
          %dma_wait3A_379 = tpu.memref_squeeze %dma_wait3A_378 : memref<1x128xi32, #tpu.memory_space<vmem>> -> memref<128xi32, #tpu.memory_space<vmem>>
          %dma_wait3A_380 = arith.constant 0 : i32
          %dma_wait3A_381 = arith.constant 0 : i32
          %dma_wait3A_382 = tpu.memref_slice %arg5[%dma_wait3A_380, %dma_wait3A_381] : memref<10240x32xf32, #tpu.memory_space<vmem_shared>> -> memref<10240x32xf32, #tpu.memory_space<vmem_shared>>
          tpu.wait_indirect_dma semaphore(%arg32 : memref<!tpu.dma_semaphore, #tpu.memory_space<semaphore_mem>>) src(%arg11 : memref<128x32xf32, #tpu.memory_space<vmem>>) dst(%dma_wait3A_382 : memref<10240x32xf32, #tpu.memory_space<vmem_shared>>)
        } else {
        }
        %dma_start3A_370 = arith.constant 0 : i32
        %dma_start3A_371 = tpu.memref_slice %arg6[%add3A_336, %dma_start3A_370] : memref<160x128xi32, #tpu.memory_space<vmem>> -> memref<1x128xi32, #tpu.memory_space<vmem>>
        %dma_start3A_372 = tpu.memref_squeeze %dma_start3A_371 : memref<1x128xi32, #tpu.memory_space<vmem>> -> memref<128xi32, #tpu.memory_space<vmem>>
        %dma_start3A_373 = arith.constant 0 : i32
        %dma_start3A_374 = arith.constant 0 : i32
        %dma_start3A_375 = tpu.memref_slice %arg2[%dma_start3A_373, %dma_start3A_374] : memref<10240x32xf32, #tpu.memory_space<hbm>> -> memref<10240x32xf32, #tpu.memory_space<hbm>>
        tpu.enqueue_indirect_dma source(%dma_start3A_375 : memref<10240x32xf32, #tpu.memory_space<hbm>>) target(%arg11 : memref<128x32xf32, #tpu.memory_space<vmem>>) offsets(%dma_start3A_372 : memref<128xi32, #tpu.memory_space<vmem>>) semaphore(%arg22 : memref<!tpu.dma_semaphore, #tpu.memory_space<semaphore_mem>>)
      } else {
      }
      %mul3A_342 = arith.constant 10 : i32
      %mul3A_343 = arith.muli %mul3A_342, %scan3A_136 : i32
      %add3A_344 = arith.constant 9 : i32
      %add3A_345 = arith.addi %mul3A_343, %add3A_344 : i32
      %dma_wait3A_346 = arith.constant 0 : i32
      %dma_wait3A_347 = tpu.memref_slice %arg6[%add3A_345, %dma_wait3A_346] : memref<160x128xi32, #tpu.memory_space<vmem>> -> memref<1x128xi32, #tpu.memory_space<vmem>>
      %dma_wait3A_348 = tpu.memref_squeeze %dma_wait3A_347 : memref<1x128xi32, #tpu.memory_space<vmem>> -> memref<128xi32, #tpu.memory_space<vmem>>
      %dma_wait3A_349 = arith.constant 0 : i32
      %dma_wait3A_350 = arith.constant 0 : i32
      %dma_wait3A_351 = tpu.memref_slice %arg2[%dma_wait3A_349, %dma_wait3A_350] : memref<10240x32xf32, #tpu.memory_space<hbm>> -> memref<10240x32xf32, #tpu.memory_space<hbm>>
      tpu.wait_indirect_dma semaphore(%arg28 : memref<!tpu.dma_semaphore, #tpu.memory_space<semaphore_mem>>) src(%dma_wait3A_351 : memref<10240x32xf32, #tpu.memory_space<hbm>>) dst(%arg17 : memref<128x32xf32, #tpu.memory_space<vmem>>)
      %dma_start3A_352 = arith.constant 0 : i32
      %dma_start3A_353 = tpu.memref_slice %arg7[%add3A_345, %dma_start3A_352] : memref<160x128xi32, #tpu.memory_space<vmem>> -> memref<1x128xi32, #tpu.memory_space<vmem>>
      %dma_start3A_354 = tpu.memref_squeeze %dma_start3A_353 : memref<1x128xi32, #tpu.memory_space<vmem>> -> memref<128xi32, #tpu.memory_space<vmem>>
      %dma_start3A_355 = arith.constant 0 : i32
      %dma_start3A_356 = arith.constant 0 : i32
      %dma_start3A_357 = tpu.memref_slice %arg5[%dma_start3A_355, %dma_start3A_356] : memref<10240x32xf32, #tpu.memory_space<vmem_shared>> -> memref<10240x32xf32, #tpu.memory_space<vmem_shared>>
      tpu.enqueue_indirect_dma source(%arg17 : memref<128x32xf32, #tpu.memory_space<vmem>>) target(%dma_start3A_357 : memref<10240x32xf32, #tpu.memory_space<vmem_shared>>) offsets(%dma_start3A_354 : memref<128xi32, #tpu.memory_space<vmem>>) semaphore(%arg38 : memref<!tpu.dma_semaphore, #tpu.memory_space<semaphore_mem>>) {add = true}
      %add3A_358 = arith.constant 5 : i32
      %add3A_359 = arith.addi %add3A_345, %add3A_358 : i32
      %lt3A_360 = arith.constant 160 : i32
      %lt3A_361 = arith.cmpi slt, %add3A_359, %lt3A_360 : i32
      %convert_element_type3A_362 = arith.extui %lt3A_361 : i1 to i32
      %cond3A_363 = arith.constant 0 : i32
      %cond3A_364 = arith.cmpi ne, %convert_element_type3A_362, %cond3A_363 : i32
      scf.if %cond3A_364 {
        %ge3A = arith.constant 10 : i32
        %ge3A_366 = arith.cmpi sge, %add3A_359, %ge3A : i32
        %convert_element_type3A_367 = arith.extui %ge3A_366 : i1 to i32
        %cond3A_368 = arith.constant 0 : i32
        %cond3A_369 = arith.cmpi ne, %convert_element_type3A_367, %cond3A_368 : i32
        scf.if %cond3A_369 {
          %sub3A = arith.constant 10 : i32
          %sub3A_376 = arith.subi %add3A_359, %sub3A : i32
          %dma_wait3A_377 = arith.constant 0 : i32
          %dma_wait3A_378 = tpu.memref_slice %arg7[%sub3A_376, %dma_wait3A_377] : memref<160x128xi32, #tpu.memory_space<vmem>> -> memref<1x128xi32, #tpu.memory_space<vmem>>
          %dma_wait3A_379 = tpu.memref_squeeze %dma_wait3A_378 : memref<1x128xi32, #tpu.memory_space<vmem>> -> memref<128xi32, #tpu.memory_space<vmem>>
          %dma_wait3A_380 = arith.constant 0 : i32
          %dma_wait3A_381 = arith.constant 0 : i32
          %dma_wait3A_382 = tpu.memref_slice %arg5[%dma_wait3A_380, %dma_wait3A_381] : memref<10240x32xf32, #tpu.memory_space<vmem_shared>> -> memref<10240x32xf32, #tpu.memory_space<vmem_shared>>
          tpu.wait_indirect_dma semaphore(%arg33 : memref<!tpu.dma_semaphore, #tpu.memory_space<semaphore_mem>>) src(%arg12 : memref<128x32xf32, #tpu.memory_space<vmem>>) dst(%dma_wait3A_382 : memref<10240x32xf32, #tpu.memory_space<vmem_shared>>)
        } else {
        }
        %dma_start3A_370 = arith.constant 0 : i32
        %dma_start3A_371 = tpu.memref_slice %arg6[%add3A_359, %dma_start3A_370] : memref<160x128xi32, #tpu.memory_space<vmem>> -> memref<1x128xi32, #tpu.memory_space<vmem>>
        %dma_start3A_372 = tpu.memref_squeeze %dma_start3A_371 : memref<1x128xi32, #tpu.memory_space<vmem>> -> memref<128xi32, #tpu.memory_space<vmem>>
        %dma_start3A_373 = arith.constant 0 : i32
        %dma_start3A_374 = arith.constant 0 : i32
        %dma_start3A_375 = tpu.memref_slice %arg2[%dma_start3A_373, %dma_start3A_374] : memref<10240x32xf32, #tpu.memory_space<hbm>> -> memref<10240x32xf32, #tpu.memory_space<hbm>>
        tpu.enqueue_indirect_dma source(%dma_start3A_375 : memref<10240x32xf32, #tpu.memory_space<hbm>>) target(%arg12 : memref<128x32xf32, #tpu.memory_space<vmem>>) offsets(%dma_start3A_372 : memref<128xi32, #tpu.memory_space<vmem>>) semaphore(%arg23 : memref<!tpu.dma_semaphore, #tpu.memory_space<semaphore_mem>>)
      } else {
      }
      %scan3A_365 = arith.constant 0 : i32
      scf.yield %scan3A_365 : i32
    }
    %scan3A_61 = arith.constant 16 : i32
    %dma_wait3A = arith.constant 150 : i32
    %dma_wait3A_62 = arith.constant 0 : i32
    %dma_wait3A_63 = tpu.memref_slice %arg7[%dma_wait3A, %dma_wait3A_62] : memref<160x128xi32, #tpu.memory_space<vmem>> -> memref<1x128xi32, #tpu.memory_space<vmem>>
    %dma_wait3A_64 = tpu.memref_squeeze %dma_wait3A_63 : memref<1x128xi32, #tpu.memory_space<vmem>> -> memref<128xi32, #tpu.memory_space<vmem>>
    %dma_wait3A_65 = arith.constant 0 : i32
    %dma_wait3A_66 = arith.constant 0 : i32
    %dma_wait3A_67 = tpu.memref_slice %arg5[%dma_wait3A_65, %dma_wait3A_66] : memref<10240x32xf32, #tpu.memory_space<vmem_shared>> -> memref<10240x32xf32, #tpu.memory_space<vmem_shared>>
    tpu.wait_indirect_dma semaphore(%arg29 : memref<!tpu.dma_semaphore, #tpu.memory_space<semaphore_mem>>) src(%arg8 : memref<128x32xf32, #tpu.memory_space<vmem>>) dst(%dma_wait3A_67 : memref<10240x32xf32, #tpu.memory_space<vmem_shared>>)
    %dma_wait3A_68 = arith.constant 151 : i32
    %dma_wait3A_69 = arith.constant 0 : i32
    %dma_wait3A_70 = tpu.memref_slice %arg7[%dma_wait3A_68, %dma_wait3A_69] : memref<160x128xi32, #tpu.memory_space<vmem>> -> memref<1x128xi32, #tpu.memory_space<vmem>>
    %dma_wait3A_71 = tpu.memref_squeeze %dma_wait3A_70 : memref<1x128xi32, #tpu.memory_space<vmem>> -> memref<128xi32, #tpu.memory_space<vmem>>
    %dma_wait3A_72 = arith.constant 0 : i32
    %dma_wait3A_73 = arith.constant 0 : i32
    %dma_wait3A_74 = tpu.memref_slice %arg5[%dma_wait3A_72, %dma_wait3A_73] : memref<10240x32xf32, #tpu.memory_space<vmem_shared>> -> memref<10240x32xf32, #tpu.memory_space<vmem_shared>>
    tpu.wait_indirect_dma semaphore(%arg30 : memref<!tpu.dma_semaphore, #tpu.memory_space<semaphore_mem>>) src(%arg9 : memref<128x32xf32, #tpu.memory_space<vmem>>) dst(%dma_wait3A_74 : memref<10240x32xf32, #tpu.memory_space<vmem_shared>>)
    %dma_wait3A_75 = arith.constant 152 : i32
    %dma_wait3A_76 = arith.constant 0 : i32
    %dma_wait3A_77 = tpu.memref_slice %arg7[%dma_wait3A_75, %dma_wait3A_76] : memref<160x128xi32, #tpu.memory_space<vmem>> -> memref<1x128xi32, #tpu.memory_space<vmem>>
    %dma_wait3A_78 = tpu.memref_squeeze %dma_wait3A_77 : memref<1x128xi32, #tpu.memory_space<vmem>> -> memref<128xi32, #tpu.memory_space<vmem>>
    %dma_wait3A_79 = arith.constant 0 : i32
    %dma_wait3A_80 = arith.constant 0 : i32
    %dma_wait3A_81 = tpu.memref_slice %arg5[%dma_wait3A_79, %dma_wait3A_80] : memref<10240x32xf32, #tpu.memory_space<vmem_shared>> -> memref<10240x32xf32, #tpu.memory_space<vmem_shared>>
    tpu.wait_indirect_dma semaphore(%arg31 : memref<!tpu.dma_semaphore, #tpu.memory_space<semaphore_mem>>) src(%arg10 : memref<128x32xf32, #tpu.memory_space<vmem>>) dst(%dma_wait3A_81 : memref<10240x32xf32, #tpu.memory_space<vmem_shared>>)
    %dma_wait3A_82 = arith.constant 153 : i32
    %dma_wait3A_83 = arith.constant 0 : i32
    %dma_wait3A_84 = tpu.memref_slice %arg7[%dma_wait3A_82, %dma_wait3A_83] : memref<160x128xi32, #tpu.memory_space<vmem>> -> memref<1x128xi32, #tpu.memory_space<vmem>>
    %dma_wait3A_85 = tpu.memref_squeeze %dma_wait3A_84 : memref<1x128xi32, #tpu.memory_space<vmem>> -> memref<128xi32, #tpu.memory_space<vmem>>
    %dma_wait3A_86 = arith.constant 0 : i32
    %dma_wait3A_87 = arith.constant 0 : i32
    %dma_wait3A_88 = tpu.memref_slice %arg5[%dma_wait3A_86, %dma_wait3A_87] : memref<10240x32xf32, #tpu.memory_space<vmem_shared>> -> memref<10240x32xf32, #tpu.memory_space<vmem_shared>>
    tpu.wait_indirect_dma semaphore(%arg32 : memref<!tpu.dma_semaphore, #tpu.memory_space<semaphore_mem>>) src(%arg11 : memref<128x32xf32, #tpu.memory_space<vmem>>) dst(%dma_wait3A_88 : memref<10240x32xf32, #tpu.memory_space<vmem_shared>>)
    %dma_wait3A_89 = arith.constant 154 : i32
    %dma_wait3A_90 = arith.constant 0 : i32
    %dma_wait3A_91 = tpu.memref_slice %arg7[%dma_wait3A_89, %dma_wait3A_90] : memref<160x128xi32, #tpu.memory_space<vmem>> -> memref<1x128xi32, #tpu.memory_space<vmem>>
    %dma_wait3A_92 = tpu.memref_squeeze %dma_wait3A_91 : memref<1x128xi32, #tpu.memory_space<vmem>> -> memref<128xi32, #tpu.memory_space<vmem>>
    %dma_wait3A_93 = arith.constant 0 : i32
    %dma_wait3A_94 = arith.constant 0 : i32
    %dma_wait3A_95 = tpu.memref_slice %arg5[%dma_wait3A_93, %dma_wait3A_94] : memref<10240x32xf32, #tpu.memory_space<vmem_shared>> -> memref<10240x32xf32, #tpu.memory_space<vmem_shared>>
    tpu.wait_indirect_dma semaphore(%arg33 : memref<!tpu.dma_semaphore, #tpu.memory_space<semaphore_mem>>) src(%arg12 : memref<128x32xf32, #tpu.memory_space<vmem>>) dst(%dma_wait3A_95 : memref<10240x32xf32, #tpu.memory_space<vmem_shared>>)
    %dma_wait3A_96 = arith.constant 155 : i32
    %dma_wait3A_97 = arith.constant 0 : i32
    %dma_wait3A_98 = tpu.memref_slice %arg7[%dma_wait3A_96, %dma_wait3A_97] : memref<160x128xi32, #tpu.memory_space<vmem>> -> memref<1x128xi32, #tpu.memory_space<vmem>>
    %dma_wait3A_99 = tpu.memref_squeeze %dma_wait3A_98 : memref<1x128xi32, #tpu.memory_space<vmem>> -> memref<128xi32, #tpu.memory_space<vmem>>
    %dma_wait3A_100 = arith.constant 0 : i32
    %dma_wait3A_101 = arith.constant 0 : i32
    %dma_wait3A_102 = tpu.memref_slice %arg5[%dma_wait3A_100, %dma_wait3A_101] : memref<10240x32xf32, #tpu.memory_space<vmem_shared>> -> memref<10240x32xf32, #tpu.memory_space<vmem_shared>>
    tpu.wait_indirect_dma semaphore(%arg34 : memref<!tpu.dma_semaphore, #tpu.memory_space<semaphore_mem>>) src(%arg13 : memref<128x32xf32, #tpu.memory_space<vmem>>) dst(%dma_wait3A_102 : memref<10240x32xf32, #tpu.memory_space<vmem_shared>>)
    %dma_wait3A_103 = arith.constant 156 : i32
    %dma_wait3A_104 = arith.constant 0 : i32
    %dma_wait3A_105 = tpu.memref_slice %arg7[%dma_wait3A_103, %dma_wait3A_104] : memref<160x128xi32, #tpu.memory_space<vmem>> -> memref<1x128xi32, #tpu.memory_space<vmem>>
    %dma_wait3A_106 = tpu.memref_squeeze %dma_wait3A_105 : memref<1x128xi32, #tpu.memory_space<vmem>> -> memref<128xi32, #tpu.memory_space<vmem>>
    %dma_wait3A_107 = arith.constant 0 : i32
    %dma_wait3A_108 = arith.constant 0 : i32
    %dma_wait3A_109 = tpu.memref_slice %arg5[%dma_wait3A_107, %dma_wait3A_108] : memref<10240x32xf32, #tpu.memory_space<vmem_shared>> -> memref<10240x32xf32, #tpu.memory_space<vmem_shared>>
    tpu.wait_indirect_dma semaphore(%arg35 : memref<!tpu.dma_semaphore, #tpu.memory_space<semaphore_mem>>) src(%arg14 : memref<128x32xf32, #tpu.memory_space<vmem>>) dst(%dma_wait3A_109 : memref<10240x32xf32, #tpu.memory_space<vmem_shared>>)
    %dma_wait3A_110 = arith.constant 157 : i32
    %dma_wait3A_111 = arith.constant 0 : i32
    %dma_wait3A_112 = tpu.memref_slice %arg7[%dma_wait3A_110, %dma_wait3A_111] : memref<160x128xi32, #tpu.memory_space<vmem>> -> memref<1x128xi32, #tpu.memory_space<vmem>>
    %dma_wait3A_113 = tpu.memref_squeeze %dma_wait3A_112 : memref<1x128xi32, #tpu.memory_space<vmem>> -> memref<128xi32, #tpu.memory_space<vmem>>
    %dma_wait3A_114 = arith.constant 0 : i32
    %dma_wait3A_115 = arith.constant 0 : i32
    %dma_wait3A_116 = tpu.memref_slice %arg5[%dma_wait3A_114, %dma_wait3A_115] : memref<10240x32xf32, #tpu.memory_space<vmem_shared>> -> memref<10240x32xf32, #tpu.memory_space<vmem_shared>>
    tpu.wait_indirect_dma semaphore(%arg36 : memref<!tpu.dma_semaphore, #tpu.memory_space<semaphore_mem>>) src(%arg15 : memref<128x32xf32, #tpu.memory_space<vmem>>) dst(%dma_wait3A_116 : memref<10240x32xf32, #tpu.memory_space<vmem_shared>>)
    %dma_wait3A_117 = arith.constant 158 : i32
    %dma_wait3A_118 = arith.constant 0 : i32
    %dma_wait3A_119 = tpu.memref_slice %arg7[%dma_wait3A_117, %dma_wait3A_118] : memref<160x128xi32, #tpu.memory_space<vmem>> -> memref<1x128xi32, #tpu.memory_space<vmem>>
    %dma_wait3A_120 = tpu.memref_squeeze %dma_wait3A_119 : memref<1x128xi32, #tpu.memory_space<vmem>> -> memref<128xi32, #tpu.memory_space<vmem>>
    %dma_wait3A_121 = arith.constant 0 : i32
    %dma_wait3A_122 = arith.constant 0 : i32
    %dma_wait3A_123 = tpu.memref_slice %arg5[%dma_wait3A_121, %dma_wait3A_122] : memref<10240x32xf32, #tpu.memory_space<vmem_shared>> -> memref<10240x32xf32, #tpu.memory_space<vmem_shared>>
    tpu.wait_indirect_dma semaphore(%arg37 : memref<!tpu.dma_semaphore, #tpu.memory_space<semaphore_mem>>) src(%arg16 : memref<128x32xf32, #tpu.memory_space<vmem>>) dst(%dma_wait3A_123 : memref<10240x32xf32, #tpu.memory_space<vmem_shared>>)
    %dma_wait3A_124 = arith.constant 159 : i32
    %dma_wait3A_125 = arith.constant 0 : i32
    %dma_wait3A_126 = tpu.memref_slice %arg7[%dma_wait3A_124, %dma_wait3A_125] : memref<160x128xi32, #tpu.memory_space<vmem>> -> memref<1x128xi32, #tpu.memory_space<vmem>>
    %dma_wait3A_127 = tpu.memref_squeeze %dma_wait3A_126 : memref<1x128xi32, #tpu.memory_space<vmem>> -> memref<128xi32, #tpu.memory_space<vmem>>
    %dma_wait3A_128 = arith.constant 0 : i32
    %dma_wait3A_129 = arith.constant 0 : i32
    %dma_wait3A_130 = tpu.memref_slice %arg5[%dma_wait3A_128, %dma_wait3A_129] : memref<10240x32xf32, #tpu.memory_space<vmem_shared>> -> memref<10240x32xf32, #tpu.memory_space<vmem_shared>>
    tpu.wait_indirect_dma semaphore(%arg38 : memref<!tpu.dma_semaphore, #tpu.memory_space<semaphore_mem>>) src(%arg17 : memref<128x32xf32, #tpu.memory_space<vmem>>) dst(%dma_wait3A_130 : memref<10240x32xf32, #tpu.memory_space<vmem_shared>>)
    %barrier3A_131 = arith.constant 0 : index
    tpu.barrier barrier_id(%barrier3A_131)
    %mul3A_132 = arith.constant 640 : i32
    %mul3A_133 = arith.muli %arg1, %mul3A_132 : i32
    "tpu.region"() ({
      %run_scoped3A = tpu.sem_alloc : memref<!tpu.dma_semaphore, #tpu.memory_space<semaphore_mem>>
      %dma_start3A_136 = arith.constant 0 : i32
      %dma_start3A_137 = tpu.memref_slice %arg5[%mul3A_133, %dma_start3A_136] : memref<10240x32xf32, #tpu.memory_space<vmem_shared>> -> memref<640x32xf32, #tpu.memory_space<vmem_shared>>
      %dma_start3A_138 = arith.constant 0 : i32
      %dma_start3A_139 = tpu.memref_slice %arg5[%mul3A_133, %dma_start3A_138] : memref<10240x32xf32, #tpu.memory_space<vmem_shared>> -> memref<640x32xf32, #tpu.memory_space<vmem_shared>>
      tpu.enqueue_dma source(%dma_start3A_139 : memref<640x32xf32, #tpu.memory_space<vmem_shared>>) target(%arg18 : memref<640x32xf32, #tpu.memory_space<vmem>>) target_semaphore(%run_scoped3A : memref<!tpu.dma_semaphore, #tpu.memory_space<semaphore_mem>>)
      %dma_wait3A_140 = arith.constant 0 : i32
      %dma_wait3A_141 = tpu.memref_slice %arg5[%mul3A_133, %dma_wait3A_140] : memref<10240x32xf32, #tpu.memory_space<vmem_shared>> -> memref<640x32xf32, #tpu.memory_space<vmem_shared>>
      %dma_wait3A_142 = arith.constant 0 : i32
      %dma_wait3A_143 = tpu.memref_slice %arg5[%mul3A_133, %dma_wait3A_142] : memref<10240x32xf32, #tpu.memory_space<vmem_shared>> -> memref<640x32xf32, #tpu.memory_space<vmem_shared>>
      tpu.wait_dma2 semaphore(%run_scoped3A : memref<!tpu.dma_semaphore, #tpu.memory_space<semaphore_mem>>) src(%dma_wait3A_143 : memref<640x32xf32, #tpu.memory_space<vmem_shared>>) dst(%arg18 : memref<640x32xf32, #tpu.memory_space<vmem>>)
      tpu.yield
    }) : () -> ()
    %mul3A_134 = arith.constant 640 : i32
    %mul3A_135 = arith.muli %arg1, %mul3A_134 : i32
    "tpu.region"() ({
      %run_scoped3A = tpu.sem_alloc : memref<!tpu.dma_semaphore, #tpu.memory_space<semaphore_mem>>
      %dma_start3A_136 = arith.constant 0 : i32
      %dma_start3A_137 = tpu.memref_slice %arg4[%arg0, %mul3A_135, %dma_start3A_136] : memref<1x10240x32xf32, #tpu.memory_space<hbm>> -> memref<1x640x32xf32, #tpu.memory_space<hbm>>
      %dma_start3A_138 = tpu.memref_squeeze %dma_start3A_137 : memref<1x640x32xf32, #tpu.memory_space<hbm>> -> memref<640x32xf32, #tpu.memory_space<hbm>>
      %dma_start3A_139 = arith.constant 0 : i32
      %dma_start3A_140 = tpu.memref_slice %arg4[%arg0, %mul3A_135, %dma_start3A_139] : memref<1x10240x32xf32, #tpu.memory_space<hbm>> -> memref<1x640x32xf32, #tpu.memory_space<hbm>>
      %dma_start3A_141 = tpu.memref_squeeze %dma_start3A_140 : memref<1x640x32xf32, #tpu.memory_space<hbm>> -> memref<640x32xf32, #tpu.memory_space<hbm>>
      tpu.enqueue_dma source(%arg18 : memref<640x32xf32, #tpu.memory_space<vmem>>) target(%dma_start3A_141 : memref<640x32xf32, #tpu.memory_space<hbm>>) target_semaphore(%run_scoped3A : memref<!tpu.dma_semaphore, #tpu.memory_space<semaphore_mem>>)
      %dma_wait3A_142 = arith.constant 0 : i32
      %dma_wait3A_143 = tpu.memref_slice %arg4[%arg0, %mul3A_135, %dma_wait3A_142] : memref<1x10240x32xf32, #tpu.memory_space<hbm>> -> memref<1x640x32xf32, #tpu.memory_space<hbm>>
      %dma_wait3A_144 = tpu.memref_squeeze %dma_wait3A_143 : memref<1x640x32xf32, #tpu.memory_space<hbm>> -> memref<640x32xf32, #tpu.memory_space<hbm>>
      %dma_wait3A_145 = arith.constant 0 : i32
      %dma_wait3A_146 = tpu.memref_slice %arg4[%arg0, %mul3A_135, %dma_wait3A_145] : memref<1x10240x32xf32, #tpu.memory_space<hbm>> -> memref<1x640x32xf32, #tpu.memory_space<hbm>>
      %dma_wait3A_147 = tpu.memref_squeeze %dma_wait3A_146 : memref<1x640x32xf32, #tpu.memory_space<hbm>> -> memref<640x32xf32, #tpu.memory_space<hbm>>
      tpu.wait_dma2 semaphore(%run_scoped3A : memref<!tpu.dma_semaphore, #tpu.memory_space<semaphore_mem>>) src(%arg18 : memref<640x32xf32, #tpu.memory_space<vmem>>) dst(%dma_wait3A_147 : memref<640x32xf32, #tpu.memory_space<hbm>>)
      tpu.yield
    }) : () -> ()
    return
  }
}

#map = affine_map<(d0, d1) -> (0, 0)>
#map1 = affine_map<(d0, d1) -> (0, 0, 0)>
module attributes {stable_mosaic.version = 14 : i64} {
  func.func @_agg_kernel(%arg0: i32, %arg1: i32, %arg2: memref<10240x32xf32, #tpu.memory_space<hbm>>, %arg3: memref<2560x128xi32, #tpu.memory_space<hbm>>, %arg4: memref<1x10240x32xf32, #tpu.memory_space<hbm>>, %arg5: memref<10240x32xf32, #tpu.memory_space<vmem_shared>>, %arg6: memref<160x128xi32, #tpu.memory_space<vmem>>, %arg7: memref<160x128xi32, #tpu.memory_space<vmem>>, %arg8: memref<128x32xf32, #tpu.memory_space<vmem>>, %arg9: memref<128x32xf32, #tpu.memory_space<vmem>>, %arg10: memref<128x32xf32, #tpu.memory_space<vmem>>, %arg11: memref<128x32xf32, #tpu.memory_space<vmem>>, %arg12: memref<128x32xf32, #tpu.memory_space<vmem>>, %arg13: memref<128x32xf32, #tpu.memory_space<vmem>>, %arg14: memref<128x32xf32, #tpu.memory_space<vmem>>, %arg15: memref<128x32xf32, #tpu.memory_space<vmem>>, %arg16: memref<128x32xf32, #tpu.memory_space<vmem>>, %arg17: memref<128x32xf32, #tpu.memory_space<vmem>>, %arg18: memref<640x32xf32, #tpu.memory_space<vmem>>, %arg19: memref<!tpu.dma_semaphore, #tpu.memory_space<semaphore_mem>>, %arg20: memref<!tpu.dma_semaphore, #tpu.memory_space<semaphore_mem>>, %arg21: memref<!tpu.dma_semaphore, #tpu.memory_space<semaphore_mem>>, %arg22: memref<!tpu.dma_semaphore, #tpu.memory_space<semaphore_mem>>, %arg23: memref<!tpu.dma_semaphore, #tpu.memory_space<semaphore_mem>>, %arg24: memref<!tpu.dma_semaphore, #tpu.memory_space<semaphore_mem>>, %arg25: memref<!tpu.dma_semaphore, #tpu.memory_space<semaphore_mem>>, %arg26: memref<!tpu.dma_semaphore, #tpu.memory_space<semaphore_mem>>, %arg27: memref<!tpu.dma_semaphore, #tpu.memory_space<semaphore_mem>>, %arg28: memref<!tpu.dma_semaphore, #tpu.memory_space<semaphore_mem>>, %arg29: memref<!tpu.dma_semaphore, #tpu.memory_space<semaphore_mem>>, %arg30: memref<!tpu.dma_semaphore, #tpu.memory_space<semaphore_mem>>, %arg31: memref<!tpu.dma_semaphore, #tpu.memory_space<semaphore_mem>>, %arg32: memref<!tpu.dma_semaphore, #tpu.memory_space<semaphore_mem>>, %arg33: memref<!tpu.dma_semaphore, #tpu.memory_space<semaphore_mem>>, %arg34: memref<!tpu.dma_semaphore, #tpu.memory_space<semaphore_mem>>, %arg35: memref<!tpu.dma_semaphore, #tpu.memory_space<semaphore_mem>>, %arg36: memref<!tpu.dma_semaphore, #tpu.memory_space<semaphore_mem>>, %arg37: memref<!tpu.dma_semaphore, #tpu.memory_space<semaphore_mem>>, %arg38: memref<!tpu.dma_semaphore, #tpu.memory_space<semaphore_mem>>) attributes {dimension_semantics = [#tpu.dimension_semantics<core_parallel>, #tpu.dimension_semantics<subcore_parallel>], iteration_bounds = array<i64: 1, 16>, scalar_prefetch = 0 : i64, scratch_operands = 34 : i64, tpu.core_type = #tpu.core_type<sc_vector_subcore>, window_params = [{transform_indices = #map}, {transform_indices = #map}, {transform_indices = #map1}]} {
    %mul3A = arith.constant 1 : i32
    %mul3A_0 = arith.muli %arg1, %mul3A : i32
    %add3A = arith.addi %mul3A_0, %arg0 : i32
    %broadcast_in_dim3A = arith.constant 0.000000e+00 : f32
    %broadcast_in_dim3A_1 = vector.broadcast %broadcast_in_dim3A : f32 to vector<16xf32>
    %scan3A = arith.constant 0 : i32
    %scan3A_2 = arith.constant 0 : i32
    %scan3A_3 = arith.constant 160 : i32
    %scan3A_4 = arith.addi %scan3A_2, %scan3A_3 : i32
    %scan3A_5 = arith.constant 1 : i32
    %scan3A_6 = scf.for %scan3A_136 = %scan3A_2 to %scan3A_4 step %scan3A_5 iter_args(%scan3A_137 = %scan3A) -> (i32)  : i32 {
      %mul3A_138 = arith.constant 4 : i32
      %mul3A_139 = arith.muli %scan3A_136, %mul3A_138 : i32
      %add3A_140 = arith.constant 0 : i32
      %add3A_141 = arith.addi %mul3A_139, %add3A_140 : i32
      %swap3A = arith.index_cast %add3A_141 : i32 to index
      %swap3A_142 = arith.constant 0 : index
      %swap3A_143 = tpu.vector_load %arg18[%swap3A, %swap3A_142] {strides = array<i32>} : memref<640x32xf32, #tpu.memory_space<vmem>>, vector<16xf32>,
      tpu.vector_store %arg18[%swap3A, %swap3A_142], %broadcast_in_dim3A_1 {strides = array<i32>} : memref<640x32xf32, #tpu.memory_space<vmem>>, vector<16xf32>,
      %add3A_144 = arith.constant 0 : i32
      %add3A_145 = arith.addi %mul3A_139, %add3A_144 : i32
      %swap3A_146 = arith.index_cast %add3A_145 : i32 to index
      %swap3A_147 = arith.constant 16 : index
      %swap3A_148 = tpu.vector_load %arg18[%swap3A_146, %swap3A_147] {strides = array<i32>} : memref<640x32xf32, #tpu.memory_space<vmem>>, vector<16xf32>,
      tpu.vector_store %arg18[%swap3A_146, %swap3A_147], %broadcast_in_dim3A_1 {strides = array<i32>} : memref<640x32xf32, #tpu.memory_space<vmem>>, vector<16xf32>,
      %add3A_149 = arith.constant 1 : i32
      %add3A_150 = arith.addi %mul3A_139, %add3A_149 : i32
      %swap3A_151 = arith.index_cast %add3A_150 : i32 to index
      %swap3A_152 = arith.constant 0 : index
      %swap3A_153 = tpu.vector_load %arg18[%swap3A_151, %swap3A_152] {strides = array<i32>} : memref<640x32xf32, #tpu.memory_space<vmem>>, vector<16xf32>,
      tpu.vector_store %arg18[%swap3A_151, %swap3A_152], %broadcast_in_dim3A_1 {strides = array<i32>} : memref<640x32xf32, #tpu.memory_space<vmem>>, vector<16xf32>,
      %add3A_154 = arith.constant 1 : i32
      %add3A_155 = arith.addi %mul3A_139, %add3A_154 : i32
      %swap3A_156 = arith.index_cast %add3A_155 : i32 to index
      %swap3A_157 = arith.constant 16 : index
      %swap3A_158 = tpu.vector_load %arg18[%swap3A_156, %swap3A_157] {strides = array<i32>} : memref<640x32xf32, #tpu.memory_space<vmem>>, vector<16xf32>,
      tpu.vector_store %arg18[%swap3A_156, %swap3A_157], %broadcast_in_dim3A_1 {strides = array<i32>} : memref<640x32xf32, #tpu.memory_space<vmem>>, vector<16xf32>,
      %add3A_159 = arith.constant 2 : i32
      %add3A_160 = arith.addi %mul3A_139, %add3A_159 : i32
      %swap3A_161 = arith.index_cast %add3A_160 : i32 to index
      %swap3A_162 = arith.constant 0 : index
      %swap3A_163 = tpu.vector_load %arg18[%swap3A_161, %swap3A_162] {strides = array<i32>} : memref<640x32xf32, #tpu.memory_space<vmem>>, vector<16xf32>,
      tpu.vector_store %arg18[%swap3A_161, %swap3A_162], %broadcast_in_dim3A_1 {strides = array<i32>} : memref<640x32xf32, #tpu.memory_space<vmem>>, vector<16xf32>,
      %add3A_164 = arith.constant 2 : i32
      %add3A_165 = arith.addi %mul3A_139, %add3A_164 : i32
      %swap3A_166 = arith.index_cast %add3A_165 : i32 to index
      %swap3A_167 = arith.constant 16 : index
      %swap3A_168 = tpu.vector_load %arg18[%swap3A_166, %swap3A_167] {strides = array<i32>} : memref<640x32xf32, #tpu.memory_space<vmem>>, vector<16xf32>,
      tpu.vector_store %arg18[%swap3A_166, %swap3A_167], %broadcast_in_dim3A_1 {strides = array<i32>} : memref<640x32xf32, #tpu.memory_space<vmem>>, vector<16xf32>,
      %add3A_169 = arith.constant 3 : i32
      %add3A_170 = arith.addi %mul3A_139, %add3A_169 : i32
      %swap3A_171 = arith.index_cast %add3A_170 : i32 to index
      %swap3A_172 = arith.constant 0 : index
      %swap3A_173 = tpu.vector_load %arg18[%swap3A_171, %swap3A_172] {strides = array<i32>} : memref<640x32xf32, #tpu.memory_space<vmem>>, vector<16xf32>,
      tpu.vector_store %arg18[%swap3A_171, %swap3A_172], %broadcast_in_dim3A_1 {strides = array<i32>} : memref<640x32xf32, #tpu.memory_space<vmem>>, vector<16xf32>,
      %add3A_174 = arith.constant 3 : i32
      %add3A_175 = arith.addi %mul3A_139, %add3A_174 : i32
      %swap3A_176 = arith.index_cast %add3A_175 : i32 to index
      %swap3A_177 = arith.constant 16 : index
      %swap3A_178 = tpu.vector_load %arg18[%swap3A_176, %swap3A_177] {strides = array<i32>} : memref<640x32xf32, #tpu.memory_space<vmem>>, vector<16xf32>,
      tpu.vector_store %arg18[%swap3A_176, %swap3A_177], %broadcast_in_dim3A_1 {strides = array<i32>} : memref<640x32xf32, #tpu.memory_space<vmem>>, vector<16xf32>,
      %scan3A_179 = arith.constant 0 : i32
      scf.yield %scan3A_179 : i32
    }
    %scan3A_7 = arith.constant 160 : i32
    %mul3A_8 = arith.constant 640 : i32
    %mul3A_9 = arith.muli %arg1, %mul3A_8 : i32
    "tpu.region"() ({
      %run_scoped3A = tpu.sem_alloc : memref<!tpu.dma_semaphore, #tpu.memory_space<semaphore_mem>>
      %dma_start3A_136 = arith.constant 0 : i32
      %dma_start3A_137 = tpu.memref_slice %arg5[%mul3A_9, %dma_start3A_136] : memref<10240x32xf32, #tpu.memory_space<vmem_shared>> -> memref<640x32xf32, #tpu.memory_space<vmem_shared>>
      %dma_start3A_138 = arith.constant 0 : i32
      %dma_start3A_139 = tpu.memref_slice %arg5[%mul3A_9, %dma_start3A_138] : memref<10240x32xf32, #tpu.memory_space<vmem_shared>> -> memref<640x32xf32, #tpu.memory_space<vmem_shared>>
      tpu.enqueue_dma source(%arg18 : memref<640x32xf32, #tpu.memory_space<vmem>>) target(%dma_start3A_139 : memref<640x32xf32, #tpu.memory_space<vmem_shared>>) target_semaphore(%run_scoped3A : memref<!tpu.dma_semaphore, #tpu.memory_space<semaphore_mem>>)
      %dma_wait3A_140 = arith.constant 0 : i32
      %dma_wait3A_141 = tpu.memref_slice %arg5[%mul3A_9, %dma_wait3A_140] : memref<10240x32xf32, #tpu.memory_space<vmem_shared>> -> memref<640x32xf32, #tpu.memory_space<vmem_shared>>
      %dma_wait3A_142 = arith.constant 0 : i32
      %dma_wait3A_143 = tpu.memref_slice %arg5[%mul3A_9, %dma_wait3A_142] : memref<10240x32xf32, #tpu.memory_space<vmem_shared>> -> memref<640x32xf32, #tpu.memory_space<vmem_shared>>
      tpu.wait_dma2 semaphore(%run_scoped3A : memref<!tpu.dma_semaphore, #tpu.memory_space<semaphore_mem>>) src(%arg18 : memref<640x32xf32, #tpu.memory_space<vmem>>) dst(%dma_wait3A_143 : memref<640x32xf32, #tpu.memory_space<vmem_shared>>)
      tpu.yield
    }) : () -> ()
    %mul3A_10 = arith.constant 160 : i32
    %mul3A_11 = arith.muli %add3A, %mul3A_10 : i32
    "tpu.region"() ({
      %run_scoped3A = tpu.sem_alloc : memref<!tpu.dma_semaphore, #tpu.memory_space<semaphore_mem>>
      %dma_start3A_136 = arith.constant 0 : i32
      %dma_start3A_137 = tpu.memref_slice %arg3[%mul3A_11, %dma_start3A_136] : memref<2560x128xi32, #tpu.memory_space<hbm>> -> memref<160x128xi32, #tpu.memory_space<hbm>>
      %dma_start3A_138 = arith.constant 0 : i32
      %dma_start3A_139 = tpu.memref_slice %arg3[%mul3A_11, %dma_start3A_138] : memref<2560x128xi32, #tpu.memory_space<hbm>> -> memref<160x128xi32, #tpu.memory_space<hbm>>
      tpu.enqueue_dma source(%dma_start3A_139 : memref<160x128xi32, #tpu.memory_space<hbm>>) target(%arg6 : memref<160x128xi32, #tpu.memory_space<vmem>>) target_semaphore(%run_scoped3A : memref<!tpu.dma_semaphore, #tpu.memory_space<semaphore_mem>>)
      %dma_wait3A_140 = arith.constant 0 : i32
      %dma_wait3A_141 = tpu.memref_slice %arg3[%mul3A_11, %dma_wait3A_140] : memref<2560x128xi32, #tpu.memory_space<hbm>> -> memref<160x128xi32, #tpu.memory_space<hbm>>
      %dma_wait3A_142 = arith.constant 0 : i32
      %dma_wait3A_143 = tpu.memref_slice %arg3[%mul3A_11, %dma_wait3A_142] : memref<2560x128xi32, #tpu.memory_space<hbm>> -> memref<160x128xi32, #tpu.memory_space<hbm>>
      tpu.wait_dma2 semaphore(%run_scoped3A : memref<!tpu.dma_semaphore, #tpu.memory_space<semaphore_mem>>) src(%dma_wait3A_143 : memref<160x128xi32, #tpu.memory_space<hbm>>) dst(%arg6 : memref<160x128xi32, #tpu.memory_space<vmem>>)
      tpu.yield
    }) : () -> ()
    %broadcast_in_dim3A_12 = arith.constant 65535 : i32
    %broadcast_in_dim3A_13 = vector.broadcast %broadcast_in_dim3A_12 : i32 to vector<16xi32>
    %scan3A_14 = arith.constant 0 : i32
    %scan3A_15 = arith.constant 0 : i32
    %scan3A_16 = arith.constant 640 : i32
    %scan3A_17 = arith.addi %scan3A_15, %scan3A_16 : i32
    %scan3A_18 = arith.constant 1 : i32
    %scan3A_19 = scf.for %scan3A_136 = %scan3A_15 to %scan3A_17 step %scan3A_18 iter_args(%scan3A_137 = %scan3A_14) -> (i32)  : i32 {
      %mul3A_138 = arith.constant 2 : i32
      %mul3A_139 = arith.muli %scan3A_136, %mul3A_138 : i32
      %mul3A_140 = arith.constant 16 : i32
      %mul3A_141 = arith.muli %mul3A_139, %mul3A_140 : i32
      %add3A_142 = arith.constant 0 : i32
      %add3A_143 = arith.addi %mul3A_141, %add3A_142 : i32
      %jit3A = arith.constant 128 : i32
      %div3A = arith.divsi %add3A_143, %jit3A : i32
      %sign3A = arith.constant 0 : i32
      %sign3A_144 = arith.cmpi sgt, %add3A_143, %sign3A : i32
      %sign3A_145 = arith.extui %sign3A_144 : i1 to i32
      %sign3A_146 = arith.constant 0 : i32
      %sign3A_147 = arith.cmpi slt, %add3A_143, %sign3A_146 : i32
      %sign3A_148 = arith.extui %sign3A_147 : i1 to i32
      %sign3A_149 = arith.subi %sign3A_145, %sign3A_148 : i32
      %sign3A_150 = arith.constant 0 : i32
      %sign3A_151 = arith.cmpi sgt, %jit3A, %sign3A_150 : i32
      %sign3A_152 = arith.extui %sign3A_151 : i1 to i32
      %sign3A_153 = arith.constant 0 : i32
      %sign3A_154 = arith.cmpi slt, %jit3A, %sign3A_153 : i32
      %sign3A_155 = arith.extui %sign3A_154 : i1 to i32
      %sign3A_156 = arith.subi %sign3A_152, %sign3A_155 : i32
      %ne3A = arith.cmpi ne, %sign3A_149, %sign3A_156 : i32
      %rem3A = arith.remsi %add3A_143, %jit3A : i32
      %ne3A_157 = arith.constant 0 : i32
      %ne3A_158 = arith.cmpi ne, %rem3A, %ne3A_157 : i32
      %and3A = arith.andi %ne3A, %ne3A_158 : i1
      %sub3A = arith.constant 1 : i32
      %sub3A_159 = arith.subi %div3A, %sub3A : i32
      %select_n3A = arith.select %and3A, %sub3A_159, %div3A : i32
      %add3A_160 = arith.constant 0 : i32
      %add3A_161 = arith.addi %mul3A_141, %add3A_160 : i32
      %jit3A_162 = arith.constant 128 : i32
      %eq3A = arith.constant 0 : i32
      %eq3A_163 = arith.cmpi eq, %jit3A_162, %eq3A : i32
      %jit3A_164 = arith.constant 1 : i32
      %select_n3A_165 = arith.select %eq3A_163, %jit3A_164, %jit3A_162 : i32
      %rem3A_166 = arith.remsi %add3A_161, %select_n3A_165 : i32
      %ne3A_167 = arith.constant 0 : i32
      %ne3A_168 = arith.cmpi ne, %rem3A_166, %ne3A_167 : i32
      %lt3A = arith.constant 0 : i32
      %lt3A_169 = arith.cmpi slt, %rem3A_166, %lt3A : i32
      %lt3A_170 = arith.constant 0 : i32
      %lt3A_171 = arith.cmpi slt, %select_n3A_165, %lt3A_170 : i32
      %ne3A_172 = arith.xori %lt3A_169, %lt3A_171 : i1
      %and3A_173 = arith.andi %ne3A_172, %ne3A_168 : i1
      %add3A_174 = arith.addi %rem3A_166, %select_n3A_165 : i32
      %select_n3A_175 = arith.select %and3A_173, %add3A_174, %rem3A_166 : i32
      %get3A = arith.index_cast %select_n3A : i32 to index
      %get3A_176 = arith.index_cast %select_n3A_175 : i32 to index
      %get3A_177 = tpu.vector_load %arg6[%get3A, %get3A_176] {strides = array<i32>} : memref<160x128xi32, #tpu.memory_space<vmem>>, vector<16xi32>,
      %shift_right_logical3A = arith.constant 16 : i32
      %shift_right_logical3A_178 = vector.broadcast %shift_right_logical3A : i32 to vector<16xi32>
      %shift_right_logical3A_179 = arith.shrui %get3A_177, %shift_right_logical3A_178 : vector<16xi32>
      %swap3A = arith.index_cast %select_n3A : i32 to index
      %swap3A_180 = arith.index_cast %select_n3A_175 : i32 to index
      %swap3A_181 = tpu.vector_load %arg7[%swap3A, %swap3A_180] {strides = array<i32>} : memref<160x128xi32, #tpu.memory_space<vmem>>, vector<16xi32>,
      tpu.vector_store %arg7[%swap3A, %swap3A_180], %shift_right_logical3A_179 {strides = array<i32>} : memref<160x128xi32, #tpu.memory_space<vmem>>, vector<16xi32>,
      %and3A_182 = arith.andi %get3A_177, %broadcast_in_dim3A_13 : vector<16xi32>
      %swap3A_183 = arith.index_cast %select_n3A : i32 to index
      %swap3A_184 = arith.index_cast %select_n3A_175 : i32 to index
      %swap3A_185 = tpu.vector_load %arg6[%swap3A_183, %swap3A_184] {strides = array<i32>} : memref<160x128xi32, #tpu.memory_space<vmem>>, vector<16xi32>,
      tpu.vector_store %arg6[%swap3A_183, %swap3A_184], %and3A_182 {strides = array<i32>} : memref<160x128xi32, #tpu.memory_space<vmem>>, vector<16xi32>,
      %add3A_186 = arith.constant 16 : i32
      %add3A_187 = arith.addi %mul3A_141, %add3A_186 : i32
      %jit3A_188 = arith.constant 128 : i32
      %div3A_189 = arith.divsi %add3A_187, %jit3A_188 : i32
      %sign3A_190 = arith.constant 0 : i32
      %sign3A_191 = arith.cmpi sgt, %add3A_187, %sign3A_190 : i32
      %sign3A_192 = arith.extui %sign3A_191 : i1 to i32
      %sign3A_193 = arith.constant 0 : i32
      %sign3A_194 = arith.cmpi slt, %add3A_187, %sign3A_193 : i32
      %sign3A_195 = arith.extui %sign3A_194 : i1 to i32
      %sign3A_196 = arith.subi %sign3A_192, %sign3A_195 : i32
      %sign3A_197 = arith.constant 0 : i32
      %sign3A_198 = arith.cmpi sgt, %jit3A_188, %sign3A_197 : i32
      %sign3A_199 = arith.extui %sign3A_198 : i1 to i32
      %sign3A_200 = arith.constant 0 : i32
      %sign3A_201 = arith.cmpi slt, %jit3A_188, %sign3A_200 : i32
      %sign3A_202 = arith.extui %sign3A_201 : i1 to i32
      %sign3A_203 = arith.subi %sign3A_199, %sign3A_202 : i32
      %ne3A_204 = arith.cmpi ne, %sign3A_196, %sign3A_203 : i32
      %rem3A_205 = arith.remsi %add3A_187, %jit3A_188 : i32
      %ne3A_206 = arith.constant 0 : i32
      %ne3A_207 = arith.cmpi ne, %rem3A_205, %ne3A_206 : i32
      %and3A_208 = arith.andi %ne3A_204, %ne3A_207 : i1
      %sub3A_209 = arith.constant 1 : i32
      %sub3A_210 = arith.subi %div3A_189, %sub3A_209 : i32
      %select_n3A_211 = arith.select %and3A_208, %sub3A_210, %div3A_189 : i32
      %add3A_212 = arith.constant 16 : i32
      %add3A_213 = arith.addi %mul3A_141, %add3A_212 : i32
      %jit3A_214 = arith.constant 128 : i32
      %eq3A_215 = arith.constant 0 : i32
      %eq3A_216 = arith.cmpi eq, %jit3A_214, %eq3A_215 : i32
      %jit3A_217 = arith.constant 1 : i32
      %select_n3A_218 = arith.select %eq3A_216, %jit3A_217, %jit3A_214 : i32
      %rem3A_219 = arith.remsi %add3A_213, %select_n3A_218 : i32
      %ne3A_220 = arith.constant 0 : i32
      %ne3A_221 = arith.cmpi ne, %rem3A_219, %ne3A_220 : i32
      %lt3A_222 = arith.constant 0 : i32
      %lt3A_223 = arith.cmpi slt, %rem3A_219, %lt3A_222 : i32
      %lt3A_224 = arith.constant 0 : i32
      %lt3A_225 = arith.cmpi slt, %select_n3A_218, %lt3A_224 : i32
      %ne3A_226 = arith.xori %lt3A_223, %lt3A_225 : i1
      %and3A_227 = arith.andi %ne3A_226, %ne3A_221 : i1
      %add3A_228 = arith.addi %rem3A_219, %select_n3A_218 : i32
      %select_n3A_229 = arith.select %and3A_227, %add3A_228, %rem3A_219 : i32
      %get3A_230 = arith.index_cast %select_n3A_211 : i32 to index
      %get3A_231 = arith.index_cast %select_n3A_229 : i32 to index
      %get3A_232 = tpu.vector_load %arg6[%get3A_230, %get3A_231] {strides = array<i32>} : memref<160x128xi32, #tpu.memory_space<vmem>>, vector<16xi32>,
      %shift_right_logical3A_233 = arith.constant 16 : i32
      %shift_right_logical3A_234 = vector.broadcast %shift_right_logical3A_233 : i32 to vector<16xi32>
      %shift_right_logical3A_235 = arith.shrui %get3A_232, %shift_right_logical3A_234 : vector<16xi32>
      %swap3A_236 = arith.index_cast %select_n3A_211 : i32 to index
      %swap3A_237 = arith.index_cast %select_n3A_229 : i32 to index
      %swap3A_238 = tpu.vector_load %arg7[%swap3A_236, %swap3A_237] {strides = array<i32>} : memref<160x128xi32, #tpu.memory_space<vmem>>, vector<16xi32>,
      tpu.vector_store %arg7[%swap3A_236, %swap3A_237], %shift_right_logical3A_235 {strides = array<i32>} : memref<160x128xi32, #tpu.memory_space<vmem>>, vector<16xi32>,
      %and3A_239 = arith.andi %get3A_232, %broadcast_in_dim3A_13 : vector<16xi32>
      %swap3A_240 = arith.index_cast %select_n3A_211 : i32 to index
      %swap3A_241 = arith.index_cast %select_n3A_229 : i32 to index
      %swap3A_242 = tpu.vector_load %arg6[%swap3A_240, %swap3A_241] {strides = array<i32>} : memref<160x128xi32, #tpu.memory_space<vmem>>, vector<16xi32>,
      tpu.vector_store %arg6[%swap3A_240, %swap3A_241], %and3A_239 {strides = array<i32>} : memref<160x128xi32, #tpu.memory_space<vmem>>, vector<16xi32>,
      %scan3A_243 = arith.constant 0 : i32
      scf.yield %scan3A_243 : i32
    }
    %scan3A_20 = arith.constant 640 : i32
    %barrier3A = arith.constant 0 : index
    tpu.barrier barrier_id(%barrier3A)
    %dma_start3A = arith.constant 0 : i32
    %dma_start3A_21 = arith.constant 0 : i32
    %dma_start3A_22 = tpu.memref_slice %arg6[%dma_start3A, %dma_start3A_21] : memref<160x128xi32, #tpu.memory_space<vmem>> -> memref<1x128xi32, #tpu.memory_space<vmem>>
    %dma_start3A_23 = tpu.memref_squeeze %dma_start3A_22 : memref<1x128xi32, #tpu.memory_space<vmem>> -> memref<128xi32, #tpu.memory_space<vmem>>
    %dma_start3A_24 = arith.constant 0 : i32
    %dma_start3A_25 = arith.constant 0 : i32
    %dma_start3A_26 = tpu.memref_slice %arg2[%dma_start3A_24, %dma_start3A_25] : memref<10240x32xf32, #tpu.memory_space<hbm>> -> memref<10240x32xf32, #tpu.memory_space<hbm>>
    tpu.enqueue_indirect_dma source(%dma_start3A_26 : memref<10240x32xf32, #tpu.memory_space<hbm>>) target(%arg8 : memref<128x32xf32, #tpu.memory_space<vmem>>) offsets(%dma_start3A_23 : memref<128xi32, #tpu.memory_space<vmem>>) semaphore(%arg19 : memref<!tpu.dma_semaphore, #tpu.memory_space<semaphore_mem>>)
    %dma_start3A_27 = arith.constant 1 : i32
    %dma_start3A_28 = arith.constant 0 : i32
    %dma_start3A_29 = tpu.memref_slice %arg6[%dma_start3A_27, %dma_start3A_28] : memref<160x128xi32, #tpu.memory_space<vmem>> -> memref<1x128xi32, #tpu.memory_space<vmem>>
    %dma_start3A_30 = tpu.memref_squeeze %dma_start3A_29 : memref<1x128xi32, #tpu.memory_space<vmem>> -> memref<128xi32, #tpu.memory_space<vmem>>
    %dma_start3A_31 = arith.constant 0 : i32
    %dma_start3A_32 = arith.constant 0 : i32
    %dma_start3A_33 = tpu.memref_slice %arg2[%dma_start3A_31, %dma_start3A_32] : memref<10240x32xf32, #tpu.memory_space<hbm>> -> memref<10240x32xf32, #tpu.memory_space<hbm>>
    tpu.enqueue_indirect_dma source(%dma_start3A_33 : memref<10240x32xf32, #tpu.memory_space<hbm>>) target(%arg9 : memref<128x32xf32, #tpu.memory_space<vmem>>) offsets(%dma_start3A_30 : memref<128xi32, #tpu.memory_space<vmem>>) semaphore(%arg20 : memref<!tpu.dma_semaphore, #tpu.memory_space<semaphore_mem>>)
    %dma_start3A_34 = arith.constant 2 : i32
    %dma_start3A_35 = arith.constant 0 : i32
    %dma_start3A_36 = tpu.memref_slice %arg6[%dma_start3A_34, %dma_start3A_35] : memref<160x128xi32, #tpu.memory_space<vmem>> -> memref<1x128xi32, #tpu.memory_space<vmem>>
    %dma_start3A_37 = tpu.memref_squeeze %dma_start3A_36 : memref<1x128xi32, #tpu.memory_space<vmem>> -> memref<128xi32, #tpu.memory_space<vmem>>
    %dma_start3A_38 = arith.constant 0 : i32
    %dma_start3A_39 = arith.constant 0 : i32
    %dma_start3A_40 = tpu.memref_slice %arg2[%dma_start3A_38, %dma_start3A_39] : memref<10240x32xf32, #tpu.memory_space<hbm>> -> memref<10240x32xf32, #tpu.memory_space<hbm>>
    tpu.enqueue_indirect_dma source(%dma_start3A_40 : memref<10240x32xf32, #tpu.memory_space<hbm>>) target(%arg10 : memref<128x32xf32, #tpu.memory_space<vmem>>) offsets(%dma_start3A_37 : memref<128xi32, #tpu.memory_space<vmem>>) semaphore(%arg21 : memref<!tpu.dma_semaphore, #tpu.memory_space<semaphore_mem>>)
    %dma_start3A_41 = arith.constant 3 : i32
    %dma_start3A_42 = arith.constant 0 : i32
    %dma_start3A_43 = tpu.memref_slice %arg6[%dma_start3A_41, %dma_start3A_42] : memref<160x128xi32, #tpu.memory_space<vmem>> -> memref<1x128xi32, #tpu.memory_space<vmem>>
    %dma_start3A_44 = tpu.memref_squeeze %dma_start3A_43 : memref<1x128xi32, #tpu.memory_space<vmem>> -> memref<128xi32, #tpu.memory_space<vmem>>
    %dma_start3A_45 = arith.constant 0 : i32
    %dma_start3A_46 = arith.constant 0 : i32
    %dma_start3A_47 = tpu.memref_slice %arg2[%dma_start3A_45, %dma_start3A_46] : memref<10240x32xf32, #tpu.memory_space<hbm>> -> memref<10240x32xf32, #tpu.memory_space<hbm>>
    tpu.enqueue_indirect_dma source(%dma_start3A_47 : memref<10240x32xf32, #tpu.memory_space<hbm>>) target(%arg11 : memref<128x32xf32, #tpu.memory_space<vmem>>) offsets(%dma_start3A_44 : memref<128xi32, #tpu.memory_space<vmem>>) semaphore(%arg22 : memref<!tpu.dma_semaphore, #tpu.memory_space<semaphore_mem>>)
    %dma_start3A_48 = arith.constant 4 : i32
    %dma_start3A_49 = arith.constant 0 : i32
    %dma_start3A_50 = tpu.memref_slice %arg6[%dma_start3A_48, %dma_start3A_49] : memref<160x128xi32, #tpu.memory_space<vmem>> -> memref<1x128xi32, #tpu.memory_space<vmem>>
    %dma_start3A_51 = tpu.memref_squeeze %dma_start3A_50 : memref<1x128xi32, #tpu.memory_space<vmem>> -> memref<128xi32, #tpu.memory_space<vmem>>
    %dma_start3A_52 = arith.constant 0 : i32
    %dma_start3A_53 = arith.constant 0 : i32
    %dma_start3A_54 = tpu.memref_slice %arg2[%dma_start3A_52, %dma_start3A_53] : memref<10240x32xf32, #tpu.memory_space<hbm>> -> memref<10240x32xf32, #tpu.memory_space<hbm>>
    tpu.enqueue_indirect_dma source(%dma_start3A_54 : memref<10240x32xf32, #tpu.memory_space<hbm>>) target(%arg12 : memref<128x32xf32, #tpu.memory_space<vmem>>) offsets(%dma_start3A_51 : memref<128xi32, #tpu.memory_space<vmem>>) semaphore(%arg23 : memref<!tpu.dma_semaphore, #tpu.memory_space<semaphore_mem>>)
    %scan3A_55 = arith.constant 0 : i32
    %scan3A_56 = arith.constant 0 : i32
    %scan3A_57 = arith.constant 16 : i32
    %scan3A_58 = arith.addi %scan3A_56, %scan3A_57 : i32
    %scan3A_59 = arith.constant 1 : i32
    %scan3A_60 = scf.for %scan3A_136 = %scan3A_56 to %scan3A_58 step %scan3A_59 iter_args(%scan3A_137 = %scan3A_55) -> (i32)  : i32 {
      %mul3A_138 = arith.constant 10 : i32
      %mul3A_139 = arith.muli %mul3A_138, %scan3A_136 : i32
      %add3A_140 = arith.constant 0 : i32
      %add3A_141 = arith.addi %mul3A_139, %add3A_140 : i32
      %dma_wait3A_142 = arith.constant 0 : i32
      %dma_wait3A_143 = tpu.memref_slice %arg6[%add3A_141, %dma_wait3A_142] : memref<160x128xi32, #tpu.memory_space<vmem>> -> memref<1x128xi32, #tpu.memory_space<vmem>>
      %dma_wait3A_144 = tpu.memref_squeeze %dma_wait3A_143 : memref<1x128xi32, #tpu.memory_space<vmem>> -> memref<128xi32, #tpu.memory_space<vmem>>
      %dma_wait3A_145 = arith.constant 0 : i32
      %dma_wait3A_146 = arith.constant 0 : i32
      %dma_wait3A_147 = tpu.memref_slice %arg2[%dma_wait3A_145, %dma_wait3A_146] : memref<10240x32xf32, #tpu.memory_space<hbm>> -> memref<10240x32xf32, #tpu.memory_space<hbm>>
      tpu.wait_indirect_dma semaphore(%arg19 : memref<!tpu.dma_semaphore, #tpu.memory_space<semaphore_mem>>) src(%dma_wait3A_147 : memref<10240x32xf32, #tpu.memory_space<hbm>>) dst(%arg8 : memref<128x32xf32, #tpu.memory_space<vmem>>)
      %dma_start3A_148 = arith.constant 0 : i32
      %dma_start3A_149 = tpu.memref_slice %arg7[%add3A_141, %dma_start3A_148] : memref<160x128xi32, #tpu.memory_space<vmem>> -> memref<1x128xi32, #tpu.memory_space<vmem>>
      %dma_start3A_150 = tpu.memref_squeeze %dma_start3A_149 : memref<1x128xi32, #tpu.memory_space<vmem>> -> memref<128xi32, #tpu.memory_space<vmem>>
      %dma_start3A_151 = arith.constant 0 : i32
      %dma_start3A_152 = arith.constant 0 : i32
      %dma_start3A_153 = tpu.memref_slice %arg5[%dma_start3A_151, %dma_start3A_152] : memref<10240x32xf32, #tpu.memory_space<vmem_shared>> -> memref<10240x32xf32, #tpu.memory_space<vmem_shared>>
      tpu.enqueue_indirect_dma source(%arg8 : memref<128x32xf32, #tpu.memory_space<vmem>>) target(%dma_start3A_153 : memref<10240x32xf32, #tpu.memory_space<vmem_shared>>) offsets(%dma_start3A_150 : memref<128xi32, #tpu.memory_space<vmem>>) semaphore(%arg29 : memref<!tpu.dma_semaphore, #tpu.memory_space<semaphore_mem>>) {add = true}
      %add3A_154 = arith.constant 5 : i32
      %add3A_155 = arith.addi %add3A_141, %add3A_154 : i32
      %lt3A = arith.constant 160 : i32
      %lt3A_156 = arith.cmpi slt, %add3A_155, %lt3A : i32
      %convert_element_type3A = arith.extui %lt3A_156 : i1 to i32
      %cond3A = arith.constant 0 : i32
      %cond3A_157 = arith.cmpi ne, %convert_element_type3A, %cond3A : i32
      scf.if %cond3A_157 {
        %ge3A = arith.constant 10 : i32
        %ge3A_366 = arith.cmpi sge, %add3A_155, %ge3A : i32
        %convert_element_type3A_367 = arith.extui %ge3A_366 : i1 to i32
        %cond3A_368 = arith.constant 0 : i32
        %cond3A_369 = arith.cmpi ne, %convert_element_type3A_367, %cond3A_368 : i32
        scf.if %cond3A_369 {
          %sub3A = arith.constant 10 : i32
          %sub3A_376 = arith.subi %add3A_155, %sub3A : i32
          %dma_wait3A_377 = arith.constant 0 : i32
          %dma_wait3A_378 = tpu.memref_slice %arg7[%sub3A_376, %dma_wait3A_377] : memref<160x128xi32, #tpu.memory_space<vmem>> -> memref<1x128xi32, #tpu.memory_space<vmem>>
          %dma_wait3A_379 = tpu.memref_squeeze %dma_wait3A_378 : memref<1x128xi32, #tpu.memory_space<vmem>> -> memref<128xi32, #tpu.memory_space<vmem>>
          %dma_wait3A_380 = arith.constant 0 : i32
          %dma_wait3A_381 = arith.constant 0 : i32
          %dma_wait3A_382 = tpu.memref_slice %arg5[%dma_wait3A_380, %dma_wait3A_381] : memref<10240x32xf32, #tpu.memory_space<vmem_shared>> -> memref<10240x32xf32, #tpu.memory_space<vmem_shared>>
          tpu.wait_indirect_dma semaphore(%arg34 : memref<!tpu.dma_semaphore, #tpu.memory_space<semaphore_mem>>) src(%arg13 : memref<128x32xf32, #tpu.memory_space<vmem>>) dst(%dma_wait3A_382 : memref<10240x32xf32, #tpu.memory_space<vmem_shared>>)
        } else {
        }
        %dma_start3A_370 = arith.constant 0 : i32
        %dma_start3A_371 = tpu.memref_slice %arg6[%add3A_155, %dma_start3A_370] : memref<160x128xi32, #tpu.memory_space<vmem>> -> memref<1x128xi32, #tpu.memory_space<vmem>>
        %dma_start3A_372 = tpu.memref_squeeze %dma_start3A_371 : memref<1x128xi32, #tpu.memory_space<vmem>> -> memref<128xi32, #tpu.memory_space<vmem>>
        %dma_start3A_373 = arith.constant 0 : i32
        %dma_start3A_374 = arith.constant 0 : i32
        %dma_start3A_375 = tpu.memref_slice %arg2[%dma_start3A_373, %dma_start3A_374] : memref<10240x32xf32, #tpu.memory_space<hbm>> -> memref<10240x32xf32, #tpu.memory_space<hbm>>
        tpu.enqueue_indirect_dma source(%dma_start3A_375 : memref<10240x32xf32, #tpu.memory_space<hbm>>) target(%arg13 : memref<128x32xf32, #tpu.memory_space<vmem>>) offsets(%dma_start3A_372 : memref<128xi32, #tpu.memory_space<vmem>>) semaphore(%arg24 : memref<!tpu.dma_semaphore, #tpu.memory_space<semaphore_mem>>)
      } else {
      }
      %mul3A_158 = arith.constant 10 : i32
      %mul3A_159 = arith.muli %mul3A_158, %scan3A_136 : i32
      %add3A_160 = arith.constant 1 : i32
      %add3A_161 = arith.addi %mul3A_159, %add3A_160 : i32
      %dma_wait3A_162 = arith.constant 0 : i32
      %dma_wait3A_163 = tpu.memref_slice %arg6[%add3A_161, %dma_wait3A_162] : memref<160x128xi32, #tpu.memory_space<vmem>> -> memref<1x128xi32, #tpu.memory_space<vmem>>
      %dma_wait3A_164 = tpu.memref_squeeze %dma_wait3A_163 : memref<1x128xi32, #tpu.memory_space<vmem>> -> memref<128xi32, #tpu.memory_space<vmem>>
      %dma_wait3A_165 = arith.constant 0 : i32
      %dma_wait3A_166 = arith.constant 0 : i32
      %dma_wait3A_167 = tpu.memref_slice %arg2[%dma_wait3A_165, %dma_wait3A_166] : memref<10240x32xf32, #tpu.memory_space<hbm>> -> memref<10240x32xf32, #tpu.memory_space<hbm>>
      tpu.wait_indirect_dma semaphore(%arg20 : memref<!tpu.dma_semaphore, #tpu.memory_space<semaphore_mem>>) src(%dma_wait3A_167 : memref<10240x32xf32, #tpu.memory_space<hbm>>) dst(%arg9 : memref<128x32xf32, #tpu.memory_space<vmem>>)
      %dma_start3A_168 = arith.constant 0 : i32
      %dma_start3A_169 = tpu.memref_slice %arg7[%add3A_161, %dma_start3A_168] : memref<160x128xi32, #tpu.memory_space<vmem>> -> memref<1x128xi32, #tpu.memory_space<vmem>>
      %dma_start3A_170 = tpu.memref_squeeze %dma_start3A_169 : memref<1x128xi32, #tpu.memory_space<vmem>> -> memref<128xi32, #tpu.memory_space<vmem>>
      %dma_start3A_171 = arith.constant 0 : i32
      %dma_start3A_172 = arith.constant 0 : i32
      %dma_start3A_173 = tpu.memref_slice %arg5[%dma_start3A_171, %dma_start3A_172] : memref<10240x32xf32, #tpu.memory_space<vmem_shared>> -> memref<10240x32xf32, #tpu.memory_space<vmem_shared>>
      tpu.enqueue_indirect_dma source(%arg9 : memref<128x32xf32, #tpu.memory_space<vmem>>) target(%dma_start3A_173 : memref<10240x32xf32, #tpu.memory_space<vmem_shared>>) offsets(%dma_start3A_170 : memref<128xi32, #tpu.memory_space<vmem>>) semaphore(%arg30 : memref<!tpu.dma_semaphore, #tpu.memory_space<semaphore_mem>>) {add = true}
      %add3A_174 = arith.constant 5 : i32
      %add3A_175 = arith.addi %add3A_161, %add3A_174 : i32
      %lt3A_176 = arith.constant 160 : i32
      %lt3A_177 = arith.cmpi slt, %add3A_175, %lt3A_176 : i32
      %convert_element_type3A_178 = arith.extui %lt3A_177 : i1 to i32
      %cond3A_179 = arith.constant 0 : i32
      %cond3A_180 = arith.cmpi ne, %convert_element_type3A_178, %cond3A_179 : i32
      scf.if %cond3A_180 {
        %ge3A = arith.constant 10 : i32
        %ge3A_366 = arith.cmpi sge, %add3A_175, %ge3A : i32
        %convert_element_type3A_367 = arith.extui %ge3A_366 : i1 to i32
        %cond3A_368 = arith.constant 0 : i32
        %cond3A_369 = arith.cmpi ne, %convert_element_type3A_367, %cond3A_368 : i32
        scf.if %cond3A_369 {
          %sub3A = arith.constant 10 : i32
          %sub3A_376 = arith.subi %add3A_175, %sub3A : i32
          %dma_wait3A_377 = arith.constant 0 : i32
          %dma_wait3A_378 = tpu.memref_slice %arg7[%sub3A_376, %dma_wait3A_377] : memref<160x128xi32, #tpu.memory_space<vmem>> -> memref<1x128xi32, #tpu.memory_space<vmem>>
          %dma_wait3A_379 = tpu.memref_squeeze %dma_wait3A_378 : memref<1x128xi32, #tpu.memory_space<vmem>> -> memref<128xi32, #tpu.memory_space<vmem>>
          %dma_wait3A_380 = arith.constant 0 : i32
          %dma_wait3A_381 = arith.constant 0 : i32
          %dma_wait3A_382 = tpu.memref_slice %arg5[%dma_wait3A_380, %dma_wait3A_381] : memref<10240x32xf32, #tpu.memory_space<vmem_shared>> -> memref<10240x32xf32, #tpu.memory_space<vmem_shared>>
          tpu.wait_indirect_dma semaphore(%arg35 : memref<!tpu.dma_semaphore, #tpu.memory_space<semaphore_mem>>) src(%arg14 : memref<128x32xf32, #tpu.memory_space<vmem>>) dst(%dma_wait3A_382 : memref<10240x32xf32, #tpu.memory_space<vmem_shared>>)
        } else {
        }
        %dma_start3A_370 = arith.constant 0 : i32
        %dma_start3A_371 = tpu.memref_slice %arg6[%add3A_175, %dma_start3A_370] : memref<160x128xi32, #tpu.memory_space<vmem>> -> memref<1x128xi32, #tpu.memory_space<vmem>>
        %dma_start3A_372 = tpu.memref_squeeze %dma_start3A_371 : memref<1x128xi32, #tpu.memory_space<vmem>> -> memref<128xi32, #tpu.memory_space<vmem>>
        %dma_start3A_373 = arith.constant 0 : i32
        %dma_start3A_374 = arith.constant 0 : i32
        %dma_start3A_375 = tpu.memref_slice %arg2[%dma_start3A_373, %dma_start3A_374] : memref<10240x32xf32, #tpu.memory_space<hbm>> -> memref<10240x32xf32, #tpu.memory_space<hbm>>
        tpu.enqueue_indirect_dma source(%dma_start3A_375 : memref<10240x32xf32, #tpu.memory_space<hbm>>) target(%arg14 : memref<128x32xf32, #tpu.memory_space<vmem>>) offsets(%dma_start3A_372 : memref<128xi32, #tpu.memory_space<vmem>>) semaphore(%arg25 : memref<!tpu.dma_semaphore, #tpu.memory_space<semaphore_mem>>)
      } else {
      }
      %mul3A_181 = arith.constant 10 : i32
      %mul3A_182 = arith.muli %mul3A_181, %scan3A_136 : i32
      %add3A_183 = arith.constant 2 : i32
      %add3A_184 = arith.addi %mul3A_182, %add3A_183 : i32
      %dma_wait3A_185 = arith.constant 0 : i32
      %dma_wait3A_186 = tpu.memref_slice %arg6[%add3A_184, %dma_wait3A_185] : memref<160x128xi32, #tpu.memory_space<vmem>> -> memref<1x128xi32, #tpu.memory_space<vmem>>
      %dma_wait3A_187 = tpu.memref_squeeze %dma_wait3A_186 : memref<1x128xi32, #tpu.memory_space<vmem>> -> memref<128xi32, #tpu.memory_space<vmem>>
      %dma_wait3A_188 = arith.constant 0 : i32
      %dma_wait3A_189 = arith.constant 0 : i32
      %dma_wait3A_190 = tpu.memref_slice %arg2[%dma_wait3A_188, %dma_wait3A_189] : memref<10240x32xf32, #tpu.memory_space<hbm>> -> memref<10240x32xf32, #tpu.memory_space<hbm>>
      tpu.wait_indirect_dma semaphore(%arg21 : memref<!tpu.dma_semaphore, #tpu.memory_space<semaphore_mem>>) src(%dma_wait3A_190 : memref<10240x32xf32, #tpu.memory_space<hbm>>) dst(%arg10 : memref<128x32xf32, #tpu.memory_space<vmem>>)
      %dma_start3A_191 = arith.constant 0 : i32
      %dma_start3A_192 = tpu.memref_slice %arg7[%add3A_184, %dma_start3A_191] : memref<160x128xi32, #tpu.memory_space<vmem>> -> memref<1x128xi32, #tpu.memory_space<vmem>>
      %dma_start3A_193 = tpu.memref_squeeze %dma_start3A_192 : memref<1x128xi32, #tpu.memory_space<vmem>> -> memref<128xi32, #tpu.memory_space<vmem>>
      %dma_start3A_194 = arith.constant 0 : i32
      %dma_start3A_195 = arith.constant 0 : i32
      %dma_start3A_196 = tpu.memref_slice %arg5[%dma_start3A_194, %dma_start3A_195] : memref<10240x32xf32, #tpu.memory_space<vmem_shared>> -> memref<10240x32xf32, #tpu.memory_space<vmem_shared>>
      tpu.enqueue_indirect_dma source(%arg10 : memref<128x32xf32, #tpu.memory_space<vmem>>) target(%dma_start3A_196 : memref<10240x32xf32, #tpu.memory_space<vmem_shared>>) offsets(%dma_start3A_193 : memref<128xi32, #tpu.memory_space<vmem>>) semaphore(%arg31 : memref<!tpu.dma_semaphore, #tpu.memory_space<semaphore_mem>>) {add = true}
      %add3A_197 = arith.constant 5 : i32
      %add3A_198 = arith.addi %add3A_184, %add3A_197 : i32
      %lt3A_199 = arith.constant 160 : i32
      %lt3A_200 = arith.cmpi slt, %add3A_198, %lt3A_199 : i32
      %convert_element_type3A_201 = arith.extui %lt3A_200 : i1 to i32
      %cond3A_202 = arith.constant 0 : i32
      %cond3A_203 = arith.cmpi ne, %convert_element_type3A_201, %cond3A_202 : i32
      scf.if %cond3A_203 {
        %ge3A = arith.constant 10 : i32
        %ge3A_366 = arith.cmpi sge, %add3A_198, %ge3A : i32
        %convert_element_type3A_367 = arith.extui %ge3A_366 : i1 to i32
        %cond3A_368 = arith.constant 0 : i32
        %cond3A_369 = arith.cmpi ne, %convert_element_type3A_367, %cond3A_368 : i32
        scf.if %cond3A_369 {
          %sub3A = arith.constant 10 : i32
          %sub3A_376 = arith.subi %add3A_198, %sub3A : i32
          %dma_wait3A_377 = arith.constant 0 : i32
          %dma_wait3A_378 = tpu.memref_slice %arg7[%sub3A_376, %dma_wait3A_377] : memref<160x128xi32, #tpu.memory_space<vmem>> -> memref<1x128xi32, #tpu.memory_space<vmem>>
          %dma_wait3A_379 = tpu.memref_squeeze %dma_wait3A_378 : memref<1x128xi32, #tpu.memory_space<vmem>> -> memref<128xi32, #tpu.memory_space<vmem>>
          %dma_wait3A_380 = arith.constant 0 : i32
          %dma_wait3A_381 = arith.constant 0 : i32
          %dma_wait3A_382 = tpu.memref_slice %arg5[%dma_wait3A_380, %dma_wait3A_381] : memref<10240x32xf32, #tpu.memory_space<vmem_shared>> -> memref<10240x32xf32, #tpu.memory_space<vmem_shared>>
          tpu.wait_indirect_dma semaphore(%arg36 : memref<!tpu.dma_semaphore, #tpu.memory_space<semaphore_mem>>) src(%arg15 : memref<128x32xf32, #tpu.memory_space<vmem>>) dst(%dma_wait3A_382 : memref<10240x32xf32, #tpu.memory_space<vmem_shared>>)
        } else {
        }
        %dma_start3A_370 = arith.constant 0 : i32
        %dma_start3A_371 = tpu.memref_slice %arg6[%add3A_198, %dma_start3A_370] : memref<160x128xi32, #tpu.memory_space<vmem>> -> memref<1x128xi32, #tpu.memory_space<vmem>>
        %dma_start3A_372 = tpu.memref_squeeze %dma_start3A_371 : memref<1x128xi32, #tpu.memory_space<vmem>> -> memref<128xi32, #tpu.memory_space<vmem>>
        %dma_start3A_373 = arith.constant 0 : i32
        %dma_start3A_374 = arith.constant 0 : i32
        %dma_start3A_375 = tpu.memref_slice %arg2[%dma_start3A_373, %dma_start3A_374] : memref<10240x32xf32, #tpu.memory_space<hbm>> -> memref<10240x32xf32, #tpu.memory_space<hbm>>
        tpu.enqueue_indirect_dma source(%dma_start3A_375 : memref<10240x32xf32, #tpu.memory_space<hbm>>) target(%arg15 : memref<128x32xf32, #tpu.memory_space<vmem>>) offsets(%dma_start3A_372 : memref<128xi32, #tpu.memory_space<vmem>>) semaphore(%arg26 : memref<!tpu.dma_semaphore, #tpu.memory_space<semaphore_mem>>)
      } else {
      }
      %mul3A_204 = arith.constant 10 : i32
      %mul3A_205 = arith.muli %mul3A_204, %scan3A_136 : i32
      %add3A_206 = arith.constant 3 : i32
      %add3A_207 = arith.addi %mul3A_205, %add3A_206 : i32
      %dma_wait3A_208 = arith.constant 0 : i32
      %dma_wait3A_209 = tpu.memref_slice %arg6[%add3A_207, %dma_wait3A_208] : memref<160x128xi32, #tpu.memory_space<vmem>> -> memref<1x128xi32, #tpu.memory_space<vmem>>
      %dma_wait3A_210 = tpu.memref_squeeze %dma_wait3A_209 : memref<1x128xi32, #tpu.memory_space<vmem>> -> memref<128xi32, #tpu.memory_space<vmem>>
      %dma_wait3A_211 = arith.constant 0 : i32
      %dma_wait3A_212 = arith.constant 0 : i32
      %dma_wait3A_213 = tpu.memref_slice %arg2[%dma_wait3A_211, %dma_wait3A_212] : memref<10240x32xf32, #tpu.memory_space<hbm>> -> memref<10240x32xf32, #tpu.memory_space<hbm>>
      tpu.wait_indirect_dma semaphore(%arg22 : memref<!tpu.dma_semaphore, #tpu.memory_space<semaphore_mem>>) src(%dma_wait3A_213 : memref<10240x32xf32, #tpu.memory_space<hbm>>) dst(%arg11 : memref<128x32xf32, #tpu.memory_space<vmem>>)
      %dma_start3A_214 = arith.constant 0 : i32
      %dma_start3A_215 = tpu.memref_slice %arg7[%add3A_207, %dma_start3A_214] : memref<160x128xi32, #tpu.memory_space<vmem>> -> memref<1x128xi32, #tpu.memory_space<vmem>>
      %dma_start3A_216 = tpu.memref_squeeze %dma_start3A_215 : memref<1x128xi32, #tpu.memory_space<vmem>> -> memref<128xi32, #tpu.memory_space<vmem>>
      %dma_start3A_217 = arith.constant 0 : i32
      %dma_start3A_218 = arith.constant 0 : i32
      %dma_start3A_219 = tpu.memref_slice %arg5[%dma_start3A_217, %dma_start3A_218] : memref<10240x32xf32, #tpu.memory_space<vmem_shared>> -> memref<10240x32xf32, #tpu.memory_space<vmem_shared>>
      tpu.enqueue_indirect_dma source(%arg11 : memref<128x32xf32, #tpu.memory_space<vmem>>) target(%dma_start3A_219 : memref<10240x32xf32, #tpu.memory_space<vmem_shared>>) offsets(%dma_start3A_216 : memref<128xi32, #tpu.memory_space<vmem>>) semaphore(%arg32 : memref<!tpu.dma_semaphore, #tpu.memory_space<semaphore_mem>>) {add = true}
      %add3A_220 = arith.constant 5 : i32
      %add3A_221 = arith.addi %add3A_207, %add3A_220 : i32
      %lt3A_222 = arith.constant 160 : i32
      %lt3A_223 = arith.cmpi slt, %add3A_221, %lt3A_222 : i32
      %convert_element_type3A_224 = arith.extui %lt3A_223 : i1 to i32
      %cond3A_225 = arith.constant 0 : i32
      %cond3A_226 = arith.cmpi ne, %convert_element_type3A_224, %cond3A_225 : i32
      scf.if %cond3A_226 {
        %ge3A = arith.constant 10 : i32
        %ge3A_366 = arith.cmpi sge, %add3A_221, %ge3A : i32
        %convert_element_type3A_367 = arith.extui %ge3A_366 : i1 to i32
        %cond3A_368 = arith.constant 0 : i32
        %cond3A_369 = arith.cmpi ne, %convert_element_type3A_367, %cond3A_368 : i32
        scf.if %cond3A_369 {
          %sub3A = arith.constant 10 : i32
          %sub3A_376 = arith.subi %add3A_221, %sub3A : i32
          %dma_wait3A_377 = arith.constant 0 : i32
          %dma_wait3A_378 = tpu.memref_slice %arg7[%sub3A_376, %dma_wait3A_377] : memref<160x128xi32, #tpu.memory_space<vmem>> -> memref<1x128xi32, #tpu.memory_space<vmem>>
          %dma_wait3A_379 = tpu.memref_squeeze %dma_wait3A_378 : memref<1x128xi32, #tpu.memory_space<vmem>> -> memref<128xi32, #tpu.memory_space<vmem>>
          %dma_wait3A_380 = arith.constant 0 : i32
          %dma_wait3A_381 = arith.constant 0 : i32
          %dma_wait3A_382 = tpu.memref_slice %arg5[%dma_wait3A_380, %dma_wait3A_381] : memref<10240x32xf32, #tpu.memory_space<vmem_shared>> -> memref<10240x32xf32, #tpu.memory_space<vmem_shared>>
          tpu.wait_indirect_dma semaphore(%arg37 : memref<!tpu.dma_semaphore, #tpu.memory_space<semaphore_mem>>) src(%arg16 : memref<128x32xf32, #tpu.memory_space<vmem>>) dst(%dma_wait3A_382 : memref<10240x32xf32, #tpu.memory_space<vmem_shared>>)
        } else {
        }
        %dma_start3A_370 = arith.constant 0 : i32
        %dma_start3A_371 = tpu.memref_slice %arg6[%add3A_221, %dma_start3A_370] : memref<160x128xi32, #tpu.memory_space<vmem>> -> memref<1x128xi32, #tpu.memory_space<vmem>>
        %dma_start3A_372 = tpu.memref_squeeze %dma_start3A_371 : memref<1x128xi32, #tpu.memory_space<vmem>> -> memref<128xi32, #tpu.memory_space<vmem>>
        %dma_start3A_373 = arith.constant 0 : i32
        %dma_start3A_374 = arith.constant 0 : i32
        %dma_start3A_375 = tpu.memref_slice %arg2[%dma_start3A_373, %dma_start3A_374] : memref<10240x32xf32, #tpu.memory_space<hbm>> -> memref<10240x32xf32, #tpu.memory_space<hbm>>
        tpu.enqueue_indirect_dma source(%dma_start3A_375 : memref<10240x32xf32, #tpu.memory_space<hbm>>) target(%arg16 : memref<128x32xf32, #tpu.memory_space<vmem>>) offsets(%dma_start3A_372 : memref<128xi32, #tpu.memory_space<vmem>>) semaphore(%arg27 : memref<!tpu.dma_semaphore, #tpu.memory_space<semaphore_mem>>)
      } else {
      }
      %mul3A_227 = arith.constant 10 : i32
      %mul3A_228 = arith.muli %mul3A_227, %scan3A_136 : i32
      %add3A_229 = arith.constant 4 : i32
      %add3A_230 = arith.addi %mul3A_228, %add3A_229 : i32
      %dma_wait3A_231 = arith.constant 0 : i32
      %dma_wait3A_232 = tpu.memref_slice %arg6[%add3A_230, %dma_wait3A_231] : memref<160x128xi32, #tpu.memory_space<vmem>> -> memref<1x128xi32, #tpu.memory_space<vmem>>
      %dma_wait3A_233 = tpu.memref_squeeze %dma_wait3A_232 : memref<1x128xi32, #tpu.memory_space<vmem>> -> memref<128xi32, #tpu.memory_space<vmem>>
      %dma_wait3A_234 = arith.constant 0 : i32
      %dma_wait3A_235 = arith.constant 0 : i32
      %dma_wait3A_236 = tpu.memref_slice %arg2[%dma_wait3A_234, %dma_wait3A_235] : memref<10240x32xf32, #tpu.memory_space<hbm>> -> memref<10240x32xf32, #tpu.memory_space<hbm>>
      tpu.wait_indirect_dma semaphore(%arg23 : memref<!tpu.dma_semaphore, #tpu.memory_space<semaphore_mem>>) src(%dma_wait3A_236 : memref<10240x32xf32, #tpu.memory_space<hbm>>) dst(%arg12 : memref<128x32xf32, #tpu.memory_space<vmem>>)
      %dma_start3A_237 = arith.constant 0 : i32
      %dma_start3A_238 = tpu.memref_slice %arg7[%add3A_230, %dma_start3A_237] : memref<160x128xi32, #tpu.memory_space<vmem>> -> memref<1x128xi32, #tpu.memory_space<vmem>>
      %dma_start3A_239 = tpu.memref_squeeze %dma_start3A_238 : memref<1x128xi32, #tpu.memory_space<vmem>> -> memref<128xi32, #tpu.memory_space<vmem>>
      %dma_start3A_240 = arith.constant 0 : i32
      %dma_start3A_241 = arith.constant 0 : i32
      %dma_start3A_242 = tpu.memref_slice %arg5[%dma_start3A_240, %dma_start3A_241] : memref<10240x32xf32, #tpu.memory_space<vmem_shared>> -> memref<10240x32xf32, #tpu.memory_space<vmem_shared>>
      tpu.enqueue_indirect_dma source(%arg12 : memref<128x32xf32, #tpu.memory_space<vmem>>) target(%dma_start3A_242 : memref<10240x32xf32, #tpu.memory_space<vmem_shared>>) offsets(%dma_start3A_239 : memref<128xi32, #tpu.memory_space<vmem>>) semaphore(%arg33 : memref<!tpu.dma_semaphore, #tpu.memory_space<semaphore_mem>>) {add = true}
      %add3A_243 = arith.constant 5 : i32
      %add3A_244 = arith.addi %add3A_230, %add3A_243 : i32
      %lt3A_245 = arith.constant 160 : i32
      %lt3A_246 = arith.cmpi slt, %add3A_244, %lt3A_245 : i32
      %convert_element_type3A_247 = arith.extui %lt3A_246 : i1 to i32
      %cond3A_248 = arith.constant 0 : i32
      %cond3A_249 = arith.cmpi ne, %convert_element_type3A_247, %cond3A_248 : i32
      scf.if %cond3A_249 {
        %ge3A = arith.constant 10 : i32
        %ge3A_366 = arith.cmpi sge, %add3A_244, %ge3A : i32
        %convert_element_type3A_367 = arith.extui %ge3A_366 : i1 to i32
        %cond3A_368 = arith.constant 0 : i32
        %cond3A_369 = arith.cmpi ne, %convert_element_type3A_367, %cond3A_368 : i32
        scf.if %cond3A_369 {
          %sub3A = arith.constant 10 : i32
          %sub3A_376 = arith.subi %add3A_244, %sub3A : i32
          %dma_wait3A_377 = arith.constant 0 : i32
          %dma_wait3A_378 = tpu.memref_slice %arg7[%sub3A_376, %dma_wait3A_377] : memref<160x128xi32, #tpu.memory_space<vmem>> -> memref<1x128xi32, #tpu.memory_space<vmem>>
          %dma_wait3A_379 = tpu.memref_squeeze %dma_wait3A_378 : memref<1x128xi32, #tpu.memory_space<vmem>> -> memref<128xi32, #tpu.memory_space<vmem>>
          %dma_wait3A_380 = arith.constant 0 : i32
          %dma_wait3A_381 = arith.constant 0 : i32
          %dma_wait3A_382 = tpu.memref_slice %arg5[%dma_wait3A_380, %dma_wait3A_381] : memref<10240x32xf32, #tpu.memory_space<vmem_shared>> -> memref<10240x32xf32, #tpu.memory_space<vmem_shared>>
          tpu.wait_indirect_dma semaphore(%arg38 : memref<!tpu.dma_semaphore, #tpu.memory_space<semaphore_mem>>) src(%arg17 : memref<128x32xf32, #tpu.memory_space<vmem>>) dst(%dma_wait3A_382 : memref<10240x32xf32, #tpu.memory_space<vmem_shared>>)
        } else {
        }
        %dma_start3A_370 = arith.constant 0 : i32
        %dma_start3A_371 = tpu.memref_slice %arg6[%add3A_244, %dma_start3A_370] : memref<160x128xi32, #tpu.memory_space<vmem>> -> memref<1x128xi32, #tpu.memory_space<vmem>>
        %dma_start3A_372 = tpu.memref_squeeze %dma_start3A_371 : memref<1x128xi32, #tpu.memory_space<vmem>> -> memref<128xi32, #tpu.memory_space<vmem>>
        %dma_start3A_373 = arith.constant 0 : i32
        %dma_start3A_374 = arith.constant 0 : i32
        %dma_start3A_375 = tpu.memref_slice %arg2[%dma_start3A_373, %dma_start3A_374] : memref<10240x32xf32, #tpu.memory_space<hbm>> -> memref<10240x32xf32, #tpu.memory_space<hbm>>
        tpu.enqueue_indirect_dma source(%dma_start3A_375 : memref<10240x32xf32, #tpu.memory_space<hbm>>) target(%arg17 : memref<128x32xf32, #tpu.memory_space<vmem>>) offsets(%dma_start3A_372 : memref<128xi32, #tpu.memory_space<vmem>>) semaphore(%arg28 : memref<!tpu.dma_semaphore, #tpu.memory_space<semaphore_mem>>)
      } else {
      }
      %mul3A_250 = arith.constant 10 : i32
      %mul3A_251 = arith.muli %mul3A_250, %scan3A_136 : i32
      %add3A_252 = arith.constant 5 : i32
      %add3A_253 = arith.addi %mul3A_251, %add3A_252 : i32
      %dma_wait3A_254 = arith.constant 0 : i32
      %dma_wait3A_255 = tpu.memref_slice %arg6[%add3A_253, %dma_wait3A_254] : memref<160x128xi32, #tpu.memory_space<vmem>> -> memref<1x128xi32, #tpu.memory_space<vmem>>
      %dma_wait3A_256 = tpu.memref_squeeze %dma_wait3A_255 : memref<1x128xi32, #tpu.memory_space<vmem>> -> memref<128xi32, #tpu.memory_space<vmem>>
      %dma_wait3A_257 = arith.constant 0 : i32
      %dma_wait3A_258 = arith.constant 0 : i32
      %dma_wait3A_259 = tpu.memref_slice %arg2[%dma_wait3A_257, %dma_wait3A_258] : memref<10240x32xf32, #tpu.memory_space<hbm>> -> memref<10240x32xf32, #tpu.memory_space<hbm>>
      tpu.wait_indirect_dma semaphore(%arg24 : memref<!tpu.dma_semaphore, #tpu.memory_space<semaphore_mem>>) src(%dma_wait3A_259 : memref<10240x32xf32, #tpu.memory_space<hbm>>) dst(%arg13 : memref<128x32xf32, #tpu.memory_space<vmem>>)
      %dma_start3A_260 = arith.constant 0 : i32
      %dma_start3A_261 = tpu.memref_slice %arg7[%add3A_253, %dma_start3A_260] : memref<160x128xi32, #tpu.memory_space<vmem>> -> memref<1x128xi32, #tpu.memory_space<vmem>>
      %dma_start3A_262 = tpu.memref_squeeze %dma_start3A_261 : memref<1x128xi32, #tpu.memory_space<vmem>> -> memref<128xi32, #tpu.memory_space<vmem>>
      %dma_start3A_263 = arith.constant 0 : i32
      %dma_start3A_264 = arith.constant 0 : i32
      %dma_start3A_265 = tpu.memref_slice %arg5[%dma_start3A_263, %dma_start3A_264] : memref<10240x32xf32, #tpu.memory_space<vmem_shared>> -> memref<10240x32xf32, #tpu.memory_space<vmem_shared>>
      tpu.enqueue_indirect_dma source(%arg13 : memref<128x32xf32, #tpu.memory_space<vmem>>) target(%dma_start3A_265 : memref<10240x32xf32, #tpu.memory_space<vmem_shared>>) offsets(%dma_start3A_262 : memref<128xi32, #tpu.memory_space<vmem>>) semaphore(%arg34 : memref<!tpu.dma_semaphore, #tpu.memory_space<semaphore_mem>>) {add = true}
      %add3A_266 = arith.constant 5 : i32
      %add3A_267 = arith.addi %add3A_253, %add3A_266 : i32
      %lt3A_268 = arith.constant 160 : i32
      %lt3A_269 = arith.cmpi slt, %add3A_267, %lt3A_268 : i32
      %convert_element_type3A_270 = arith.extui %lt3A_269 : i1 to i32
      %cond3A_271 = arith.constant 0 : i32
      %cond3A_272 = arith.cmpi ne, %convert_element_type3A_270, %cond3A_271 : i32
      scf.if %cond3A_272 {
        %ge3A = arith.constant 10 : i32
        %ge3A_366 = arith.cmpi sge, %add3A_267, %ge3A : i32
        %convert_element_type3A_367 = arith.extui %ge3A_366 : i1 to i32
        %cond3A_368 = arith.constant 0 : i32
        %cond3A_369 = arith.cmpi ne, %convert_element_type3A_367, %cond3A_368 : i32
        scf.if %cond3A_369 {
          %sub3A = arith.constant 10 : i32
          %sub3A_376 = arith.subi %add3A_267, %sub3A : i32
          %dma_wait3A_377 = arith.constant 0 : i32
          %dma_wait3A_378 = tpu.memref_slice %arg7[%sub3A_376, %dma_wait3A_377] : memref<160x128xi32, #tpu.memory_space<vmem>> -> memref<1x128xi32, #tpu.memory_space<vmem>>
          %dma_wait3A_379 = tpu.memref_squeeze %dma_wait3A_378 : memref<1x128xi32, #tpu.memory_space<vmem>> -> memref<128xi32, #tpu.memory_space<vmem>>
          %dma_wait3A_380 = arith.constant 0 : i32
          %dma_wait3A_381 = arith.constant 0 : i32
          %dma_wait3A_382 = tpu.memref_slice %arg5[%dma_wait3A_380, %dma_wait3A_381] : memref<10240x32xf32, #tpu.memory_space<vmem_shared>> -> memref<10240x32xf32, #tpu.memory_space<vmem_shared>>
          tpu.wait_indirect_dma semaphore(%arg29 : memref<!tpu.dma_semaphore, #tpu.memory_space<semaphore_mem>>) src(%arg8 : memref<128x32xf32, #tpu.memory_space<vmem>>) dst(%dma_wait3A_382 : memref<10240x32xf32, #tpu.memory_space<vmem_shared>>)
        } else {
        }
        %dma_start3A_370 = arith.constant 0 : i32
        %dma_start3A_371 = tpu.memref_slice %arg6[%add3A_267, %dma_start3A_370] : memref<160x128xi32, #tpu.memory_space<vmem>> -> memref<1x128xi32, #tpu.memory_space<vmem>>
        %dma_start3A_372 = tpu.memref_squeeze %dma_start3A_371 : memref<1x128xi32, #tpu.memory_space<vmem>> -> memref<128xi32, #tpu.memory_space<vmem>>
        %dma_start3A_373 = arith.constant 0 : i32
        %dma_start3A_374 = arith.constant 0 : i32
        %dma_start3A_375 = tpu.memref_slice %arg2[%dma_start3A_373, %dma_start3A_374] : memref<10240x32xf32, #tpu.memory_space<hbm>> -> memref<10240x32xf32, #tpu.memory_space<hbm>>
        tpu.enqueue_indirect_dma source(%dma_start3A_375 : memref<10240x32xf32, #tpu.memory_space<hbm>>) target(%arg8 : memref<128x32xf32, #tpu.memory_space<vmem>>) offsets(%dma_start3A_372 : memref<128xi32, #tpu.memory_space<vmem>>) semaphore(%arg19 : memref<!tpu.dma_semaphore, #tpu.memory_space<semaphore_mem>>)
      } else {
      }
      %mul3A_273 = arith.constant 10 : i32
      %mul3A_274 = arith.muli %mul3A_273, %scan3A_136 : i32
      %add3A_275 = arith.constant 6 : i32
      %add3A_276 = arith.addi %mul3A_274, %add3A_275 : i32
      %dma_wait3A_277 = arith.constant 0 : i32
      %dma_wait3A_278 = tpu.memref_slice %arg6[%add3A_276, %dma_wait3A_277] : memref<160x128xi32, #tpu.memory_space<vmem>> -> memref<1x128xi32, #tpu.memory_space<vmem>>
      %dma_wait3A_279 = tpu.memref_squeeze %dma_wait3A_278 : memref<1x128xi32, #tpu.memory_space<vmem>> -> memref<128xi32, #tpu.memory_space<vmem>>
      %dma_wait3A_280 = arith.constant 0 : i32
      %dma_wait3A_281 = arith.constant 0 : i32
      %dma_wait3A_282 = tpu.memref_slice %arg2[%dma_wait3A_280, %dma_wait3A_281] : memref<10240x32xf32, #tpu.memory_space<hbm>> -> memref<10240x32xf32, #tpu.memory_space<hbm>>
      tpu.wait_indirect_dma semaphore(%arg25 : memref<!tpu.dma_semaphore, #tpu.memory_space<semaphore_mem>>) src(%dma_wait3A_282 : memref<10240x32xf32, #tpu.memory_space<hbm>>) dst(%arg14 : memref<128x32xf32, #tpu.memory_space<vmem>>)
      %dma_start3A_283 = arith.constant 0 : i32
      %dma_start3A_284 = tpu.memref_slice %arg7[%add3A_276, %dma_start3A_283] : memref<160x128xi32, #tpu.memory_space<vmem>> -> memref<1x128xi32, #tpu.memory_space<vmem>>
      %dma_start3A_285 = tpu.memref_squeeze %dma_start3A_284 : memref<1x128xi32, #tpu.memory_space<vmem>> -> memref<128xi32, #tpu.memory_space<vmem>>
      %dma_start3A_286 = arith.constant 0 : i32
      %dma_start3A_287 = arith.constant 0 : i32
      %dma_start3A_288 = tpu.memref_slice %arg5[%dma_start3A_286, %dma_start3A_287] : memref<10240x32xf32, #tpu.memory_space<vmem_shared>> -> memref<10240x32xf32, #tpu.memory_space<vmem_shared>>
      tpu.enqueue_indirect_dma source(%arg14 : memref<128x32xf32, #tpu.memory_space<vmem>>) target(%dma_start3A_288 : memref<10240x32xf32, #tpu.memory_space<vmem_shared>>) offsets(%dma_start3A_285 : memref<128xi32, #tpu.memory_space<vmem>>) semaphore(%arg35 : memref<!tpu.dma_semaphore, #tpu.memory_space<semaphore_mem>>) {add = true}
      %add3A_289 = arith.constant 5 : i32
      %add3A_290 = arith.addi %add3A_276, %add3A_289 : i32
      %lt3A_291 = arith.constant 160 : i32
      %lt3A_292 = arith.cmpi slt, %add3A_290, %lt3A_291 : i32
      %convert_element_type3A_293 = arith.extui %lt3A_292 : i1 to i32
      %cond3A_294 = arith.constant 0 : i32
      %cond3A_295 = arith.cmpi ne, %convert_element_type3A_293, %cond3A_294 : i32
      scf.if %cond3A_295 {
        %ge3A = arith.constant 10 : i32
        %ge3A_366 = arith.cmpi sge, %add3A_290, %ge3A : i32
        %convert_element_type3A_367 = arith.extui %ge3A_366 : i1 to i32
        %cond3A_368 = arith.constant 0 : i32
        %cond3A_369 = arith.cmpi ne, %convert_element_type3A_367, %cond3A_368 : i32
        scf.if %cond3A_369 {
          %sub3A = arith.constant 10 : i32
          %sub3A_376 = arith.subi %add3A_290, %sub3A : i32
          %dma_wait3A_377 = arith.constant 0 : i32
          %dma_wait3A_378 = tpu.memref_slice %arg7[%sub3A_376, %dma_wait3A_377] : memref<160x128xi32, #tpu.memory_space<vmem>> -> memref<1x128xi32, #tpu.memory_space<vmem>>
          %dma_wait3A_379 = tpu.memref_squeeze %dma_wait3A_378 : memref<1x128xi32, #tpu.memory_space<vmem>> -> memref<128xi32, #tpu.memory_space<vmem>>
          %dma_wait3A_380 = arith.constant 0 : i32
          %dma_wait3A_381 = arith.constant 0 : i32
          %dma_wait3A_382 = tpu.memref_slice %arg5[%dma_wait3A_380, %dma_wait3A_381] : memref<10240x32xf32, #tpu.memory_space<vmem_shared>> -> memref<10240x32xf32, #tpu.memory_space<vmem_shared>>
          tpu.wait_indirect_dma semaphore(%arg30 : memref<!tpu.dma_semaphore, #tpu.memory_space<semaphore_mem>>) src(%arg9 : memref<128x32xf32, #tpu.memory_space<vmem>>) dst(%dma_wait3A_382 : memref<10240x32xf32, #tpu.memory_space<vmem_shared>>)
        } else {
        }
        %dma_start3A_370 = arith.constant 0 : i32
        %dma_start3A_371 = tpu.memref_slice %arg6[%add3A_290, %dma_start3A_370] : memref<160x128xi32, #tpu.memory_space<vmem>> -> memref<1x128xi32, #tpu.memory_space<vmem>>
        %dma_start3A_372 = tpu.memref_squeeze %dma_start3A_371 : memref<1x128xi32, #tpu.memory_space<vmem>> -> memref<128xi32, #tpu.memory_space<vmem>>
        %dma_start3A_373 = arith.constant 0 : i32
        %dma_start3A_374 = arith.constant 0 : i32
        %dma_start3A_375 = tpu.memref_slice %arg2[%dma_start3A_373, %dma_start3A_374] : memref<10240x32xf32, #tpu.memory_space<hbm>> -> memref<10240x32xf32, #tpu.memory_space<hbm>>
        tpu.enqueue_indirect_dma source(%dma_start3A_375 : memref<10240x32xf32, #tpu.memory_space<hbm>>) target(%arg9 : memref<128x32xf32, #tpu.memory_space<vmem>>) offsets(%dma_start3A_372 : memref<128xi32, #tpu.memory_space<vmem>>) semaphore(%arg20 : memref<!tpu.dma_semaphore, #tpu.memory_space<semaphore_mem>>)
      } else {
      }
      %mul3A_296 = arith.constant 10 : i32
      %mul3A_297 = arith.muli %mul3A_296, %scan3A_136 : i32
      %add3A_298 = arith.constant 7 : i32
      %add3A_299 = arith.addi %mul3A_297, %add3A_298 : i32
      %dma_wait3A_300 = arith.constant 0 : i32
      %dma_wait3A_301 = tpu.memref_slice %arg6[%add3A_299, %dma_wait3A_300] : memref<160x128xi32, #tpu.memory_space<vmem>> -> memref<1x128xi32, #tpu.memory_space<vmem>>
      %dma_wait3A_302 = tpu.memref_squeeze %dma_wait3A_301 : memref<1x128xi32, #tpu.memory_space<vmem>> -> memref<128xi32, #tpu.memory_space<vmem>>
      %dma_wait3A_303 = arith.constant 0 : i32
      %dma_wait3A_304 = arith.constant 0 : i32
      %dma_wait3A_305 = tpu.memref_slice %arg2[%dma_wait3A_303, %dma_wait3A_304] : memref<10240x32xf32, #tpu.memory_space<hbm>> -> memref<10240x32xf32, #tpu.memory_space<hbm>>
      tpu.wait_indirect_dma semaphore(%arg26 : memref<!tpu.dma_semaphore, #tpu.memory_space<semaphore_mem>>) src(%dma_wait3A_305 : memref<10240x32xf32, #tpu.memory_space<hbm>>) dst(%arg15 : memref<128x32xf32, #tpu.memory_space<vmem>>)
      %dma_start3A_306 = arith.constant 0 : i32
      %dma_start3A_307 = tpu.memref_slice %arg7[%add3A_299, %dma_start3A_306] : memref<160x128xi32, #tpu.memory_space<vmem>> -> memref<1x128xi32, #tpu.memory_space<vmem>>
      %dma_start3A_308 = tpu.memref_squeeze %dma_start3A_307 : memref<1x128xi32, #tpu.memory_space<vmem>> -> memref<128xi32, #tpu.memory_space<vmem>>
      %dma_start3A_309 = arith.constant 0 : i32
      %dma_start3A_310 = arith.constant 0 : i32
      %dma_start3A_311 = tpu.memref_slice %arg5[%dma_start3A_309, %dma_start3A_310] : memref<10240x32xf32, #tpu.memory_space<vmem_shared>> -> memref<10240x32xf32, #tpu.memory_space<vmem_shared>>
      tpu.enqueue_indirect_dma source(%arg15 : memref<128x32xf32, #tpu.memory_space<vmem>>) target(%dma_start3A_311 : memref<10240x32xf32, #tpu.memory_space<vmem_shared>>) offsets(%dma_start3A_308 : memref<128xi32, #tpu.memory_space<vmem>>) semaphore(%arg36 : memref<!tpu.dma_semaphore, #tpu.memory_space<semaphore_mem>>) {add = true}
      %add3A_312 = arith.constant 5 : i32
      %add3A_313 = arith.addi %add3A_299, %add3A_312 : i32
      %lt3A_314 = arith.constant 160 : i32
      %lt3A_315 = arith.cmpi slt, %add3A_313, %lt3A_314 : i32
      %convert_element_type3A_316 = arith.extui %lt3A_315 : i1 to i32
      %cond3A_317 = arith.constant 0 : i32
      %cond3A_318 = arith.cmpi ne, %convert_element_type3A_316, %cond3A_317 : i32
      scf.if %cond3A_318 {
        %ge3A = arith.constant 10 : i32
        %ge3A_366 = arith.cmpi sge, %add3A_313, %ge3A : i32
        %convert_element_type3A_367 = arith.extui %ge3A_366 : i1 to i32
        %cond3A_368 = arith.constant 0 : i32
        %cond3A_369 = arith.cmpi ne, %convert_element_type3A_367, %cond3A_368 : i32
        scf.if %cond3A_369 {
          %sub3A = arith.constant 10 : i32
          %sub3A_376 = arith.subi %add3A_313, %sub3A : i32
          %dma_wait3A_377 = arith.constant 0 : i32
          %dma_wait3A_378 = tpu.memref_slice %arg7[%sub3A_376, %dma_wait3A_377] : memref<160x128xi32, #tpu.memory_space<vmem>> -> memref<1x128xi32, #tpu.memory_space<vmem>>
          %dma_wait3A_379 = tpu.memref_squeeze %dma_wait3A_378 : memref<1x128xi32, #tpu.memory_space<vmem>> -> memref<128xi32, #tpu.memory_space<vmem>>
          %dma_wait3A_380 = arith.constant 0 : i32
          %dma_wait3A_381 = arith.constant 0 : i32
          %dma_wait3A_382 = tpu.memref_slice %arg5[%dma_wait3A_380, %dma_wait3A_381] : memref<10240x32xf32, #tpu.memory_space<vmem_shared>> -> memref<10240x32xf32, #tpu.memory_space<vmem_shared>>
          tpu.wait_indirect_dma semaphore(%arg31 : memref<!tpu.dma_semaphore, #tpu.memory_space<semaphore_mem>>) src(%arg10 : memref<128x32xf32, #tpu.memory_space<vmem>>) dst(%dma_wait3A_382 : memref<10240x32xf32, #tpu.memory_space<vmem_shared>>)
        } else {
        }
        %dma_start3A_370 = arith.constant 0 : i32
        %dma_start3A_371 = tpu.memref_slice %arg6[%add3A_313, %dma_start3A_370] : memref<160x128xi32, #tpu.memory_space<vmem>> -> memref<1x128xi32, #tpu.memory_space<vmem>>
        %dma_start3A_372 = tpu.memref_squeeze %dma_start3A_371 : memref<1x128xi32, #tpu.memory_space<vmem>> -> memref<128xi32, #tpu.memory_space<vmem>>
        %dma_start3A_373 = arith.constant 0 : i32
        %dma_start3A_374 = arith.constant 0 : i32
        %dma_start3A_375 = tpu.memref_slice %arg2[%dma_start3A_373, %dma_start3A_374] : memref<10240x32xf32, #tpu.memory_space<hbm>> -> memref<10240x32xf32, #tpu.memory_space<hbm>>
        tpu.enqueue_indirect_dma source(%dma_start3A_375 : memref<10240x32xf32, #tpu.memory_space<hbm>>) target(%arg10 : memref<128x32xf32, #tpu.memory_space<vmem>>) offsets(%dma_start3A_372 : memref<128xi32, #tpu.memory_space<vmem>>) semaphore(%arg21 : memref<!tpu.dma_semaphore, #tpu.memory_space<semaphore_mem>>)
      } else {
      }
      %mul3A_319 = arith.constant 10 : i32
      %mul3A_320 = arith.muli %mul3A_319, %scan3A_136 : i32
      %add3A_321 = arith.constant 8 : i32
      %add3A_322 = arith.addi %mul3A_320, %add3A_321 : i32
      %dma_wait3A_323 = arith.constant 0 : i32
      %dma_wait3A_324 = tpu.memref_slice %arg6[%add3A_322, %dma_wait3A_323] : memref<160x128xi32, #tpu.memory_space<vmem>> -> memref<1x128xi32, #tpu.memory_space<vmem>>
      %dma_wait3A_325 = tpu.memref_squeeze %dma_wait3A_324 : memref<1x128xi32, #tpu.memory_space<vmem>> -> memref<128xi32, #tpu.memory_space<vmem>>
      %dma_wait3A_326 = arith.constant 0 : i32
      %dma_wait3A_327 = arith.constant 0 : i32
      %dma_wait3A_328 = tpu.memref_slice %arg2[%dma_wait3A_326, %dma_wait3A_327] : memref<10240x32xf32, #tpu.memory_space<hbm>> -> memref<10240x32xf32, #tpu.memory_space<hbm>>
      tpu.wait_indirect_dma semaphore(%arg27 : memref<!tpu.dma_semaphore, #tpu.memory_space<semaphore_mem>>) src(%dma_wait3A_328 : memref<10240x32xf32, #tpu.memory_space<hbm>>) dst(%arg16 : memref<128x32xf32, #tpu.memory_space<vmem>>)
      %dma_start3A_329 = arith.constant 0 : i32
      %dma_start3A_330 = tpu.memref_slice %arg7[%add3A_322, %dma_start3A_329] : memref<160x128xi32, #tpu.memory_space<vmem>> -> memref<1x128xi32, #tpu.memory_space<vmem>>
      %dma_start3A_331 = tpu.memref_squeeze %dma_start3A_330 : memref<1x128xi32, #tpu.memory_space<vmem>> -> memref<128xi32, #tpu.memory_space<vmem>>
      %dma_start3A_332 = arith.constant 0 : i32
      %dma_start3A_333 = arith.constant 0 : i32
      %dma_start3A_334 = tpu.memref_slice %arg5[%dma_start3A_332, %dma_start3A_333] : memref<10240x32xf32, #tpu.memory_space<vmem_shared>> -> memref<10240x32xf32, #tpu.memory_space<vmem_shared>>
      tpu.enqueue_indirect_dma source(%arg16 : memref<128x32xf32, #tpu.memory_space<vmem>>) target(%dma_start3A_334 : memref<10240x32xf32, #tpu.memory_space<vmem_shared>>) offsets(%dma_start3A_331 : memref<128xi32, #tpu.memory_space<vmem>>) semaphore(%arg37 : memref<!tpu.dma_semaphore, #tpu.memory_space<semaphore_mem>>) {add = true}
      %add3A_335 = arith.constant 5 : i32
      %add3A_336 = arith.addi %add3A_322, %add3A_335 : i32
      %lt3A_337 = arith.constant 160 : i32
      %lt3A_338 = arith.cmpi slt, %add3A_336, %lt3A_337 : i32
      %convert_element_type3A_339 = arith.extui %lt3A_338 : i1 to i32
      %cond3A_340 = arith.constant 0 : i32
      %cond3A_341 = arith.cmpi ne, %convert_element_type3A_339, %cond3A_340 : i32
      scf.if %cond3A_341 {
        %ge3A = arith.constant 10 : i32
        %ge3A_366 = arith.cmpi sge, %add3A_336, %ge3A : i32
        %convert_element_type3A_367 = arith.extui %ge3A_366 : i1 to i32
        %cond3A_368 = arith.constant 0 : i32
        %cond3A_369 = arith.cmpi ne, %convert_element_type3A_367, %cond3A_368 : i32
        scf.if %cond3A_369 {
          %sub3A = arith.constant 10 : i32
          %sub3A_376 = arith.subi %add3A_336, %sub3A : i32
          %dma_wait3A_377 = arith.constant 0 : i32
          %dma_wait3A_378 = tpu.memref_slice %arg7[%sub3A_376, %dma_wait3A_377] : memref<160x128xi32, #tpu.memory_space<vmem>> -> memref<1x128xi32, #tpu.memory_space<vmem>>
          %dma_wait3A_379 = tpu.memref_squeeze %dma_wait3A_378 : memref<1x128xi32, #tpu.memory_space<vmem>> -> memref<128xi32, #tpu.memory_space<vmem>>
          %dma_wait3A_380 = arith.constant 0 : i32
          %dma_wait3A_381 = arith.constant 0 : i32
          %dma_wait3A_382 = tpu.memref_slice %arg5[%dma_wait3A_380, %dma_wait3A_381] : memref<10240x32xf32, #tpu.memory_space<vmem_shared>> -> memref<10240x32xf32, #tpu.memory_space<vmem_shared>>
          tpu.wait_indirect_dma semaphore(%arg32 : memref<!tpu.dma_semaphore, #tpu.memory_space<semaphore_mem>>) src(%arg11 : memref<128x32xf32, #tpu.memory_space<vmem>>) dst(%dma_wait3A_382 : memref<10240x32xf32, #tpu.memory_space<vmem_shared>>)
        } else {
        }
        %dma_start3A_370 = arith.constant 0 : i32
        %dma_start3A_371 = tpu.memref_slice %arg6[%add3A_336, %dma_start3A_370] : memref<160x128xi32, #tpu.memory_space<vmem>> -> memref<1x128xi32, #tpu.memory_space<vmem>>
        %dma_start3A_372 = tpu.memref_squeeze %dma_start3A_371 : memref<1x128xi32, #tpu.memory_space<vmem>> -> memref<128xi32, #tpu.memory_space<vmem>>
        %dma_start3A_373 = arith.constant 0 : i32
        %dma_start3A_374 = arith.constant 0 : i32
        %dma_start3A_375 = tpu.memref_slice %arg2[%dma_start3A_373, %dma_start3A_374] : memref<10240x32xf32, #tpu.memory_space<hbm>> -> memref<10240x32xf32, #tpu.memory_space<hbm>>
        tpu.enqueue_indirect_dma source(%dma_start3A_375 : memref<10240x32xf32, #tpu.memory_space<hbm>>) target(%arg11 : memref<128x32xf32, #tpu.memory_space<vmem>>) offsets(%dma_start3A_372 : memref<128xi32, #tpu.memory_space<vmem>>) semaphore(%arg22 : memref<!tpu.dma_semaphore, #tpu.memory_space<semaphore_mem>>)
      } else {
      }
      %mul3A_342 = arith.constant 10 : i32
      %mul3A_343 = arith.muli %mul3A_342, %scan3A_136 : i32
      %add3A_344 = arith.constant 9 : i32
      %add3A_345 = arith.addi %mul3A_343, %add3A_344 : i32
      %dma_wait3A_346 = arith.constant 0 : i32
      %dma_wait3A_347 = tpu.memref_slice %arg6[%add3A_345, %dma_wait3A_346] : memref<160x128xi32, #tpu.memory_space<vmem>> -> memref<1x128xi32, #tpu.memory_space<vmem>>
      %dma_wait3A_348 = tpu.memref_squeeze %dma_wait3A_347 : memref<1x128xi32, #tpu.memory_space<vmem>> -> memref<128xi32, #tpu.memory_space<vmem>>
      %dma_wait3A_349 = arith.constant 0 : i32
      %dma_wait3A_350 = arith.constant 0 : i32
      %dma_wait3A_351 = tpu.memref_slice %arg2[%dma_wait3A_349, %dma_wait3A_350] : memref<10240x32xf32, #tpu.memory_space<hbm>> -> memref<10240x32xf32, #tpu.memory_space<hbm>>
      tpu.wait_indirect_dma semaphore(%arg28 : memref<!tpu.dma_semaphore, #tpu.memory_space<semaphore_mem>>) src(%dma_wait3A_351 : memref<10240x32xf32, #tpu.memory_space<hbm>>) dst(%arg17 : memref<128x32xf32, #tpu.memory_space<vmem>>)
      %dma_start3A_352 = arith.constant 0 : i32
      %dma_start3A_353 = tpu.memref_slice %arg7[%add3A_345, %dma_start3A_352] : memref<160x128xi32, #tpu.memory_space<vmem>> -> memref<1x128xi32, #tpu.memory_space<vmem>>
      %dma_start3A_354 = tpu.memref_squeeze %dma_start3A_353 : memref<1x128xi32, #tpu.memory_space<vmem>> -> memref<128xi32, #tpu.memory_space<vmem>>
      %dma_start3A_355 = arith.constant 0 : i32
      %dma_start3A_356 = arith.constant 0 : i32
      %dma_start3A_357 = tpu.memref_slice %arg5[%dma_start3A_355, %dma_start3A_356] : memref<10240x32xf32, #tpu.memory_space<vmem_shared>> -> memref<10240x32xf32, #tpu.memory_space<vmem_shared>>
      tpu.enqueue_indirect_dma source(%arg17 : memref<128x32xf32, #tpu.memory_space<vmem>>) target(%dma_start3A_357 : memref<10240x32xf32, #tpu.memory_space<vmem_shared>>) offsets(%dma_start3A_354 : memref<128xi32, #tpu.memory_space<vmem>>) semaphore(%arg38 : memref<!tpu.dma_semaphore, #tpu.memory_space<semaphore_mem>>) {add = true}
      %add3A_358 = arith.constant 5 : i32
      %add3A_359 = arith.addi %add3A_345, %add3A_358 : i32
      %lt3A_360 = arith.constant 160 : i32
      %lt3A_361 = arith.cmpi slt, %add3A_359, %lt3A_360 : i32
      %convert_element_type3A_362 = arith.extui %lt3A_361 : i1 to i32
      %cond3A_363 = arith.constant 0 : i32
      %cond3A_364 = arith.cmpi ne, %convert_element_type3A_362, %cond3A_363 : i32
      scf.if %cond3A_364 {
        %ge3A = arith.constant 10 : i32
        %ge3A_366 = arith.cmpi sge, %add3A_359, %ge3A : i32
        %convert_element_type3A_367 = arith.extui %ge3A_366 : i1 to i32
        %cond3A_368 = arith.constant 0 : i32
        %cond3A_369 = arith.cmpi ne, %convert_element_type3A_367, %cond3A_368 : i32
        scf.if %cond3A_369 {
          %sub3A = arith.constant 10 : i32
          %sub3A_376 = arith.subi %add3A_359, %sub3A : i32
          %dma_wait3A_377 = arith.constant 0 : i32
          %dma_wait3A_378 = tpu.memref_slice %arg7[%sub3A_376, %dma_wait3A_377] : memref<160x128xi32, #tpu.memory_space<vmem>> -> memref<1x128xi32, #tpu.memory_space<vmem>>
          %dma_wait3A_379 = tpu.memref_squeeze %dma_wait3A_378 : memref<1x128xi32, #tpu.memory_space<vmem>> -> memref<128xi32, #tpu.memory_space<vmem>>
          %dma_wait3A_380 = arith.constant 0 : i32
          %dma_wait3A_381 = arith.constant 0 : i32
          %dma_wait3A_382 = tpu.memref_slice %arg5[%dma_wait3A_380, %dma_wait3A_381] : memref<10240x32xf32, #tpu.memory_space<vmem_shared>> -> memref<10240x32xf32, #tpu.memory_space<vmem_shared>>
          tpu.wait_indirect_dma semaphore(%arg33 : memref<!tpu.dma_semaphore, #tpu.memory_space<semaphore_mem>>) src(%arg12 : memref<128x32xf32, #tpu.memory_space<vmem>>) dst(%dma_wait3A_382 : memref<10240x32xf32, #tpu.memory_space<vmem_shared>>)
        } else {
        }
        %dma_start3A_370 = arith.constant 0 : i32
        %dma_start3A_371 = tpu.memref_slice %arg6[%add3A_359, %dma_start3A_370] : memref<160x128xi32, #tpu.memory_space<vmem>> -> memref<1x128xi32, #tpu.memory_space<vmem>>
        %dma_start3A_372 = tpu.memref_squeeze %dma_start3A_371 : memref<1x128xi32, #tpu.memory_space<vmem>> -> memref<128xi32, #tpu.memory_space<vmem>>
        %dma_start3A_373 = arith.constant 0 : i32
        %dma_start3A_374 = arith.constant 0 : i32
        %dma_start3A_375 = tpu.memref_slice %arg2[%dma_start3A_373, %dma_start3A_374] : memref<10240x32xf32, #tpu.memory_space<hbm>> -> memref<10240x32xf32, #tpu.memory_space<hbm>>
        tpu.enqueue_indirect_dma source(%dma_start3A_375 : memref<10240x32xf32, #tpu.memory_space<hbm>>) target(%arg12 : memref<128x32xf32, #tpu.memory_space<vmem>>) offsets(%dma_start3A_372 : memref<128xi32, #tpu.memory_space<vmem>>) semaphore(%arg23 : memref<!tpu.dma_semaphore, #tpu.memory_space<semaphore_mem>>)
      } else {
      }
      %scan3A_365 = arith.constant 0 : i32
      scf.yield %scan3A_365 : i32
    }
    %scan3A_61 = arith.constant 16 : i32
    %dma_wait3A = arith.constant 150 : i32
    %dma_wait3A_62 = arith.constant 0 : i32
    %dma_wait3A_63 = tpu.memref_slice %arg7[%dma_wait3A, %dma_wait3A_62] : memref<160x128xi32, #tpu.memory_space<vmem>> -> memref<1x128xi32, #tpu.memory_space<vmem>>
    %dma_wait3A_64 = tpu.memref_squeeze %dma_wait3A_63 : memref<1x128xi32, #tpu.memory_space<vmem>> -> memref<128xi32, #tpu.memory_space<vmem>>
    %dma_wait3A_65 = arith.constant 0 : i32
    %dma_wait3A_66 = arith.constant 0 : i32
    %dma_wait3A_67 = tpu.memref_slice %arg5[%dma_wait3A_65, %dma_wait3A_66] : memref<10240x32xf32, #tpu.memory_space<vmem_shared>> -> memref<10240x32xf32, #tpu.memory_space<vmem_shared>>
    tpu.wait_indirect_dma semaphore(%arg29 : memref<!tpu.dma_semaphore, #tpu.memory_space<semaphore_mem>>) src(%arg8 : memref<128x32xf32, #tpu.memory_space<vmem>>) dst(%dma_wait3A_67 : memref<10240x32xf32, #tpu.memory_space<vmem_shared>>)
    %dma_wait3A_68 = arith.constant 151 : i32
    %dma_wait3A_69 = arith.constant 0 : i32
    %dma_wait3A_70 = tpu.memref_slice %arg7[%dma_wait3A_68, %dma_wait3A_69] : memref<160x128xi32, #tpu.memory_space<vmem>> -> memref<1x128xi32, #tpu.memory_space<vmem>>
    %dma_wait3A_71 = tpu.memref_squeeze %dma_wait3A_70 : memref<1x128xi32, #tpu.memory_space<vmem>> -> memref<128xi32, #tpu.memory_space<vmem>>
    %dma_wait3A_72 = arith.constant 0 : i32
    %dma_wait3A_73 = arith.constant 0 : i32
    %dma_wait3A_74 = tpu.memref_slice %arg5[%dma_wait3A_72, %dma_wait3A_73] : memref<10240x32xf32, #tpu.memory_space<vmem_shared>> -> memref<10240x32xf32, #tpu.memory_space<vmem_shared>>
    tpu.wait_indirect_dma semaphore(%arg30 : memref<!tpu.dma_semaphore, #tpu.memory_space<semaphore_mem>>) src(%arg9 : memref<128x32xf32, #tpu.memory_space<vmem>>) dst(%dma_wait3A_74 : memref<10240x32xf32, #tpu.memory_space<vmem_shared>>)
    %dma_wait3A_75 = arith.constant 152 : i32
    %dma_wait3A_76 = arith.constant 0 : i32
    %dma_wait3A_77 = tpu.memref_slice %arg7[%dma_wait3A_75, %dma_wait3A_76] : memref<160x128xi32, #tpu.memory_space<vmem>> -> memref<1x128xi32, #tpu.memory_space<vmem>>
    %dma_wait3A_78 = tpu.memref_squeeze %dma_wait3A_77 : memref<1x128xi32, #tpu.memory_space<vmem>> -> memref<128xi32, #tpu.memory_space<vmem>>
    %dma_wait3A_79 = arith.constant 0 : i32
    %dma_wait3A_80 = arith.constant 0 : i32
    %dma_wait3A_81 = tpu.memref_slice %arg5[%dma_wait3A_79, %dma_wait3A_80] : memref<10240x32xf32, #tpu.memory_space<vmem_shared>> -> memref<10240x32xf32, #tpu.memory_space<vmem_shared>>
    tpu.wait_indirect_dma semaphore(%arg31 : memref<!tpu.dma_semaphore, #tpu.memory_space<semaphore_mem>>) src(%arg10 : memref<128x32xf32, #tpu.memory_space<vmem>>) dst(%dma_wait3A_81 : memref<10240x32xf32, #tpu.memory_space<vmem_shared>>)
    %dma_wait3A_82 = arith.constant 153 : i32
    %dma_wait3A_83 = arith.constant 0 : i32
    %dma_wait3A_84 = tpu.memref_slice %arg7[%dma_wait3A_82, %dma_wait3A_83] : memref<160x128xi32, #tpu.memory_space<vmem>> -> memref<1x128xi32, #tpu.memory_space<vmem>>
    %dma_wait3A_85 = tpu.memref_squeeze %dma_wait3A_84 : memref<1x128xi32, #tpu.memory_space<vmem>> -> memref<128xi32, #tpu.memory_space<vmem>>
    %dma_wait3A_86 = arith.constant 0 : i32
    %dma_wait3A_87 = arith.constant 0 : i32
    %dma_wait3A_88 = tpu.memref_slice %arg5[%dma_wait3A_86, %dma_wait3A_87] : memref<10240x32xf32, #tpu.memory_space<vmem_shared>> -> memref<10240x32xf32, #tpu.memory_space<vmem_shared>>
    tpu.wait_indirect_dma semaphore(%arg32 : memref<!tpu.dma_semaphore, #tpu.memory_space<semaphore_mem>>) src(%arg11 : memref<128x32xf32, #tpu.memory_space<vmem>>) dst(%dma_wait3A_88 : memref<10240x32xf32, #tpu.memory_space<vmem_shared>>)
    %dma_wait3A_89 = arith.constant 154 : i32
    %dma_wait3A_90 = arith.constant 0 : i32
    %dma_wait3A_91 = tpu.memref_slice %arg7[%dma_wait3A_89, %dma_wait3A_90] : memref<160x128xi32, #tpu.memory_space<vmem>> -> memref<1x128xi32, #tpu.memory_space<vmem>>
    %dma_wait3A_92 = tpu.memref_squeeze %dma_wait3A_91 : memref<1x128xi32, #tpu.memory_space<vmem>> -> memref<128xi32, #tpu.memory_space<vmem>>
    %dma_wait3A_93 = arith.constant 0 : i32
    %dma_wait3A_94 = arith.constant 0 : i32
    %dma_wait3A_95 = tpu.memref_slice %arg5[%dma_wait3A_93, %dma_wait3A_94] : memref<10240x32xf32, #tpu.memory_space<vmem_shared>> -> memref<10240x32xf32, #tpu.memory_space<vmem_shared>>
    tpu.wait_indirect_dma semaphore(%arg33 : memref<!tpu.dma_semaphore, #tpu.memory_space<semaphore_mem>>) src(%arg12 : memref<128x32xf32, #tpu.memory_space<vmem>>) dst(%dma_wait3A_95 : memref<10240x32xf32, #tpu.memory_space<vmem_shared>>)
    %dma_wait3A_96 = arith.constant 155 : i32
    %dma_wait3A_97 = arith.constant 0 : i32
    %dma_wait3A_98 = tpu.memref_slice %arg7[%dma_wait3A_96, %dma_wait3A_97] : memref<160x128xi32, #tpu.memory_space<vmem>> -> memref<1x128xi32, #tpu.memory_space<vmem>>
    %dma_wait3A_99 = tpu.memref_squeeze %dma_wait3A_98 : memref<1x128xi32, #tpu.memory_space<vmem>> -> memref<128xi32, #tpu.memory_space<vmem>>
    %dma_wait3A_100 = arith.constant 0 : i32
    %dma_wait3A_101 = arith.constant 0 : i32
    %dma_wait3A_102 = tpu.memref_slice %arg5[%dma_wait3A_100, %dma_wait3A_101] : memref<10240x32xf32, #tpu.memory_space<vmem_shared>> -> memref<10240x32xf32, #tpu.memory_space<vmem_shared>>
    tpu.wait_indirect_dma semaphore(%arg34 : memref<!tpu.dma_semaphore, #tpu.memory_space<semaphore_mem>>) src(%arg13 : memref<128x32xf32, #tpu.memory_space<vmem>>) dst(%dma_wait3A_102 : memref<10240x32xf32, #tpu.memory_space<vmem_shared>>)
    %dma_wait3A_103 = arith.constant 156 : i32
    %dma_wait3A_104 = arith.constant 0 : i32
    %dma_wait3A_105 = tpu.memref_slice %arg7[%dma_wait3A_103, %dma_wait3A_104] : memref<160x128xi32, #tpu.memory_space<vmem>> -> memref<1x128xi32, #tpu.memory_space<vmem>>
    %dma_wait3A_106 = tpu.memref_squeeze %dma_wait3A_105 : memref<1x128xi32, #tpu.memory_space<vmem>> -> memref<128xi32, #tpu.memory_space<vmem>>
    %dma_wait3A_107 = arith.constant 0 : i32
    %dma_wait3A_108 = arith.constant 0 : i32
    %dma_wait3A_109 = tpu.memref_slice %arg5[%dma_wait3A_107, %dma_wait3A_108] : memref<10240x32xf32, #tpu.memory_space<vmem_shared>> -> memref<10240x32xf32, #tpu.memory_space<vmem_shared>>
    tpu.wait_indirect_dma semaphore(%arg35 : memref<!tpu.dma_semaphore, #tpu.memory_space<semaphore_mem>>) src(%arg14 : memref<128x32xf32, #tpu.memory_space<vmem>>) dst(%dma_wait3A_109 : memref<10240x32xf32, #tpu.memory_space<vmem_shared>>)
    %dma_wait3A_110 = arith.constant 157 : i32
    %dma_wait3A_111 = arith.constant 0 : i32
    %dma_wait3A_112 = tpu.memref_slice %arg7[%dma_wait3A_110, %dma_wait3A_111] : memref<160x128xi32, #tpu.memory_space<vmem>> -> memref<1x128xi32, #tpu.memory_space<vmem>>
    %dma_wait3A_113 = tpu.memref_squeeze %dma_wait3A_112 : memref<1x128xi32, #tpu.memory_space<vmem>> -> memref<128xi32, #tpu.memory_space<vmem>>
    %dma_wait3A_114 = arith.constant 0 : i32
    %dma_wait3A_115 = arith.constant 0 : i32
    %dma_wait3A_116 = tpu.memref_slice %arg5[%dma_wait3A_114, %dma_wait3A_115] : memref<10240x32xf32, #tpu.memory_space<vmem_shared>> -> memref<10240x32xf32, #tpu.memory_space<vmem_shared>>
    tpu.wait_indirect_dma semaphore(%arg36 : memref<!tpu.dma_semaphore, #tpu.memory_space<semaphore_mem>>) src(%arg15 : memref<128x32xf32, #tpu.memory_space<vmem>>) dst(%dma_wait3A_116 : memref<10240x32xf32, #tpu.memory_space<vmem_shared>>)
    %dma_wait3A_117 = arith.constant 158 : i32
    %dma_wait3A_118 = arith.constant 0 : i32
    %dma_wait3A_119 = tpu.memref_slice %arg7[%dma_wait3A_117, %dma_wait3A_118] : memref<160x128xi32, #tpu.memory_space<vmem>> -> memref<1x128xi32, #tpu.memory_space<vmem>>
    %dma_wait3A_120 = tpu.memref_squeeze %dma_wait3A_119 : memref<1x128xi32, #tpu.memory_space<vmem>> -> memref<128xi32, #tpu.memory_space<vmem>>
    %dma_wait3A_121 = arith.constant 0 : i32
    %dma_wait3A_122 = arith.constant 0 : i32
    %dma_wait3A_123 = tpu.memref_slice %arg5[%dma_wait3A_121, %dma_wait3A_122] : memref<10240x32xf32, #tpu.memory_space<vmem_shared>> -> memref<10240x32xf32, #tpu.memory_space<vmem_shared>>
    tpu.wait_indirect_dma semaphore(%arg37 : memref<!tpu.dma_semaphore, #tpu.memory_space<semaphore_mem>>) src(%arg16 : memref<128x32xf32, #tpu.memory_space<vmem>>) dst(%dma_wait3A_123 : memref<10240x32xf32, #tpu.memory_space<vmem_shared>>)
    %dma_wait3A_124 = arith.constant 159 : i32
    %dma_wait3A_125 = arith.constant 0 : i32
    %dma_wait3A_126 = tpu.memref_slice %arg7[%dma_wait3A_124, %dma_wait3A_125] : memref<160x128xi32, #tpu.memory_space<vmem>> -> memref<1x128xi32, #tpu.memory_space<vmem>>
    %dma_wait3A_127 = tpu.memref_squeeze %dma_wait3A_126 : memref<1x128xi32, #tpu.memory_space<vmem>> -> memref<128xi32, #tpu.memory_space<vmem>>
    %dma_wait3A_128 = arith.constant 0 : i32
    %dma_wait3A_129 = arith.constant 0 : i32
    %dma_wait3A_130 = tpu.memref_slice %arg5[%dma_wait3A_128, %dma_wait3A_129] : memref<10240x32xf32, #tpu.memory_space<vmem_shared>> -> memref<10240x32xf32, #tpu.memory_space<vmem_shared>>
    tpu.wait_indirect_dma semaphore(%arg38 : memref<!tpu.dma_semaphore, #tpu.memory_space<semaphore_mem>>) src(%arg17 : memref<128x32xf32, #tpu.memory_space<vmem>>) dst(%dma_wait3A_130 : memref<10240x32xf32, #tpu.memory_space<vmem_shared>>)
    %barrier3A_131 = arith.constant 0 : index
    tpu.barrier barrier_id(%barrier3A_131)
    %mul3A_132 = arith.constant 640 : i32
    %mul3A_133 = arith.muli %arg1, %mul3A_132 : i32
    "tpu.region"() ({
      %run_scoped3A = tpu.sem_alloc : memref<!tpu.dma_semaphore, #tpu.memory_space<semaphore_mem>>
      %dma_start3A_136 = arith.constant 0 : i32
      %dma_start3A_137 = tpu.memref_slice %arg5[%mul3A_133, %dma_start3A_136] : memref<10240x32xf32, #tpu.memory_space<vmem_shared>> -> memref<640x32xf32, #tpu.memory_space<vmem_shared>>
      %dma_start3A_138 = arith.constant 0 : i32
      %dma_start3A_139 = tpu.memref_slice %arg5[%mul3A_133, %dma_start3A_138] : memref<10240x32xf32, #tpu.memory_space<vmem_shared>> -> memref<640x32xf32, #tpu.memory_space<vmem_shared>>
      tpu.enqueue_dma source(%dma_start3A_139 : memref<640x32xf32, #tpu.memory_space<vmem_shared>>) target(%arg18 : memref<640x32xf32, #tpu.memory_space<vmem>>) target_semaphore(%run_scoped3A : memref<!tpu.dma_semaphore, #tpu.memory_space<semaphore_mem>>)
      %dma_wait3A_140 = arith.constant 0 : i32
      %dma_wait3A_141 = tpu.memref_slice %arg5[%mul3A_133, %dma_wait3A_140] : memref<10240x32xf32, #tpu.memory_space<vmem_shared>> -> memref<640x32xf32, #tpu.memory_space<vmem_shared>>
      %dma_wait3A_142 = arith.constant 0 : i32
      %dma_wait3A_143 = tpu.memref_slice %arg5[%mul3A_133, %dma_wait3A_142] : memref<10240x32xf32, #tpu.memory_space<vmem_shared>> -> memref<640x32xf32, #tpu.memory_space<vmem_shared>>
      tpu.wait_dma2 semaphore(%run_scoped3A : memref<!tpu.dma_semaphore, #tpu.memory_space<semaphore_mem>>) src(%dma_wait3A_143 : memref<640x32xf32, #tpu.memory_space<vmem_shared>>) dst(%arg18 : memref<640x32xf32, #tpu.memory_space<vmem>>)
      tpu.yield
    }) : () -> ()
    %mul3A_134 = arith.constant 640 : i32
    %mul3A_135 = arith.muli %arg1, %mul3A_134 : i32
    "tpu.region"() ({
      %run_scoped3A = tpu.sem_alloc : memref<!tpu.dma_semaphore, #tpu.memory_space<semaphore_mem>>
      %dma_start3A_136 = arith.constant 0 : i32
      %dma_start3A_137 = tpu.memref_slice %arg4[%arg0, %mul3A_135, %dma_start3A_136] : memref<1x10240x32xf32, #tpu.memory_space<hbm>> -> memref<1x640x32xf32, #tpu.memory_space<hbm>>
      %dma_start3A_138 = tpu.memref_squeeze %dma_start3A_137 : memref<1x640x32xf32, #tpu.memory_space<hbm>> -> memref<640x32xf32, #tpu.memory_space<hbm>>
      %dma_start3A_139 = arith.constant 0 : i32
      %dma_start3A_140 = tpu.memref_slice %arg4[%arg0, %mul3A_135, %dma_start3A_139] : memref<1x10240x32xf32, #tpu.memory_space<hbm>> -> memref<1x640x32xf32, #tpu.memory_space<hbm>>
      %dma_start3A_141 = tpu.memref_squeeze %dma_start3A_140 : memref<1x640x32xf32, #tpu.memory_space<hbm>> -> memref<640x32xf32, #tpu.memory_space<hbm>>
      tpu.enqueue_dma source(%arg18 : memref<640x32xf32, #tpu.memory_space<vmem>>) target(%dma_start3A_141 : memref<640x32xf32, #tpu.memory_space<hbm>>) target_semaphore(%run_scoped3A : memref<!tpu.dma_semaphore, #tpu.memory_space<semaphore_mem>>)
      %dma_wait3A_142 = arith.constant 0 : i32
      %dma_wait3A_143 = tpu.memref_slice %arg4[%arg0, %mul3A_135, %dma_wait3A_142] : memref<1x10240x32xf32, #tpu.memory_space<hbm>> -> memref<1x640x32xf32, #tpu.memory_space<hbm>>
      %dma_wait3A_144 = tpu.memref_squeeze %dma_wait3A_143 : memref<1x640x32xf32, #tpu.memory_space<hbm>> -> memref<640x32xf32, #tpu.memory_space<hbm>>
      %dma_wait3A_145 = arith.constant 0 : i32
      %dma_wait3A_146 = tpu.memref_slice %arg4[%arg0, %mul3A_135, %dma_wait3A_145] : memref<1x10240x32xf32, #tpu.memory_space<hbm>> -> memref<1x640x32xf32, #tpu.memory_space<hbm>>
      %dma_wait3A_147 = tpu.memref_squeeze %dma_wait3A_146 : memref<1x640x32xf32, #tpu.memory_space<hbm>> -> memref<640x32xf32, #tpu.memory_space<hbm>>
      tpu.wait_dma2 semaphore(%run_scoped3A : memref<!tpu.dma_semaphore, #tpu.memory_space<semaphore_mem>>) src(%arg18 : memref<640x32xf32, #tpu.memory_space<vmem>>) dst(%dma_wait3A_147 : memref<640x32xf32, #tpu.memory_space<hbm>>)
      tpu.yield
    }) : () -> ()
    return
  }
}

#map = affine_map<(d0, d1) -> (0)>
#map1 = affine_map<(d0, d1) -> (0, 0, 0)>
module attributes {stable_mosaic.version = 14 : i64} {
  func.func @_deg_kernel(%arg0: i32, %arg1: i32, %arg2: memref<327680xi32, #tpu.memory_space<hbm>>, %arg3: memref<2x32x10240xf32, #tpu.memory_space<hbm>>, %arg4: memref<10240xi32, #tpu.memory_space<vmem>>, %arg5: memref<10240xf32, #tpu.memory_space<vmem>>, %arg6: memref<10240xf32, #tpu.memory_space<vmem>>) attributes {dimension_semantics = [#tpu.dimension_semantics<core_parallel>, #tpu.dimension_semantics<subcore_parallel>], iteration_bounds = array<i64: 2, 16>, scalar_prefetch = 0 : i64, scratch_operands = 3 : i64, tpu.core_type = #tpu.core_type<sc_vector_subcore>, window_params = [{transform_indices = #map}, {transform_indices = #map1}]} {
    %mul3A = arith.constant 2 : i32
    %mul3A_0 = arith.muli %arg1, %mul3A : i32
    %add3A = arith.addi %mul3A_0, %arg0 : i32
    %broadcast_in_dim3A = arith.constant 0.000000e+00 : f32
    %broadcast_in_dim3A_1 = vector.broadcast %broadcast_in_dim3A : f32 to vector<16xf32>
    %broadcast_in_dim3A_2 = arith.constant 1.000000e+00 : f32
    %broadcast_in_dim3A_3 = vector.broadcast %broadcast_in_dim3A_2 : f32 to vector<16xf32>
    %broadcast_in_dim3A_4 = arith.constant 65535 : i32
    %broadcast_in_dim3A_5 = vector.broadcast %broadcast_in_dim3A_4 : i32 to vector<16xi32>
    %scan3A = arith.constant 0 : i32
    %scan3A_6 = arith.constant 0 : i32
    %scan3A_7 = arith.constant 160 : i32
    %scan3A_8 = arith.addi %scan3A_6, %scan3A_7 : i32
    %scan3A_9 = arith.constant 1 : i32
    %scan3A_10 = scf.for %scan3A_22 = %scan3A_6 to %scan3A_8 step %scan3A_9 iter_args(%scan3A_23 = %scan3A) -> (i32)  : i32 {
      %mul3A_24 = arith.constant 4 : i32
      %mul3A_25 = arith.muli %scan3A_22, %mul3A_24 : i32
      %mul3A_26 = arith.constant 16 : i32
      %mul3A_27 = arith.muli %mul3A_25, %mul3A_26 : i32
      %add3A_28 = arith.constant 0 : i32
      %add3A_29 = arith.addi %mul3A_27, %add3A_28 : i32
      %swap3A = arith.index_cast %add3A_29 : i32 to index
      %swap3A_30 = tpu.vector_load %arg5[%swap3A] {strides = array<i32>} : memref<10240xf32, #tpu.memory_space<vmem>>, vector<16xf32>,
      tpu.vector_store %arg5[%swap3A], %broadcast_in_dim3A_1 {strides = array<i32>} : memref<10240xf32, #tpu.memory_space<vmem>>, vector<16xf32>,
      %add3A_31 = arith.constant 0 : i32
      %add3A_32 = arith.addi %mul3A_27, %add3A_31 : i32
      %swap3A_33 = arith.index_cast %add3A_32 : i32 to index
      %swap3A_34 = tpu.vector_load %arg6[%swap3A_33] {strides = array<i32>} : memref<10240xf32, #tpu.memory_space<vmem>>, vector<16xf32>,
      tpu.vector_store %arg6[%swap3A_33], %broadcast_in_dim3A_1 {strides = array<i32>} : memref<10240xf32, #tpu.memory_space<vmem>>, vector<16xf32>,
      %add3A_35 = arith.constant 16 : i32
      %add3A_36 = arith.addi %mul3A_27, %add3A_35 : i32
      %swap3A_37 = arith.index_cast %add3A_36 : i32 to index
      %swap3A_38 = tpu.vector_load %arg5[%swap3A_37] {strides = array<i32>} : memref<10240xf32, #tpu.memory_space<vmem>>, vector<16xf32>,
      tpu.vector_store %arg5[%swap3A_37], %broadcast_in_dim3A_1 {strides = array<i32>} : memref<10240xf32, #tpu.memory_space<vmem>>, vector<16xf32>,
      %add3A_39 = arith.constant 16 : i32
      %add3A_40 = arith.addi %mul3A_27, %add3A_39 : i32
      %swap3A_41 = arith.index_cast %add3A_40 : i32 to index
      %swap3A_42 = tpu.vector_load %arg6[%swap3A_41] {strides = array<i32>} : memref<10240xf32, #tpu.memory_space<vmem>>, vector<16xf32>,
      tpu.vector_store %arg6[%swap3A_41], %broadcast_in_dim3A_1 {strides = array<i32>} : memref<10240xf32, #tpu.memory_space<vmem>>, vector<16xf32>,
      %add3A_43 = arith.constant 32 : i32
      %add3A_44 = arith.addi %mul3A_27, %add3A_43 : i32
      %swap3A_45 = arith.index_cast %add3A_44 : i32 to index
      %swap3A_46 = tpu.vector_load %arg5[%swap3A_45] {strides = array<i32>} : memref<10240xf32, #tpu.memory_space<vmem>>, vector<16xf32>,
      tpu.vector_store %arg5[%swap3A_45], %broadcast_in_dim3A_1 {strides = array<i32>} : memref<10240xf32, #tpu.memory_space<vmem>>, vector<16xf32>,
      %add3A_47 = arith.constant 32 : i32
      %add3A_48 = arith.addi %mul3A_27, %add3A_47 : i32
      %swap3A_49 = arith.index_cast %add3A_48 : i32 to index
      %swap3A_50 = tpu.vector_load %arg6[%swap3A_49] {strides = array<i32>} : memref<10240xf32, #tpu.memory_space<vmem>>, vector<16xf32>,
      tpu.vector_store %arg6[%swap3A_49], %broadcast_in_dim3A_1 {strides = array<i32>} : memref<10240xf32, #tpu.memory_space<vmem>>, vector<16xf32>,
      %add3A_51 = arith.constant 48 : i32
      %add3A_52 = arith.addi %mul3A_27, %add3A_51 : i32
      %swap3A_53 = arith.index_cast %add3A_52 : i32 to index
      %swap3A_54 = tpu.vector_load %arg5[%swap3A_53] {strides = array<i32>} : memref<10240xf32, #tpu.memory_space<vmem>>, vector<16xf32>,
      tpu.vector_store %arg5[%swap3A_53], %broadcast_in_dim3A_1 {strides = array<i32>} : memref<10240xf32, #tpu.memory_space<vmem>>, vector<16xf32>,
      %add3A_55 = arith.constant 48 : i32
      %add3A_56 = arith.addi %mul3A_27, %add3A_55 : i32
      %swap3A_57 = arith.index_cast %add3A_56 : i32 to index
      %swap3A_58 = tpu.vector_load %arg6[%swap3A_57] {strides = array<i32>} : memref<10240xf32, #tpu.memory_space<vmem>>, vector<16xf32>,
      tpu.vector_store %arg6[%swap3A_57], %broadcast_in_dim3A_1 {strides = array<i32>} : memref<10240xf32, #tpu.memory_space<vmem>>, vector<16xf32>,
      %scan3A_59 = arith.constant 0 : i32
      scf.yield %scan3A_59 : i32
    }
    %scan3A_11 = arith.constant 160 : i32
    %mul3A_12 = arith.constant 10240 : i32
    %mul3A_13 = arith.muli %add3A, %mul3A_12 : i32
    "tpu.region"() ({
      %run_scoped3A_22 = tpu.sem_alloc : memref<!tpu.dma_semaphore, #tpu.memory_space<semaphore_mem>>
      %dma_start3A = tpu.memref_slice %arg2[%mul3A_13] : memref<327680xi32, #tpu.memory_space<hbm>> -> memref<10240xi32, #tpu.memory_space<hbm>>
      %dma_start3A_23 = tpu.memref_slice %arg2[%mul3A_13] : memref<327680xi32, #tpu.memory_space<hbm>> -> memref<10240xi32, #tpu.memory_space<hbm>>
      tpu.enqueue_dma source(%dma_start3A_23 : memref<10240xi32, #tpu.memory_space<hbm>>) target(%arg4 : memref<10240xi32, #tpu.memory_space<vmem>>) target_semaphore(%run_scoped3A_22 : memref<!tpu.dma_semaphore, #tpu.memory_space<semaphore_mem>>)
      %dma_wait3A = tpu.memref_slice %arg2[%mul3A_13] : memref<327680xi32, #tpu.memory_space<hbm>> -> memref<10240xi32, #tpu.memory_space<hbm>>
      %dma_wait3A_24 = tpu.memref_slice %arg2[%mul3A_13] : memref<327680xi32, #tpu.memory_space<hbm>> -> memref<10240xi32, #tpu.memory_space<hbm>>
      tpu.wait_dma2 semaphore(%run_scoped3A_22 : memref<!tpu.dma_semaphore, #tpu.memory_space<semaphore_mem>>) src(%dma_wait3A_24 : memref<10240xi32, #tpu.memory_space<hbm>>) dst(%arg4 : memref<10240xi32, #tpu.memory_space<vmem>>)
      tpu.yield
    }) : () -> ()
    %scan3A_14 = arith.constant 0 : i32
    %scan3A_15 = arith.constant 0 : i32
    %scan3A_16 = arith.constant 320 : i32
    %scan3A_17 = arith.addi %scan3A_15, %scan3A_16 : i32
    %scan3A_18 = arith.constant 1 : i32
    %scan3A_19 = scf.for %scan3A_22 = %scan3A_15 to %scan3A_17 step %scan3A_18 iter_args(%scan3A_23 = %scan3A_14) -> (i32)  : i32 {
      %mul3A_24 = arith.constant 2 : i32
      %mul3A_25 = arith.muli %scan3A_22, %mul3A_24 : i32
      %mul3A_26 = arith.constant 16 : i32
      %mul3A_27 = arith.muli %mul3A_25, %mul3A_26 : i32
      %add3A_28 = arith.constant 0 : i32
      %add3A_29 = arith.addi %mul3A_27, %add3A_28 : i32
      %get3A = arith.index_cast %add3A_29 : i32 to index
      %get3A_30 = tpu.vector_load %arg4[%get3A] {strides = array<i32>} : memref<10240xi32, #tpu.memory_space<vmem>>, vector<16xi32>,
      %and3A = arith.andi %get3A_30, %broadcast_in_dim3A_5 : vector<16xi32>
      tpu.vector_store_idx %arg5[%and3A], %broadcast_in_dim3A_3 {add = true} : memref<10240xf32, #tpu.memory_space<vmem>>[vector<16xi32>], vector<16xf32>,
      %shift_right_logical3A = arith.constant 16 : i32
      %shift_right_logical3A_31 = vector.broadcast %shift_right_logical3A : i32 to vector<16xi32>
      %shift_right_logical3A_32 = arith.shrui %get3A_30, %shift_right_logical3A_31 : vector<16xi32>
      tpu.vector_store_idx %arg6[%shift_right_logical3A_32], %broadcast_in_dim3A_3 {add = true} : memref<10240xf32, #tpu.memory_space<vmem>>[vector<16xi32>], vector<16xf32>,
      %add3A_33 = arith.constant 16 : i32
      %add3A_34 = arith.addi %mul3A_27, %add3A_33 : i32
      %get3A_35 = arith.index_cast %add3A_34 : i32 to index
      %get3A_36 = tpu.vector_load %arg4[%get3A_35] {strides = array<i32>} : memref<10240xi32, #tpu.memory_space<vmem>>, vector<16xi32>,
      %and3A_37 = arith.andi %get3A_36, %broadcast_in_dim3A_5 : vector<16xi32>
      tpu.vector_store_idx %arg5[%and3A_37], %broadcast_in_dim3A_3 {add = true} : memref<10240xf32, #tpu.memory_space<vmem>>[vector<16xi32>], vector<16xf32>,
      %shift_right_logical3A_38 = arith.constant 16 : i32
      %shift_right_logical3A_39 = vector.broadcast %shift_right_logical3A_38 : i32 to vector<16xi32>
      %shift_right_logical3A_40 = arith.shrui %get3A_36, %shift_right_logical3A_39 : vector<16xi32>
      tpu.vector_store_idx %arg6[%shift_right_logical3A_40], %broadcast_in_dim3A_3 {add = true} : memref<10240xf32, #tpu.memory_space<vmem>>[vector<16xi32>], vector<16xf32>,
      %scan3A_41 = arith.constant 0 : i32
      scf.yield %scan3A_41 : i32
    }
    %scan3A_20 = arith.constant 320 : i32
    %run_scoped3A = arith.constant 0 : i32
    "tpu.region"() ({
      %run_scoped3A_22 = tpu.sem_alloc : memref<!tpu.dma_semaphore, #tpu.memory_space<semaphore_mem>>
      %dma_start3A = arith.constant 0 : i32
      %dma_start3A_23 = tpu.memref_slice %arg3[%run_scoped3A, %add3A, %dma_start3A] : memref<2x32x10240xf32, #tpu.memory_space<hbm>> -> memref<1x1x10240xf32, #tpu.memory_space<hbm>>
      %dma_start3A_24 = tpu.memref_squeeze %dma_start3A_23 : memref<1x1x10240xf32, #tpu.memory_space<hbm>> -> memref<10240xf32, #tpu.memory_space<hbm>>
      %dma_start3A_25 = arith.constant 0 : i32
      %dma_start3A_26 = tpu.memref_slice %arg3[%run_scoped3A, %add3A, %dma_start3A_25] : memref<2x32x10240xf32, #tpu.memory_space<hbm>> -> memref<1x1x10240xf32, #tpu.memory_space<hbm>>
      %dma_start3A_27 = tpu.memref_squeeze %dma_start3A_26 : memref<1x1x10240xf32, #tpu.memory_space<hbm>> -> memref<10240xf32, #tpu.memory_space<hbm>>
      tpu.enqueue_dma source(%arg5 : memref<10240xf32, #tpu.memory_space<vmem>>) target(%dma_start3A_27 : memref<10240xf32, #tpu.memory_space<hbm>>) target_semaphore(%run_scoped3A_22 : memref<!tpu.dma_semaphore, #tpu.memory_space<semaphore_mem>>)
      %dma_wait3A = arith.constant 0 : i32
      %dma_wait3A_28 = tpu.memref_slice %arg3[%run_scoped3A, %add3A, %dma_wait3A] : memref<2x32x10240xf32, #tpu.memory_space<hbm>> -> memref<1x1x10240xf32, #tpu.memory_space<hbm>>
      %dma_wait3A_29 = tpu.memref_squeeze %dma_wait3A_28 : memref<1x1x10240xf32, #tpu.memory_space<hbm>> -> memref<10240xf32, #tpu.memory_space<hbm>>
      %dma_wait3A_30 = arith.constant 0 : i32
      %dma_wait3A_31 = tpu.memref_slice %arg3[%run_scoped3A, %add3A, %dma_wait3A_30] : memref<2x32x10240xf32, #tpu.memory_space<hbm>> -> memref<1x1x10240xf32, #tpu.memory_space<hbm>>
      %dma_wait3A_32 = tpu.memref_squeeze %dma_wait3A_31 : memref<1x1x10240xf32, #tpu.memory_space<hbm>> -> memref<10240xf32, #tpu.memory_space<hbm>>
      tpu.wait_dma2 semaphore(%run_scoped3A_22 : memref<!tpu.dma_semaphore, #tpu.memory_space<semaphore_mem>>) src(%arg5 : memref<10240xf32, #tpu.memory_space<vmem>>) dst(%dma_wait3A_32 : memref<10240xf32, #tpu.memory_space<hbm>>)
      tpu.yield
    }) : () -> ()
    %run_scoped3A_21 = arith.constant 1 : i32
    "tpu.region"() ({
      %run_scoped3A_22 = tpu.sem_alloc : memref<!tpu.dma_semaphore, #tpu.memory_space<semaphore_mem>>
      %dma_start3A = arith.constant 0 : i32
      %dma_start3A_23 = tpu.memref_slice %arg3[%run_scoped3A_21, %add3A, %dma_start3A] : memref<2x32x10240xf32, #tpu.memory_space<hbm>> -> memref<1x1x10240xf32, #tpu.memory_space<hbm>>
      %dma_start3A_24 = tpu.memref_squeeze %dma_start3A_23 : memref<1x1x10240xf32, #tpu.memory_space<hbm>> -> memref<10240xf32, #tpu.memory_space<hbm>>
      %dma_start3A_25 = arith.constant 0 : i32
      %dma_start3A_26 = tpu.memref_slice %arg3[%run_scoped3A_21, %add3A, %dma_start3A_25] : memref<2x32x10240xf32, #tpu.memory_space<hbm>> -> memref<1x1x10240xf32, #tpu.memory_space<hbm>>
      %dma_start3A_27 = tpu.memref_squeeze %dma_start3A_26 : memref<1x1x10240xf32, #tpu.memory_space<hbm>> -> memref<10240xf32, #tpu.memory_space<hbm>>
      tpu.enqueue_dma source(%arg6 : memref<10240xf32, #tpu.memory_space<vmem>>) target(%dma_start3A_27 : memref<10240xf32, #tpu.memory_space<hbm>>) target_semaphore(%run_scoped3A_22 : memref<!tpu.dma_semaphore, #tpu.memory_space<semaphore_mem>>)
      %dma_wait3A = arith.constant 0 : i32
      %dma_wait3A_28 = tpu.memref_slice %arg3[%run_scoped3A_21, %add3A, %dma_wait3A] : memref<2x32x10240xf32, #tpu.memory_space<hbm>> -> memref<1x1x10240xf32, #tpu.memory_space<hbm>>
      %dma_wait3A_29 = tpu.memref_squeeze %dma_wait3A_28 : memref<1x1x10240xf32, #tpu.memory_space<hbm>> -> memref<10240xf32, #tpu.memory_space<hbm>>
      %dma_wait3A_30 = arith.constant 0 : i32
      %dma_wait3A_31 = tpu.memref_slice %arg3[%run_scoped3A_21, %add3A, %dma_wait3A_30] : memref<2x32x10240xf32, #tpu.memory_space<hbm>> -> memref<1x1x10240xf32, #tpu.memory_space<hbm>>
      %dma_wait3A_32 = tpu.memref_squeeze %dma_wait3A_31 : memref<1x1x10240xf32, #tpu.memory_space<hbm>> -> memref<10240xf32, #tpu.memory_space<hbm>>
      tpu.wait_dma2 semaphore(%run_scoped3A_22 : memref<!tpu.dma_semaphore, #tpu.memory_space<semaphore_mem>>) src(%arg6 : memref<10240xf32, #tpu.memory_space<vmem>>) dst(%dma_wait3A_32 : memref<10240xf32, #tpu.memory_space<hbm>>)
      tpu.yield
    }) : () -> ()
    return
  }
}

module attributes {stable_mosaic.version = 14 : i64} {
  func.func @_prep_body(%arg0: memref<2x32x10240xf32, #tpu.memory_space<vmem>>, %arg1: memref<10000x128xf32, #tpu.memory_space<vmem>>, %arg2: memref<128x32xf32, #tpu.memory_space<vmem>>, %arg3: memref<10000x2xf32, #tpu.memory_space<vmem>>, %arg4: memref<10240x32xf32, #tpu.memory_space<vmem>>) attributes {dimension_semantics = [], scalar_prefetch = 0 : i64, scratch_operands = 0 : i64, tpu.core_type = #tpu.core_type<tc>} {
    %get3A = arith.constant 0 : index
    %get3A_0 = arith.constant 0 : index
    %get3A_1 = arith.constant 0 : index
    %get3A_2 = vector.load %arg0[%get3A, %get3A_0, %get3A_1] : memref<2x32x10240xf32, #tpu.memory_space<vmem>>, vector<2x32x10240xf32>
    %reduce_sum3A = arith.constant dense<0.000000e+00> : vector<2x10240xf32>
    %reduce_sum3A_3 = vector.multi_reduction <add>, %get3A_2, %reduce_sum3A [1] : vector<2x32x10240xf32> to vector<2x10240xf32>
    %max3A = arith.constant 1.000000e+00 : f32
    %max3A_4 = vector.broadcast %max3A : f32 to vector<2x10240xf32>
    %max3A_5 = arith.maximumf %reduce_sum3A_3, %max3A_4 : vector<2x10240xf32>
    %rsqrt3A = math.rsqrt %max3A_5 : vector<2x10240xf32>
    %transpose3A = tpu.transpose %rsqrt3A, [1, 0] : vector<2x10240xf32> -> vector<10240x2xf32>
    %slice3A = vector.extract_strided_slice %transpose3A {offsets = [0, 0], sizes = [10000, 2], strides = [1, 1]} : vector<10240x2xf32> to vector<10000x2xf32>
    %swap3A = arith.constant 0 : index
    %swap3A_6 = arith.constant 0 : index
    %swap3A_7 = vector.load %arg3[%swap3A, %swap3A_6] : memref<10000x2xf32, #tpu.memory_space<vmem>>, vector<10000x2xf32>
    tpu.vector_store %arg3[%swap3A, %swap3A_6], %slice3A {strides = array<i32>} : memref<10000x2xf32, #tpu.memory_space<vmem>>, vector<10000x2xf32>,
    %get3A_8 = arith.constant 0 : index
    %get3A_9 = arith.constant 0 : index
    %get3A_10 = vector.load %arg1[%get3A_8, %get3A_9] : memref<10000x128xf32, #tpu.memory_space<vmem>>, vector<10000x128xf32>
    %slice3A_11 = vector.extract_strided_slice %slice3A {offsets = [0, 0], sizes = [10000, 1], strides = [1, 1]} : vector<10000x2xf32> to vector<10000x1xf32>
    %mul3A = vector.broadcast %slice3A_11 : vector<10000x1xf32> to vector<10000x128xf32>
    %mul3A_12 = arith.mulf %get3A_10, %mul3A : vector<10000x128xf32>
    %get3A_13 = arith.constant 0 : index
    %get3A_14 = arith.constant 0 : index
    %get3A_15 = vector.load %arg2[%get3A_13, %get3A_14] : memref<128x32xf32, #tpu.memory_space<vmem>>, vector<128x32xf32>
    %dot_general3A = arith.constant dense<0.000000e+00> : vector<10000x32xf32>
    %dot_general3A_16 = tpu.matmul %mul3A_12, %get3A_15, %dot_general3A {dimension_numbers = #tpu.dot_dimension_numbers<[1], [0], [0], [1], [0, 0, 1, 1], [], []>, transpose_lhs_hint = false} : vector<10000x128xf32>, vector<128x32xf32>, vector<10000x32xf32> -> vector<10000x32xf32>
    %swap3A_17 = arith.constant 0 : index
    %swap3A_18 = arith.constant 0 : index
    %swap3A_19 = vector.load %arg4[%swap3A_17, %swap3A_18] : memref<10240x32xf32, #tpu.memory_space<vmem>>, vector<10000x32xf32>
    tpu.vector_store %arg4[%swap3A_17, %swap3A_18], %dot_general3A_16 {strides = array<i32>} : memref<10240x32xf32, #tpu.memory_space<vmem>>, vector<10000x32xf32>,
    %broadcast_in_dim3A = arith.constant 0.000000e+00 : f32
    %broadcast_in_dim3A_20 = vector.broadcast %broadcast_in_dim3A : f32 to vector<240x32xf32>
    %swap3A_21 = arith.constant 10000 : index
    %swap3A_22 = arith.constant 0 : index
    %swap3A_23 = vector.load %arg4[%swap3A_21, %swap3A_22] : memref<10240x32xf32, #tpu.memory_space<vmem>>, vector<240x32xf32>
    tpu.vector_store %arg4[%swap3A_21, %swap3A_22], %broadcast_in_dim3A_20 {strides = array<i32>} : memref<10240x32xf32, #tpu.memory_space<vmem>>, vector<240x32xf32>,
    return
  }
}

module attributes {stable_mosaic.version = 14 : i64} {
  func.func @_post1_body(%arg0: memref<1x10240x32xf32, #tpu.memory_space<vmem>>, %arg1: memref<10000x2xf32, #tpu.memory_space<vmem>>, %arg2: memref<32xf32, #tpu.memory_space<vmem>>, %arg3: memref<32x32xf32, #tpu.memory_space<vmem>>, %arg4: memref<10240x32xf32, #tpu.memory_space<vmem>>) attributes {dimension_semantics = [], scalar_prefetch = 0 : i64, scratch_operands = 0 : i64, tpu.core_type = #tpu.core_type<tc>} {
    %get3A = arith.constant 0 : index
    %get3A_0 = arith.constant 0 : index
    %get3A_1 = arith.constant 0 : index
    %get3A_2 = vector.load %arg0[%get3A, %get3A_0, %get3A_1] : memref<1x10240x32xf32, #tpu.memory_space<vmem>>, vector<1x10240x32xf32>
    %get3A_3 = vector.shape_cast %get3A_2 : vector<1x10240x32xf32> to vector<10240x32xf32>
    %slice3A = vector.extract_strided_slice %get3A_3 {offsets = [0, 0], sizes = [10000, 32], strides = [1, 1]} : vector<10240x32xf32> to vector<10000x32xf32>
    %get3A_4 = arith.constant 0 : index
    %get3A_5 = arith.constant 0 : index
    %get3A_6 = vector.load %arg1[%get3A_4, %get3A_5] : memref<10000x2xf32, #tpu.memory_space<vmem>>, vector<10000x2xf32>
    %slice3A_7 = vector.extract_strided_slice %get3A_6 {offsets = [0, 1], sizes = [10000, 1], strides = [1, 1]} : vector<10000x2xf32> to vector<10000x1xf32>
    %mul3A = vector.broadcast %slice3A_7 : vector<10000x1xf32> to vector<10000x32xf32>
    %mul3A_8 = arith.mulf %slice3A, %mul3A : vector<10000x32xf32>
    %get3A_9 = arith.constant 0 : index
    %get3A_10 = vector.load %arg2[%get3A_9] : memref<32xf32, #tpu.memory_space<vmem>>, vector<32xf32>
    %broadcast_in_dim3A = vector.shape_cast %get3A_10 : vector<32xf32> to vector<1x32xf32>
    %add3A = vector.broadcast %broadcast_in_dim3A : vector<1x32xf32> to vector<10000x32xf32>
    %add3A_11 = arith.addf %mul3A_8, %add3A : vector<10000x32xf32>
    %max3A = arith.constant 0.000000e+00 : f32
    %max3A_12 = vector.broadcast %max3A : f32 to vector<10000x32xf32>
    %max3A_13 = arith.maximumf %add3A_11, %max3A_12 : vector<10000x32xf32>
    %slice3A_14 = vector.extract_strided_slice %get3A_6 {offsets = [0, 0], sizes = [10000, 1], strides = [1, 1]} : vector<10000x2xf32> to vector<10000x1xf32>
    %mul3A_15 = vector.broadcast %slice3A_14 : vector<10000x1xf32> to vector<10000x32xf32>
    %mul3A_16 = arith.mulf %max3A_13, %mul3A_15 : vector<10000x32xf32>
    %get3A_17 = arith.constant 0 : index
    %get3A_18 = arith.constant 0 : index
    %get3A_19 = vector.load %arg3[%get3A_17, %get3A_18] : memref<32x32xf32, #tpu.memory_space<vmem>>, vector<32x32xf32>
    %dot_general3A = arith.constant dense<0.000000e+00> : vector<10000x32xf32>
    %dot_general3A_20 = tpu.matmul %mul3A_16, %get3A_19, %dot_general3A {dimension_numbers = #tpu.dot_dimension_numbers<[1], [0], [0], [1], [0, 0, 1, 1], [], []>, transpose_lhs_hint = false} : vector<10000x32xf32>, vector<32x32xf32>, vector<10000x32xf32> -> vector<10000x32xf32>
    %swap3A = arith.constant 0 : index
    %swap3A_21 = arith.constant 0 : index
    %swap3A_22 = vector.load %arg4[%swap3A, %swap3A_21] : memref<10240x32xf32, #tpu.memory_space<vmem>>, vector<10000x32xf32>
    tpu.vector_store %arg4[%swap3A, %swap3A_21], %dot_general3A_20 {strides = array<i32>} : memref<10240x32xf32, #tpu.memory_space<vmem>>, vector<10000x32xf32>,
    %broadcast_in_dim3A_23 = arith.constant 0.000000e+00 : f32
    %broadcast_in_dim3A_24 = vector.broadcast %broadcast_in_dim3A_23 : f32 to vector<240x32xf32>
    %swap3A_25 = arith.constant 10000 : index
    %swap3A_26 = arith.constant 0 : index
    %swap3A_27 = vector.load %arg4[%swap3A_25, %swap3A_26] : memref<10240x32xf32, #tpu.memory_space<vmem>>, vector<240x32xf32>
    tpu.vector_store %arg4[%swap3A_25, %swap3A_26], %broadcast_in_dim3A_24 {strides = array<i32>} : memref<10240x32xf32, #tpu.memory_space<vmem>>, vector<240x32xf32>,
    return
  }
}

module attributes {stable_mosaic.version = 14 : i64} {
  func.func @_post2_body(%arg0: memref<1x10240x32xf32, #tpu.memory_space<vmem>>, %arg1: memref<10000x2xf32, #tpu.memory_space<vmem>>, %arg2: memref<32xf32, #tpu.memory_space<vmem>>, %arg3: memref<32x32xf32, #tpu.memory_space<vmem>>, %arg4: memref<32xf32, #tpu.memory_space<vmem>>, %arg5: memref<32x2xf32, #tpu.memory_space<vmem>>, %arg6: memref<2xf32, #tpu.memory_space<vmem>>, %arg7: memref<10000x2xf32, #tpu.memory_space<vmem>>) attributes {dimension_semantics = [], scalar_prefetch = 0 : i64, scratch_operands = 0 : i64, tpu.core_type = #tpu.core_type<tc>} {
    %get3A = arith.constant 0 : index
    %get3A_0 = arith.constant 0 : index
    %get3A_1 = arith.constant 0 : index
    %get3A_2 = vector.load %arg0[%get3A, %get3A_0, %get3A_1] : memref<1x10240x32xf32, #tpu.memory_space<vmem>>, vector<1x10240x32xf32>
    %get3A_3 = vector.shape_cast %get3A_2 : vector<1x10240x32xf32> to vector<10240x32xf32>
    %slice3A = vector.extract_strided_slice %get3A_3 {offsets = [0, 0], sizes = [10000, 32], strides = [1, 1]} : vector<10240x32xf32> to vector<10000x32xf32>
    %get3A_4 = arith.constant 0 : index
    %get3A_5 = arith.constant 0 : index
    %get3A_6 = vector.load %arg1[%get3A_4, %get3A_5] : memref<10000x2xf32, #tpu.memory_space<vmem>>, vector<10000x2xf32>
    %slice3A_7 = vector.extract_strided_slice %get3A_6 {offsets = [0, 1], sizes = [10000, 1], strides = [1, 1]} : vector<10000x2xf32> to vector<10000x1xf32>
    %mul3A = vector.broadcast %slice3A_7 : vector<10000x1xf32> to vector<10000x32xf32>
    %mul3A_8 = arith.mulf %slice3A, %mul3A : vector<10000x32xf32>
    %get3A_9 = arith.constant 0 : index
    %get3A_10 = vector.load %arg2[%get3A_9] : memref<32xf32, #tpu.memory_space<vmem>>, vector<32xf32>
    %broadcast_in_dim3A = vector.shape_cast %get3A_10 : vector<32xf32> to vector<1x32xf32>
    %add3A = vector.broadcast %broadcast_in_dim3A : vector<1x32xf32> to vector<10000x32xf32>
    %add3A_11 = arith.addf %mul3A_8, %add3A : vector<10000x32xf32>
    %max3A = arith.constant 0.000000e+00 : f32
    %max3A_12 = vector.broadcast %max3A : f32 to vector<10000x32xf32>
    %max3A_13 = arith.maximumf %add3A_11, %max3A_12 : vector<10000x32xf32>
    %get3A_14 = arith.constant 0 : index
    %get3A_15 = arith.constant 0 : index
    %get3A_16 = vector.load %arg3[%get3A_14, %get3A_15] : memref<32x32xf32, #tpu.memory_space<vmem>>, vector<32x32xf32>
    %dot_general3A = arith.constant dense<0.000000e+00> : vector<10000x32xf32>
    %dot_general3A_17 = tpu.matmul %max3A_13, %get3A_16, %dot_general3A {dimension_numbers = #tpu.dot_dimension_numbers<[1], [0], [0], [1], [0, 0, 1, 1], [], []>, transpose_lhs_hint = false} : vector<10000x32xf32>, vector<32x32xf32>, vector<10000x32xf32> -> vector<10000x32xf32>
    %get3A_18 = arith.constant 0 : index
    %get3A_19 = vector.load %arg4[%get3A_18] : memref<32xf32, #tpu.memory_space<vmem>>, vector<32xf32>
    %broadcast_in_dim3A_20 = vector.shape_cast %get3A_19 : vector<32xf32> to vector<1x32xf32>
    %add3A_21 = vector.broadcast %broadcast_in_dim3A_20 : vector<1x32xf32> to vector<10000x32xf32>
    %add3A_22 = arith.addf %dot_general3A_17, %add3A_21 : vector<10000x32xf32>
    %max3A_23 = arith.constant 0.000000e+00 : f32
    %max3A_24 = vector.broadcast %max3A_23 : f32 to vector<10000x32xf32>
    %max3A_25 = arith.maximumf %add3A_22, %max3A_24 : vector<10000x32xf32>
    %get3A_26 = arith.constant 0 : index
    %get3A_27 = arith.constant 0 : index
    %get3A_28 = vector.load %arg5[%get3A_26, %get3A_27] : memref<32x2xf32, #tpu.memory_space<vmem>>, vector<32x2xf32>
    %dot_general3A_29 = arith.constant dense<0.000000e+00> : vector<10000x2xf32>
    %dot_general3A_30 = tpu.matmul %max3A_25, %get3A_28, %dot_general3A_29 {dimension_numbers = #tpu.dot_dimension_numbers<[1], [0], [0], [1], [0, 0, 1, 1], [], []>, transpose_lhs_hint = false} : vector<10000x32xf32>, vector<32x2xf32>, vector<10000x2xf32> -> vector<10000x2xf32>
    %get3A_31 = arith.constant 0 : index
    %get3A_32 = vector.load %arg6[%get3A_31] : memref<2xf32, #tpu.memory_space<vmem>>, vector<2xf32>
    %broadcast_in_dim3A_33 = vector.shape_cast %get3A_32 : vector<2xf32> to vector<1x2xf32>
    %add3A_34 = vector.broadcast %broadcast_in_dim3A_33 : vector<1x2xf32> to vector<10000x2xf32>
    %add3A_35 = arith.addf %dot_general3A_30, %add3A_34 : vector<10000x2xf32>
    %swap3A = arith.constant 0 : index
    %swap3A_36 = arith.constant 0 : index
    %swap3A_37 = vector.load %arg7[%swap3A, %swap3A_36] : memref<10000x2xf32, #tpu.memory_space<vmem>>, vector<10000x2xf32>
    tpu.vector_store %arg7[%swap3A, %swap3A_36], %add3A_35 {strides = array<i32>} : memref<10000x2xf32, #tpu.memory_space<vmem>>, vector<10000x2xf32>,
    return
  }
}

</mosaic_0001>

<sc_bundles>
// kernel: kernel.11.cloned.1.call-start
scs
__scs_entry_jumppad:
0x0: {  	(pc) =	sbr.rel $0x88, $3  }
0x1: {  	(tag) =	ssettag $0x0;
	lr =	simm.s32 $0x1  }
0x2: {  	[smem:$0x3F97] =	sst lr;
	_ =	strace $0xD0000000  }
0x3: {  	_ = 	snop  }
0x4: {  	_ = 	snop  }
0x5: {  	_ = 	snop  }
0x6: {  	_ = 	snop  }
0x7: {  	_ = 	snop  }
__scs_overlays_trampoline_lowered:
0x8: {  	[smem:$0x3FA6] =	sst s0  }
0x9: {  	[smem:$0x3FA7] =	sst s1  }
0xa: {  	[smem:$0x3FA8] =	sst s2  }
0xb: {  	[smem:$0x3FA9] =	sst s3  }
0xc: {  	[smem:$0x3FAA] =	sst s4  }
0xd: {  	[smem:$0x3FAB] =	sst s5  }
0xe: {  	[smem:$0x3FAC] =	sst s6  }
0xf: {  	[smem:$0x3FAD] =	sst s7  }
0x10: {  	[smem:$0x3FAE] =	sst s8  }
0x11: {  	[smem:$0x3FAF] =	sst s9;
	s0 =	simm.s32 @!p0 $0x0  }
0x12: {  	s1 =	sld [smem:$0x3F95];
	s0 =	simm.s32 @p0 $0x1  }
0x13: {  	[smem:$0x3FB0] =	sst s0;
	s0 =	simm.s32 @!p1 $0x0  }
0x14: {  	s2 =	sld [smem:$0x3F94];
	s0 =	simm.s32 @p1 $0x1  }
0x15: {  	[smem:$0x3FB1] =	sst s0;
	s0 =	simm.s32 @!p2 $0x0  }
0x16: {  	s3 =	sld [smem:$0x3FDB];
	s0 =	simm.s32 @p2 $0x1  }
0x17: {  	s4 =	simm.s32 $0x1BF5;
	[smem:$0x3FB3] =	sst s0  }
0x18: {  	s0 =	sld [smem:$0x3F96];
	_ =	swait.ge [sflag:s4], $0x0  }
0x19: {  	s7 =	sld [smem:$0x3F97]  }
0x1a: {  	s8 =	sadd.s32 $0xFFFFE003, lr  }
0x1b: {  	s9 =	sadd.s32 $0xFFFFFEF7, lr;
	s5 =	simm.s32 $0xFFFFFFFF;
	p2 =	slt.u32 s8, $0xFFFFF086  }
0x1c: {  	p1 =	slt.u32 s9, $0xF7A;
	s5 =	simm.s32 @!p2 $0x0  }
0x1d: {  	s5 =	simm.s32 @p1 $0x1;
	p0 =	seq.s32 s7, s2  }
0x1e: {  	s7 =	smul.u32 @!p0 $0xF7A, s2;
	p2 =	seq.s32 @!p0 s5, $0x0  }
0x1f: {  	s9 =	smul.u32 $0xF7A, s1;
	s8 =	simm.s32 @!p0 $0x1BF5;
	p2 =	por !p2, p0  }
0x20: {  	[sflag:s8] =	ssyncset.s32 @!p0 $0xFFFFF086;
	s6 =	sadd.s32 @!p0 s3, s7;
	s7 =	simm.s32 @!p0 $0x108  }
0x21: {  	s3 =	sadd.s32 s3, s9;
	s6 =	sadd.s32 @!p0 $0x88, s6;
	s7 =	simm.s32 @p2 $0x1082  }
0x22: {  	[simem:s7], [sflag:s8] =	dma.local @!p0 [hbm:s6], $0xF7A  }
0x23: {  	s9 =	sor.u32 $0xD0000000, s2;
	s6 =	simm.s32 $0x108;
	_ =	swait.ge @!p0 [sflag:s8], $0x0  }
0x24: {  	s3 =	sadd.s32 $0x88, s3;
	s6 =	simm.s32 @!p1 $0x1082;
	[sflag:s4] =	ssyncset.s32 $0xFFFFF086  }
0x25: {  	[simem:s6], [sflag:s4] =	dma.local [hbm:s3], $0xF7A  }
0x26: {  	[smem:$0x3F97] =	sst s1;
	(tag) =	ssettag s2;
	_ =	strace s9  }
0x27: {  	s1 =	sld [smem:$0x3FA7]  }
0x28: {  	s2 =	sld [smem:$0x3FA8]  }
0x29: {  	s4 =	sld [smem:$0x3FAA]  }
0x2a: {  	p0 =	seq.s32 s5, $0x0;
	s5 =	sld [smem:$0x3FAB]  }
0x2b: {  	s6 =	sld [smem:$0x3FAC]  }
0x2c: {  	s7 =	sld [smem:$0x3FAD]  }
0x2d: {  	s3 =	simm.s32 $0x108;
	s8 =	sld [smem:$0x3FAE]  }
0x2e: {  	s3 =	simm.s32 @!p0 $0x1082;
	s9 =	sld [smem:$0x3FAF]  }
0x2f: {  	lr =	sadd.s32 s0, s3;
	s0 =	sld [smem:$0x3FA6]  }
0x30: {  	s3 =	sld [smem:$0x3FA9]  }
0x31: {  	[smem:$0x3FB2] =	sst s10  }
0x32: {  	s10 =	sld [smem:$0x3FB0];
	_ =	sdelay $0x3  }
0x33: {  	p0 =	seq.s32 s10, $0x1;
	s10 =	sld [smem:$0x3FB2];
	_ =	sdelay $0x3  }
0x34: {  	[smem:$0x3FB2] =	sst s10  }
0x35: {  	s10 =	sld [smem:$0x3FB1];
	_ =	sdelay $0x3  }
0x36: {  	p1 =	seq.s32 s10, $0x1;
	s10 =	sld [smem:$0x3FB2];
	_ =	sdelay $0x3  }
0x37: {  	[smem:$0x3FB2] =	sst s10  }
0x38: {  	s10 =	sld [smem:$0x3FB3]  }
0x39: {  	_ = 	snop;
	(pc) =	sbr.ind lr, $3  }
0x3a: {  	_ = 	snop  }
0x3b: {  	_ = 	snop  }
0x3c: {  	p2 =	seq.s32 s10, $0x1;
	s10 =	sld [smem:$0x3FB2]  }
0x3d: {  	_ =	shalt  }
0x3e: {  	_ =	shalt  }
0x3f: {  	_ =	shalt  }
0x40: {  	_ =	shalt  }
0x41: {  	_ =	shalt  }
0x42: {  	_ =	shalt  }
0x43: {  	_ =	shalt  }
0x44: {  	_ =	shalt  }
0x45: {  	_ =	shalt  }
0x46: {  	_ =	shalt  }
0x47: {  	_ =	shalt  }
0x48: {  	_ =	shalt  }
0x49: {  	_ =	shalt  }
0x4a: {  	_ =	shalt  }
0x4b: {  	_ =	shalt  }
0x4c: {  	_ =	shalt  }
0x4d: {  	_ =	shalt  }
0x4e: {  	_ =	shalt  }
0x4f: {  	_ =	shalt  }
0x50: {  	_ =	shalt  }
0x51: {  	_ =	shalt  }
0x52: {  	_ =	shalt  }
0x53: {  	_ =	shalt  }
0x54: {  	_ =	shalt  }
0x55: {  	_ =	shalt  }
0x56: {  	_ =	shalt  }
0x57: {  	_ =	shalt  }
0x58: {  	_ =	shalt  }
0x59: {  	_ =	shalt  }
0x5a: {  	_ =	shalt  }
0x5b: {  	_ =	shalt  }
0x5c: {  	_ =	shalt  }
0x5d: {  	_ =	shalt  }
0x5e: {  	_ =	shalt  }
0x5f: {  	_ =	shalt  }
0x60: {  	_ =	shalt  }
0x61: {  	_ =	shalt  }
0x62: {  	_ =	shalt  }
0x63: {  	_ =	shalt  }
0x64: {  	_ =	shalt  }
0x65: {  	_ =	shalt  }
0x66: {  	_ =	shalt  }
0x67: {  	_ =	shalt  }
0x68: {  	_ =	shalt  }
0x69: {  	_ =	shalt  }
0x6a: {  	_ =	shalt  }
0x6b: {  	_ =	shalt  }
0x6c: {  	_ =	shalt  }
0x6d: {  	_ =	shalt  }
0x6e: {  	_ =	shalt  }
0x6f: {  	_ =	shalt  }
0x70: {  	_ =	shalt  }
0x71: {  	_ =	shalt  }
0x72: {  	_ =	shalt  }
0x73: {  	_ =	shalt  }
0x74: {  	_ =	shalt  }
0x75: {  	_ =	shalt  }
0x76: {  	_ =	shalt  }
0x77: {  	_ =	shalt  }
0x78: {  	_ =	shalt  }
0x79: {  	_ =	shalt  }
0x7a: {  	_ =	shalt  }
0x7b: {  	_ =	shalt  }
0x7c: {  	_ =	shalt  }
0x7d: {  	_ =	shalt  }
0x7e: {  	_ =	shalt  }
0x7f: {  	_ =	shalt  }
0x80: {  	_ =	shalt  }
0x81: {  	_ =	shalt  }
0x82: {  	_ =	shalt  }
0x83: {  	_ =	shalt  }
0x84: {  	_ =	shalt  }
0x85: {  	_ =	shalt  }
0x86: {  	_ =	shalt  }
0x87: {  	_ =	shalt  }
.Lfunc_end0:
.L_simem_size_0:
called_computation.1_lowered:
.L_overlay_start_0:
0x88: {  	s0 =	sld [smem:$0x3FD9]  }
0x89: {  	s1 =	sld [smem:$0x3FFE];
	_ =	sdelay $0x3  }
0x8a: {  	s0 =	sadd.s32 s1, s0  }
0x8b: {  	[smem:$0x3FBE] =	sst s0  }
0x8c: {  	_ = 	snop  }
0x8d: {  	(tm) =	ssettm $0x1  }
0x8e: {  	s15 =	sld [smem:$0x3FFB];
	_ =	sdelay $0x3  }
0x8f: {  	_ =	strace s15  }
0x90: {  	s0 =	sld [smem:$0x3FFC];
	_ =	sdelay $0x3  }
0x91: {  	_ =	strace s0  }
0x92: {  	s0 =	sld [smem:$0x3FFD];
	_ =	sdelay $0x3  }
0x93: {  	_ =	strace s0  }
0x94: {  	_ =	strace $0x8FFFFFFF  }
0x95: {  	s16 =	sld [smem:$0x3FDB];
	_ =	sdelay $0x1  }
0x96: {  	s17 =	simm.s32 $_scs_section_size  }
0x97: {  	s2 =	simm.s32 $_size__tile_overlayer_lowered;
	s3 =	simm.s32 $_tile_overlayer_lowered  }
0x98: {  	s20 =	simm.s32 $0x1BFF;
	s19 =	sshll.u32 s3, $0x1;
	s0 =	sadd.s32 s17, s16  }
0x99: {  	s4 =	simm.s32 $0x0;
	s18 =	sshll.u32 s2, $0x1;
	s2 =	sadd.s32 s19, s0  }
0x9a: {  	[timem:s4], [sflag:s20] =	dma.local [hbm:s2], s18  }
0x9b: {  	_ =	swait.ge [sflag:s20], s18  }
0x9c: {  	s1 =	ssub.s32 $0x0, s18;
	[sflag:s20] =	ssyncset.done $0x0  }
0x9d: {  	[sflag:s20] =	ssyncadd.s32 s1;
	_ =	sdelay $0x1  }
0x9e: {  	s21 =	simm.s32 $0x1B8B  }
0x9f: {  	_ =	swait.ge [sflag:s21], $0x1  }
0xa0: {  	[sflag:s21] =	ssyncset.done $0x0  }
0xa1: {  	s23 =	simm.s32 $0x1B8E;
	s22 =	sld [smem:$0x3FFE];
	[sflag:s21] =	ssyncadd.s32 $0xFFFFFFFF  }
0xa2: {  	s24 =	simm.s32 $execute0_lowered;
	[smem:$0x3FD2] =	sst s23  }
0xa3: {  	s2 =	sshll.u32 s24, $0x1;
	_ =	strace $0x80000049;
	[dreg:$0x1] =	wrdreg $0xFFFFFFFF  }
0xa4: {  	s25 =	simm.s32 $_size_execute0_lowered;
	s0 =	sadd.s32 s0, s2;
	[dreg:$0x0] =	wrdreg $0x0  }
0xa5: {  	s2 =	sshll.u32 s25, $0x1;
	[dreg:$0x2] =	wrdreg s0  }
0xa6: {  	[dreg:$0x3] =	wrdreg s2  }
0xa7: {  	[dreg:$0x4] =	wrdreg $0xC0  }
0xa8: {  	_ =	task [dreg:s4], $0x5FFFF  }
0xa9: {  	[dreg:$0x1] =	wrdreg $0xFFFFFFFF  }
0xaa: {  	[dreg:$0x0] =	wrdreg $0x60  }
0xab: {  	[dreg:$0x2] =	wrdreg s22  }
0xac: {  	[dreg:$0x3] =	wrdreg $0x0  }
0xad: {  	[dreg:$0x4] =	wrdreg $0x9  }
0xae: {  	_ =	task.clear_ibuf [dreg:s4], $0x5FFFF;
	_ =	strace $0x90000049  }
0xaf: {  	s26 =	simm.s32 $0x9;
	_ =	strace $0x8000004B  }
0xb0: {  	_ =	swait.ge [sflag:s26], $0x1  }
0xb1: {  	[sflag:s26] =	ssyncadd.s32 $0xFFFFFFFF  }
0xb2: {  	_ =	strace $0x9000004B  }
0xb3: {  	_ =	sfence  }
0xb4: {  	s28 =	sld [smem:$0x0];
	_ =	sdelay $0x1  }
0xb5: {  	s29 =	srdreg.scid  }
0xb6: {  	s30 =	sshll.u32 s29, $0xD;
	s31 =	sshrl.u32 s29, $0x2  }
0xb7: {  	s1 =	sand.u32 $0x1, s29;
	s2 =	sand.u32 $0x4000, s30;
	s0 =	sadd.s32 s31, s28  }
0xb8: {  	s1 =	sor.u32 s2, s1;
	s0 =	sshll.u32 s0, $0x11  }
0xb9: {  	s0 =	sor.u32 s0, s1  }
0xba: {  	s0 =	sadd.s32 $0x8F2B, s0  }
0xbb: {  	[sflag:s0] =	ssyncadd.remote.s32 $0x1  }
0xbc: {  	_ =	sfence.sel $0xFFFF  }
0xbd: {  	[dreg:$0x0] =	wrdreg $0xFFFFFFFF;
	(pc) =	sbr.abs _section_cstart, $3  }
0xbe: {  	[dreg:$0x1] =	wrdreg $0xFFFFFFFF  }
0xbf: {  	_ =	task.clear_ibuf [dreg:s4], $0x2FFFF;
	_ =	strace $0x9FFFFFFF  }
0xc0: {  	(tm) =	ssettm $0x7FFFFFFF  }
0xc1: {  	_ =	shalt  }
tec
execute0_lowered:
.L_overlay_start_1:
0x0: {  	(tag) =	ssettag $0x1  }
0x1: {  	s1 =	rddreg [dreg:$0x0]  }
0x2: {  	s4 =	rddreg [dreg:$0x1];
	s2 =	simm.s32 $0x0  }
0x3: {  	s5 =	simm.s32 $0x0;
	s3 =	simm.s32 $0x200;
	[smem:$0x7FF] =	sst s2  }
0x4: {  	s6 =	sadd.s32 $0xBE00, s1;
	s7 =	sadd.s32 $0x1E00, s1;
	s0 =	sadd.s32 $0x15E00, s1  }
0x5: {  	v0 =	vimm.f32 $0.0e+00;
	_ =	strace $0x8000004A;
	[dreg:$0x3] =	wrdreg s0;
	s0 =	stileid.u32  }
.LBB2_1:
0x6: {  	p0 =	sne.s32 s3, $0x13E00;
	[tilespmem:s5+$0x19070] =	vst v0  }
0x7: {  	[tilespmem:s5+$0x19000] =	vst v0  }
0x8: {  	[tilespmem:s5+$0x19010] =	vst v0  }
.Ltmp0:
0x9: {  	[tilespmem:s5+$0x19020] =	vst v0;
	(pc) =	sbr.rel @p0 .LBB2_1-.Ltmp0, $4  }
0xa: {  	[tilespmem:s5+$0x19030] =	vst v0  }
0xb: {  	[tilespmem:s5+$0x19040] =	vst v0  }
0xc: {  	[tilespmem:s5+$0x19050] =	vst v0  }
0xd: {  	[tilespmem:s5+$0x19060] =	vst v0;
	s5 =	sshra.s32 s3, $0x2;
	s3 =	sadd.s32 $0x200, s3  }
0xe: {  	[tilespmem:s5+$0x19070] =	vst v0  }
0xf: {  	[tilespmem:s5+$0x19000] =	vst v0  }
0x10: {  	[tilespmem:s5+$0x19010] =	vst v0  }
0x11: {  	[tilespmem:s5+$0x19020] =	vst v0  }
0x12: {  	[tilespmem:s5+$0x19030] =	vst v0  }
0x13: {  	[tilespmem:s5+$0x19040] =	vst v0;
	s1 =	smul.u32 $0x5000, s0  }
0x14: {  	[tilespmem:s5+$0x19050] =	vst v0;
	s8 =	simm.s32 $0x19000  }
0x15: {  	[tilespmem:s5+$0x19060] =	vst v0;
	s9 =	simm.s32 $0x15;
	[dreg:$0x4] =	wrdreg s1;
	s5 =	sadd.s32 s1, s4  }
0x16: {  	[spmem:s5] =	stream.linear.scatter [tilespmem:s8], [sflag:$0x15], $0x5000, $0x38;
	[tilespmem:$0x1E000] =	vst v63  }
0x17: {  	s30 =	smul.u32 $0xA00, s0;
	_ =	swait.ge [sflag:s9], $0x5000  }
0x18: {  	s31 =	simm.s32 $0x0;
	[sflag:s9] =	ssyncset.done $0x0  }
0x19: {  	s10 =	simm.s32 $0x5000;
	s7 =	sadd.s32 s7, s30;
	[sflag:s9] =	ssyncadd.s32 $0xFFFFB000  }
0x1a: {  	[tilespmem:s10], [sflag:$0x15] =	stream.linear.gather [hbm4b:s7+s31], $0x5000, $0x38;
	[tilespmem:$0x1E000] =	vst v63  }
0x1b: {  	_ =	swait.ge [sflag:s9], $0x5000  }
0x1c: {  	[sflag:s9] =	ssyncset.done $0x0  }
0x1d: {  	s7 =	simm.s32 $0x0;
	[sflag:s9] =	ssyncadd.s32 $0xFFFFB000  }
0x1e: {  	v1 =	vld [tilespmem:s7+$0x5000]  }
0x1f: {  	v2 =	vld [tilespmem:s7+$0x5010];
	_ =	sdelay $0x3  }
0x20: {  	v0 =	vand.u32 $0xFFFF, v1  }
0x21: {  	s8 =	simm.s32 $0x20;
	v3 =	vand.u32 $0xFFFF, v2;
	[tilespmem:s7+$0x5000] =	vst v0  }
0x22: {  	s9 =	simm.s32 $0x100;
	v1 =	vshrl.u32 v1, $0x10;
	v2 =	vshrl.u32 v2, $0x10;
	v0 =	vld [tilespmem:s8+$0x5000];
	[tilespmem:s7+$0x5010] =	vst v3  }
.LBB2_3:
0x23: {  	p0 =	sne.s32 s9, $0x13F80;
	v3 =	vld [tilespmem:s8+$0x5010];
	[tilespmem:s7+$0xA000] =	vst v1  }
0x24: {  	[tilespmem:s7+$0xA010] =	vst v2;
	s7 =	smov.u32 s8  }
.Ltmp1:
0x25: {  	(pc) =	sbr.rel @p0 .LBB2_3-.Ltmp1, $4  }
0x26: {  	_ = 	snop  }
0x27: {  	v1 =	vshrl.u32 v0, $0x10;
	v0 =	vand.u32 $0xFFFF, v0  }
0x28: {  	s8 =	sshra.s32 s9, $0x2;
	[tilespmem:s7+$0x5000] =	vst v0;
	v2 =	vshrl.u32 v3, $0x10;
	v3 =	vand.u32 $0xFFFF, v3  }
0x29: {  	s9 =	sadd.s32 $0x80, s9;
	v0 =	vld [tilespmem:s8+$0x5000];
	[tilespmem:s7+$0x5010] =	vst v3  }
0x2a: {  	_ = 	snop  }
0x2b: {  	v3 =	vld [tilespmem:s8+$0x5010];
	_ =	sdelay $0x1  }
0x2c: {  	[tilespmem:s7+$0xA000] =	vst v1  }
0x2d: {  	[tilespmem:s7+$0xA010] =	vst v2;
	v60 =	vand.u32 $0xFFFF, v0  }
0x2e: {  	v62 =	vshrl.u32 v0, $0x10;
	[tilespmem:s8+$0x5000] =	vst v60  }
0x2f: {  	s7 =	simm.s32 $0x80;
	s9 =	simm.s32 $0x5000;
	s10 =	simm.s32 $0x5080;
	v61 =	vand.u32 $0xFFFF, v3;
	[tilespmem:s8+$0xA000] =	vst v62  }
0x30: {  	s11 =	simm.s32 $0x5100;
	s12 =	simm.s32 $0x5180;
	s13 =	simm.s32 $0x5200;
	v63 =	vshrl.u32 v3, $0x10;
	[tilespmem:s8+$0x5010] =	vst v61  }
0x31: {  	s14 =	simm.s32 $0x1;
	s15 =	simm.s32 $0x14000;
	s16 =	simm.s32 $0x2;
	[tilespmem:s8+$0xA010] =	vst v63  }
0x32: {  	s17 =	simm.s32 $0x15000;
	s8 =	simm.s32 $0xF000;
	[bflag:$0x0] =	sbarrier.arrive $0xFFFF  }
0x33: {  	[tilespmem:s8], [sflag:$0x1] =	stream.indirect.gather [hbm4b:s6+s7], $0x20, s9, s7, $0xb8;
	[tilespmem:$0x1E000] =	vst v63  }
0x34: {  	s18 =	simm.s32 $0x3;
	s19 =	simm.s32 $0x16000;
	s9 =	simm.s32 $0x10000  }
0x35: {  	[tilespmem:s9], [sflag:$0x2] =	stream.indirect.gather [hbm4b:s6+s7], $0x20, s10, s7, $0xb8;
	[tilespmem:$0x1E000] =	vst v63  }
0x36: {  	s20 =	simm.s32 $0x4;
	s21 =	simm.s32 $0x17000;
	s10 =	simm.s32 $0x11000  }
0x37: {  	[tilespmem:s10], [sflag:$0x3] =	stream.indirect.gather [hbm4b:s6+s7], $0x20, s11, s7, $0xb8;
	[tilespmem:$0x1E000] =	vst v63  }
0x38: {  	s22 =	simm.s32 $0x5;
	s23 =	simm.s32 $0x18000;
	s11 =	simm.s32 $0x12000  }
0x39: {  	[tilespmem:s11], [sflag:$0x4] =	stream.indirect.gather [hbm4b:s6+s7], $0x20, s12, s7, $0xb8;
	[tilespmem:$0x1E000] =	vst v63  }
0x3a: {  	s24 =	simm.s32 $0x6;
	s25 =	simm.s32 $0x8;
	s12 =	simm.s32 $0x13000  }
0x3b: {  	[tilespmem:s12], [sflag:$0x5] =	stream.indirect.gather [hbm4b:s6+s7], $0x20, s13, s7, $0xb8;
	[tilespmem:$0x1E000] =	vst v63  }
0x3c: {  	s26 =	simm.s32 $0xA;
	s28 =	simm.s32 $0xF;
	s13 =	simm.s32 $0x0  }
.LBB2_5:
0x3d: {  	_ =	swait.ge [sflag:s14], $0x1000  }
0x3e: {  	s29 =	sshra.s32 s13, $0x2;
	[sflag:s14] =	ssyncset.done $0x0  }
0x3f: {  	p0 =	seq.s32 s13, $0x0;
	s30 =	sadd.s32 $0xA000, s29;
	[sflag:s14] =	ssyncadd.s32 $0xFFFFF000  }
0x40: {  	[spmem:s4] =	stream.indirect.scatter.add.f32 [tilespmem:s8], [sflag:$0xB], $0x20, s30, s7, $0xb8;
	[tilespmem:$0x1E000] =	vst v63  }
0x41: {  	s30 =	simm.s32 @!p0 $0x10  }
0x42: {  	_ =	swait.ge @!p0 [sflag:s30], $0x1000  }
0x43: {  	[sflag:s30] =	ssyncset.done @!p0 $0x0  }
0x44: {  	s31 =	sadd.s32 $0x5280, s29;
	[sflag:s30] =	ssyncadd.s32 @!p0 $0xFFFFF000  }
0x45: {  	[tilespmem:s15], [sflag:$0x6] =	stream.indirect.gather [hbm4b:s6+s7], $0x20, s31, s7, $0xb8;
	[tilespmem:$0x1E000] =	vst v63  }
0x46: {  	_ =	swait.ge [sflag:s16], $0x1000  }
0x47: {  	[sflag:s16] =	ssyncset.done $0x0  }
0x48: {  	s0 =	sadd.s32 $0xA080, s29;
	s30 =	simm.s32 @!p0 $0x11;
	[sflag:s16] =	ssyncadd.s32 $0xFFFFF000  }
0x49: {  	[spmem:s4] =	stream.indirect.scatter.add.f32 [tilespmem:s9], [sflag:$0xC], $0x20, s0, s7, $0xb8;
	[tilespmem:$0x1E000] =	vst v63  }
0x4a: {  	_ =	swait.ge @!p0 [sflag:s30], $0x1000  }
0x4b: {  	[sflag:s30] =	ssyncset.done @!p0 $0x0  }
0x4c: {  	s1 =	sadd.s32 $0x5300, s29;
	[sflag:s30] =	ssyncadd.s32 @!p0 $0xFFFFF000  }
0x4d: {  	[tilespmem:s17], [sflag:$0x7] =	stream.indirect.gather [hbm4b:s6+s7], $0x20, s1, s7, $0xb8;
	[tilespmem:$0x1E000] =	vst v63  }
0x4e: {  	_ =	swait.ge [sflag:s18], $0x1000  }
0x4f: {  	[sflag:s18] =	ssyncset.done $0x0  }
0x50: {  	s2 =	sadd.s32 $0xA100, s29;
	s30 =	simm.s32 @!p0 $0x12;
	[sflag:s18] =	ssyncadd.s32 $0xFFFFF000  }
0x51: {  	[spmem:s4] =	stream.indirect.scatter.add.f32 [tilespmem:s10], [sflag:$0xD], $0x20, s2, s7, $0xb8;
	[tilespmem:$0x1E000] =	vst v63  }
0x52: {  	_ =	swait.ge @!p0 [sflag:s30], $0x1000  }
0x53: {  	[sflag:s30] =	ssyncset.done @!p0 $0x0  }
0x54: {  	s3 =	sadd.s32 $0x5380, s29;
	[sflag:s30] =	ssyncadd.s32 @!p0 $0xFFFFF000  }
0x55: {  	[tilespmem:s19], [sflag:$0x8] =	stream.indirect.gather [hbm4b:s6+s7], $0x20, s3, s7, $0xb8;
	[tilespmem:$0x1E000] =	vst v63  }
0x56: {  	_ =	swait.ge [sflag:s20], $0x1000  }
0x57: {  	[sflag:s20] =	ssyncset.done $0x0  }
0x58: {  	s31 =	sadd.s32 $0xA180, s29;
	s30 =	simm.s32 @!p0 $0x13;
	[sflag:s20] =	ssyncadd.s32 $0xFFFFF000  }
0x59: {  	[spmem:s4] =	stream.indirect.scatter.add.f32 [tilespmem:s11], [sflag:$0xE], $0x20, s31, s7, $0xb8;
	[tilespmem:$0x1E000] =	vst v63  }
0x5a: {  	_ =	swait.ge @!p0 [sflag:s30], $0x1000  }
0x5b: {  	[sflag:s30] =	ssyncset.done @!p0 $0x0  }
0x5c: {  	s0 =	sadd.s32 $0x5400, s29;
	[sflag:s30] =	ssyncadd.s32 @!p0 $0xFFFFF000  }
0x5d: {  	[tilespmem:s21], [sflag:$0x9] =	stream.indirect.gather [hbm4b:s6+s7], $0x20, s0, s7, $0xb8;
	[tilespmem:$0x1E000] =	vst v63  }
0x5e: {  	_ =	swait.ge [sflag:s22], $0x1000  }
0x5f: {  	[sflag:s22] =	ssyncset.done $0x0  }
0x60: {  	s1 =	sadd.s32 $0xA200, s29;
	s30 =	simm.s32 @!p0 $0x14;
	[sflag:s22] =	ssyncadd.s32 $0xFFFFF000  }
0x61: {  	[spmem:s4] =	stream.indirect.scatter.add.f32 [tilespmem:s12], [sflag:$0xF], $0x20, s1, s7, $0xb8;
	[tilespmem:$0x1E000] =	vst v63  }
0x62: {  	_ =	swait.ge @!p0 [sflag:s30], $0x1000  }
0x63: {  	[sflag:s30] =	ssyncset.done @!p0 $0x0  }
0x64: {  	s2 =	sadd.s32 $0x5480, s29;
	[sflag:s30] =	ssyncadd.s32 @!p0 $0xFFFFF000  }
0x65: {  	[tilespmem:s23], [sflag:$0xA] =	stream.indirect.gather [hbm4b:s6+s7], $0x20, s2, s7, $0xb8;
	[tilespmem:$0x1E000] =	vst v63  }
0x66: {  	_ =	swait.ge [sflag:s24], $0x1000  }
0x67: {  	p0 =	seq.s32 s13, $0x12C00;
	[sflag:s24] =	ssyncset.done $0x0  }
0x68: {  	s3 =	sadd.s32 $0xA280, s29;
	s30 =	simm.s32 @p0 $0x7;
	[sflag:s24] =	ssyncadd.s32 $0xFFFFF000  }
0x69: {  	[spmem:s4] =	stream.indirect.scatter.add.f32 [tilespmem:s15], [sflag:$0x10], $0x20, s3, s7, $0xb8;
	[tilespmem:$0x1E000] =	vst v63  }
0x6a: {  	_ =	swait.ge @p0 [sflag:s30], $0x1000  }
0x6b: {  	[sflag:s30] =	ssyncset.done @p0 $0x0  }
0x6c: {  	[sflag:s30] =	ssyncadd.s32 @p0 $0xFFFFF000;
	s30 =	sshra.s32 @p0 s13, $0x2  }
0x6d: {  	s0 =	simm.s32 @p0 $0x80;
	s1 =	simm.s32 @p0 $0x15000;
	s31 =	sadd.s32 @p0 $0xA300, s30  }
0x6e: {  	[spmem:s4] =	stream.indirect.scatter.add.f32 @p0 [tilespmem:s1], [sflag:$0x11], $0x20, s31, s0, $0xb8;
	[tilespmem:$0x1E000] =	vst v63  }
0x6f: {  	s1 =	simm.s32 @!p0 $0xB  }
0x70: {  	_ =	swait.ge @!p0 [sflag:s1], $0x1000  }
0x71: {  	[sflag:s1] =	ssyncset.done @!p0 $0x0  }
0x72: {  	[sflag:s1] =	ssyncadd.s32 @!p0 $0xFFFFF000;
	s1 =	sshra.s32 @!p0 s13, $0x2  }
0x73: {  	s2 =	simm.s32 @!p0 $0x80;
	s3 =	simm.s32 @!p0 $0xF000;
	s31 =	sadd.s32 @!p0 $0x5500, s1  }
0x74: {  	[tilespmem:s3], [sflag:$0x1] =	stream.indirect.gather @!p0 [hbm4b:s6+s2], $0x20, s31, s2, $0xb8;
	[tilespmem:$0x1E000] =	vst v63  }
0x75: {  	s3 =	simm.s32 @!p0 $0x7  }
0x76: {  	_ =	swait.ge @!p0 [sflag:s3], $0x1000  }
0x77: {  	[sflag:s3] =	ssyncset.done @!p0 $0x0  }
0x78: {  	s31 =	simm.s32 @!p0 $0x15000;
	[sflag:s3] =	ssyncadd.s32 @!p0 $0xFFFFF000;
	s3 =	sadd.s32 @!p0 $0xA300, s1  }
0x79: {  	[spmem:s4] =	stream.indirect.scatter.add.f32 @!p0 [tilespmem:s31], [sflag:$0x11], $0x20, s3, s2, $0xb8;
	[tilespmem:$0x1E000] =	vst v63  }
0x7a: {  	s3 =	simm.s32 @!p0 $0xC  }
0x7b: {  	_ =	swait.ge @!p0 [sflag:s3], $0x1000  }
0x7c: {  	[sflag:s3] =	ssyncset.done @!p0 $0x0  }
0x7d: {  	s31 =	simm.s32 @!p0 $0x10000;
	[sflag:s3] =	ssyncadd.s32 @!p0 $0xFFFFF000;
	s3 =	sadd.s32 @!p0 $0x5580, s1  }
0x7e: {  	[tilespmem:s31], [sflag:$0x2] =	stream.indirect.gather @!p0 [hbm4b:s6+s2], $0x20, s3, s2, $0xb8;
	[tilespmem:$0x1E000] =	vst v63  }
0x7f: {  	_ =	swait.ge [sflag:s25], $0x1000  }
0x80: {  	[sflag:s25] =	ssyncset.done $0x0  }
0x81: {  	s31 =	sadd.s32 $0xA380, s29;
	s3 =	simm.s32 @p0 $0x9;
	[sflag:s25] =	ssyncadd.s32 $0xFFFFF000  }
0x82: {  	[spmem:s4] =	stream.indirect.scatter.add.f32 [tilespmem:s19], [sflag:$0x12], $0x20, s31, s7, $0xb8;
	[tilespmem:$0x1E000] =	vst v63  }
0x83: {  	_ =	swait.ge @p0 [sflag:s3], $0x1000  }
0x84: {  	[sflag:s3] =	ssyncset.done @p0 $0x0  }
0x85: {  	[sflag:s3] =	ssyncadd.s32 @p0 $0xFFFFF000;
	s3 =	sadd.s32 @p0 $0xA400, s30;
	s30 =	simm.s32 @p0 $0x17000  }
0x86: {  	[spmem:s4] =	stream.indirect.scatter.add.f32 @p0 [tilespmem:s30], [sflag:$0x13], $0x20, s3, s0, $0xb8;
	[tilespmem:$0x1E000] =	vst v63  }
0x87: {  	s0 =	simm.s32 @!p0 $0xD  }
0x88: {  	_ =	swait.ge @!p0 [sflag:s0], $0x1000  }
0x89: {  	[sflag:s0] =	ssyncset.done @!p0 $0x0  }
0x8a: {  	s3 =	simm.s32 @!p0 $0x11000;
	[sflag:s0] =	ssyncadd.s32 @!p0 $0xFFFFF000;
	s0 =	sadd.s32 @!p0 $0x5600, s1  }
0x8b: {  	[tilespmem:s3], [sflag:$0x3] =	stream.indirect.gather @!p0 [hbm4b:s6+s2], $0x20, s0, s2, $0xb8;
	[tilespmem:$0x1E000] =	vst v63  }
0x8c: {  	s0 =	simm.s32 @!p0 $0x9  }
0x8d: {  	_ =	swait.ge @!p0 [sflag:s0], $0x1000  }
0x8e: {  	[sflag:s0] =	ssyncset.done @!p0 $0x0  }
0x8f: {  	s3 =	simm.s32 @!p0 $0x17000;
	[sflag:s0] =	ssyncadd.s32 @!p0 $0xFFFFF000;
	s0 =	sadd.s32 @!p0 $0xA400, s1  }
0x90: {  	[spmem:s4] =	stream.indirect.scatter.add.f32 @!p0 [tilespmem:s3], [sflag:$0x13], $0x20, s0, s2, $0xb8;
	[tilespmem:$0x1E000] =	vst v63  }
0x91: {  	s0 =	simm.s32 @!p0 $0xE  }
0x92: {  	_ =	swait.ge @!p0 [sflag:s0], $0x1000  }
0x93: {  	[sflag:s0] =	ssyncset.done @!p0 $0x0  }
0x94: {  	[sflag:s0] =	ssyncadd.s32 @!p0 $0xFFFFF000;
	s0 =	sadd.s32 @!p0 $0x5680, s1;
	s1 =	simm.s32 @!p0 $0x12000  }
0x95: {  	[tilespmem:s1], [sflag:$0x4] =	stream.indirect.gather @!p0 [hbm4b:s6+s2], $0x20, s0, s2, $0xb8;
	[tilespmem:$0x1E000] =	vst v63  }
.Ltmp2:
0x96: {  	_ = 	snop;
	(pc) =	sbr.rel @p0 .LBB2_7-.Ltmp2, $4  }
0x97: {  	_ =	swait.ge [sflag:s26], $0x1000  }
0x98: {  	[sflag:s26] =	ssyncset.done $0x0  }
0x99: {  	s31 =	sadd.s32 $0xA480, s29;
	[sflag:s26] =	ssyncadd.s32 $0xFFFFF000  }
0x9a: {  	[spmem:s4] =	stream.indirect.scatter.add.f32 [tilespmem:s23], [sflag:$0x14], $0x20, s31, s7, $0xb8;
	[tilespmem:$0x1E000] =	vst v63  }
.Ltmp3:
0x9b: {  	(pc) =	sbr.rel .LBB2_5-.Ltmp3, $4  }
0x9c: {  	_ =	swait.ge [sflag:s28], $0x1000  }
0x9d: {  	[sflag:s28] =	ssyncset.done $0x0  }
0x9e: {  	s0 =	sadd.s32 $0x5700, s29;
	s13 =	sadd.s32 $0x1400, s13;
	[sflag:s28] =	ssyncadd.s32 $0xFFFFF000  }
0x9f: {  	[tilespmem:s12], [sflag:$0x5] =	stream.indirect.gather [hbm4b:s6+s7], $0x20, s0, s7, $0xb8;
	[tilespmem:$0x1E000] =	vst v63  }
.LBB2_7:
0xa0: {  	s0 =	simm.s32 $0xB  }
0xa1: {  	_ =	swait.ge [sflag:s0], $0x1000  }
0xa2: {  	[sflag:s0] =	ssyncset.done $0x0  }
0xa3: {  	s19 =	simm.s32 $0xC;
	[sflag:s0] =	ssyncadd.s32 $0xFFFFF000  }
0xa4: {  	_ =	swait.ge [sflag:s19], $0x1000  }
0xa5: {  	[sflag:s19] =	ssyncset.done $0x0  }
0xa6: {  	s20 =	simm.s32 $0xD;
	[sflag:s19] =	ssyncadd.s32 $0xFFFFF000  }
0xa7: {  	_ =	swait.ge [sflag:s20], $0x1000  }
0xa8: {  	[sflag:s20] =	ssyncset.done $0x0  }
0xa9: {  	s21 =	simm.s32 $0xE;
	[sflag:s20] =	ssyncadd.s32 $0xFFFFF000  }
0xaa: {  	_ =	swait.ge [sflag:s21], $0x1000  }
0xab: {  	[sflag:s21] =	ssyncset.done $0x0  }
0xac: {  	s22 =	simm.s32 $0xF;
	[sflag:s21] =	ssyncadd.s32 $0xFFFFF000  }
0xad: {  	_ =	swait.ge [sflag:s22], $0x1000  }
0xae: {  	[sflag:s22] =	ssyncset.done $0x0  }
0xaf: {  	s23 =	simm.s32 $0x10;
	[sflag:s22] =	ssyncadd.s32 $0xFFFFF000  }
0xb0: {  	_ =	swait.ge [sflag:s23], $0x1000  }
0xb1: {  	[sflag:s23] =	ssyncset.done $0x0  }
0xb2: {  	s24 =	simm.s32 $0x11;
	[sflag:s23] =	ssyncadd.s32 $0xFFFFF000  }
0xb3: {  	_ =	swait.ge [sflag:s24], $0x1000  }
0xb4: {  	[sflag:s24] =	ssyncset.done $0x0  }
0xb5: {  	s25 =	simm.s32 $0x12;
	[sflag:s24] =	ssyncadd.s32 $0xFFFFF000  }
0xb6: {  	_ =	swait.ge [sflag:s25], $0x1000  }
0xb7: {  	[sflag:s25] =	ssyncset.done $0x0  }
0xb8: {  	s26 =	simm.s32 $0x13;
	[sflag:s25] =	ssyncadd.s32 $0xFFFFF000  }
0xb9: {  	_ =	swait.ge [sflag:s26], $0x1000  }
0xba: {  	[sflag:s26] =	ssyncset.done $0x0  }
0xbb: {  	s28 =	simm.s32 $0x14;
	[sflag:s26] =	ssyncadd.s32 $0xFFFFF000  }
0xbc: {  	_ =	swait.ge [sflag:s28], $0x1000  }
0xbd: {  	[sflag:s28] =	ssyncset.done $0x0  }
0xbe: {  	[sflag:s28] =	ssyncadd.s32 $0xFFFFF000  }
0xbf: {  	s29 =	simm.s32 $0x19000;
	s1 =	simm.s32 $0x15;
	[bflag:$0x0] =	sbarrier.arrive $0xFFFF  }
0xc0: {  	[tilespmem:s29], [sflag:$0x15] =	stream.linear.gather [spmem:s5], $0x5000, $0x38;
	[tilespmem:$0x1E000] =	vst v63  }
0xc1: {  	_ =	swait.ge [sflag:s1], $0x5000  }
0xc2: {  	s2 =	rddreg [dreg:$0x4]  }
0xc3: {  	[sflag:s1] =	ssyncset.done $0x0;
	s3 =	rddreg [dreg:$0x3];
	s2 =	sshrl.u32 s2, $0x3  }
0xc4: {  	s30 =	simm.s32 $0x0;
	[sflag:s1] =	ssyncadd.s32 $0xFFFFB000;
	s2 =	sadd.s32 s3, s2  }
0xc5: {  	[hbm4b:s2+s30] =	stream.linear.scatter [tilespmem:s29], [sflag:$0x15], $0x5000, $0x38;
	[tilespmem:$0x1E000] =	vst v63  }
0xc6: {  	_ =	swait.ge [sflag:s1], $0x5000  }
0xc7: {  	[sflag:s1] =	ssyncset.done $0x0  }
0xc8: {  	[sflag:s1] =	ssyncadd.s32 $0xFFFFB000  }
0xc9: {  	_ =	sfence.sel $0x180000  }
0xca: {  	[bflag:$0x0] =	sbarrier.arrive $0xFFFF  }
0xcb: {  	_ =	strace $0x9000004A  }
0xcc: {  	s31 =	stileid.u32;
	[bflag:$0x2] =	sbarrier.arrive $0xFFFF  }
0xcd: {  	p0 =	sne.s32 s31, $0x0;
	s0 =	rddreg [dreg:$0x2]  }
0xce: {  	s0 =	sadd.s32 @!p0 $0x100000, s0  }
0xcf: {  	[sflag:s0] =	ssyncadd.tile.s32 @!p0 $0x1;
	_ =	shalt  }
.Lfunc_end2:
_tile_overlayer_lowered:
.L_overlay_start_2:
0xd0: {  	(tag) =	ssettag $0x2  }
0xd1: {  	s0 =	rddreg [dreg:$0x0];
	s2 =	stileid.u32  }
0xd2: {  	s1 =	rddreg [dreg:$0x1];
	p0 =	sne.s32 s2, $0x0  }
0xd3: {  	s3 =	rddreg [dreg:$0x2];
	[bflag:$0x3] =	sbarrier.arrive $0xFFFF;
	s2 =	simm.s32 @!p0 $0x1C15  }
0xd4: {  	[timem:s3], [sflag:s2] =	dma.local @!p0 [hbm:s0], s1  }
0xd5: {  	s0 =	simm.s32 @!p0 $0x15  }
0xd6: {  	_ =	swait.ge @!p0 [sflag:s0], s1  }
0xd7: {  	s1 =	ssub.s32 @!p0 $0x0, s1;
	[sflag:s0] =	ssyncset.done @!p0 $0x0  }
0xd8: {  	[sflag:s0] =	ssyncadd.s32 @!p0 s1  }
0xd9: {  	[bflag:$0x3] =	sbarrier.arrive $0xFFFF  }
0xda: {  	_ =	shalt  }

// kernel: kernel.14.cloned.1.call-start
scs
__scs_entry_jumppad:
0x0: {  	(pc) =	sbr.rel $0x88, $3  }
0x1: {  	(tag) =	ssettag $0x0;
	lr =	simm.s32 $0x1  }
0x2: {  	[smem:$0x3F97] =	sst lr;
	_ =	strace $0xD0000000  }
0x3: {  	_ = 	snop  }
0x4: {  	_ = 	snop  }
0x5: {  	_ = 	snop  }
0x6: {  	_ = 	snop  }
0x7: {  	_ = 	snop  }
__scs_overlays_trampoline_lowered:
0x8: {  	[smem:$0x3FA6] =	sst s0  }
0x9: {  	[smem:$0x3FA7] =	sst s1  }
0xa: {  	[smem:$0x3FA8] =	sst s2  }
0xb: {  	[smem:$0x3FA9] =	sst s3  }
0xc: {  	[smem:$0x3FAA] =	sst s4  }
0xd: {  	[smem:$0x3FAB] =	sst s5  }
0xe: {  	[smem:$0x3FAC] =	sst s6  }
0xf: {  	[smem:$0x3FAD] =	sst s7  }
0x10: {  	[smem:$0x3FAE] =	sst s8  }
0x11: {  	[smem:$0x3FAF] =	sst s9;
	s0 =	simm.s32 @!p0 $0x0  }
0x12: {  	s1 =	sld [smem:$0x3F95];
	s0 =	simm.s32 @p0 $0x1  }
0x13: {  	[smem:$0x3FB0] =	sst s0;
	s0 =	simm.s32 @!p1 $0x0  }
0x14: {  	s2 =	sld [smem:$0x3F94];
	s0 =	simm.s32 @p1 $0x1  }
0x15: {  	[smem:$0x3FB1] =	sst s0;
	s0 =	simm.s32 @!p2 $0x0  }
0x16: {  	s3 =	sld [smem:$0x3FDB];
	s0 =	simm.s32 @p2 $0x1  }
0x17: {  	s4 =	simm.s32 $0x1BF5;
	[smem:$0x3FB3] =	sst s0  }
0x18: {  	s0 =	sld [smem:$0x3F96];
	_ =	swait.ge [sflag:s4], $0x0  }
0x19: {  	s7 =	sld [smem:$0x3F97]  }
0x1a: {  	s8 =	sadd.s32 $0xFFFFE003, lr  }
0x1b: {  	s9 =	sadd.s32 $0xFFFFFEF7, lr;
	s5 =	simm.s32 $0xFFFFFFFF;
	p2 =	slt.u32 s8, $0xFFFFF086  }
0x1c: {  	p1 =	slt.u32 s9, $0xF7A;
	s5 =	simm.s32 @!p2 $0x0  }
0x1d: {  	s5 =	simm.s32 @p1 $0x1;
	p0 =	seq.s32 s7, s2  }
0x1e: {  	s7 =	smul.u32 @!p0 $0xF7A, s2;
	p2 =	seq.s32 @!p0 s5, $0x0  }
0x1f: {  	s9 =	smul.u32 $0xF7A, s1;
	s8 =	simm.s32 @!p0 $0x1BF5;
	p2 =	por !p2, p0  }
0x20: {  	[sflag:s8] =	ssyncset.s32 @!p0 $0xFFFFF086;
	s6 =	sadd.s32 @!p0 s3, s7;
	s7 =	simm.s32 @!p0 $0x108  }
0x21: {  	s3 =	sadd.s32 s3, s9;
	s6 =	sadd.s32 @!p0 $0x88, s6;
	s7 =	simm.s32 @p2 $0x1082  }
0x22: {  	[simem:s7], [sflag:s8] =	dma.local @!p0 [hbm:s6], $0xF7A  }
0x23: {  	s9 =	sor.u32 $0xD0000000, s2;
	s6 =	simm.s32 $0x108;
	_ =	swait.ge @!p0 [sflag:s8], $0x0  }
0x24: {  	s3 =	sadd.s32 $0x88, s3;
	s6 =	simm.s32 @!p1 $0x1082;
	[sflag:s4] =	ssyncset.s32 $0xFFFFF086  }
0x25: {  	[simem:s6], [sflag:s4] =	dma.local [hbm:s3], $0xF7A  }
0x26: {  	[smem:$0x3F97] =	sst s1;
	(tag) =	ssettag s2;
	_ =	strace s9  }
0x27: {  	s1 =	sld [smem:$0x3FA7]  }
0x28: {  	s2 =	sld [smem:$0x3FA8]  }
0x29: {  	s4 =	sld [smem:$0x3FAA]  }
0x2a: {  	p0 =	seq.s32 s5, $0x0;
	s5 =	sld [smem:$0x3FAB]  }
0x2b: {  	s6 =	sld [smem:$0x3FAC]  }
0x2c: {  	s7 =	sld [smem:$0x3FAD]  }
0x2d: {  	s3 =	simm.s32 $0x108;
	s8 =	sld [smem:$0x3FAE]  }
0x2e: {  	s3 =	simm.s32 @!p0 $0x1082;
	s9 =	sld [smem:$0x3FAF]  }
0x2f: {  	lr =	sadd.s32 s0, s3;
	s0 =	sld [smem:$0x3FA6]  }
0x30: {  	s3 =	sld [smem:$0x3FA9]  }
0x31: {  	[smem:$0x3FB2] =	sst s10  }
0x32: {  	s10 =	sld [smem:$0x3FB0];
	_ =	sdelay $0x3  }
0x33: {  	p0 =	seq.s32 s10, $0x1;
	s10 =	sld [smem:$0x3FB2];
	_ =	sdelay $0x3  }
0x34: {  	[smem:$0x3FB2] =	sst s10  }
0x35: {  	s10 =	sld [smem:$0x3FB1];
	_ =	sdelay $0x3  }
0x36: {  	p1 =	seq.s32 s10, $0x1;
	s10 =	sld [smem:$0x3FB2];
	_ =	sdelay $0x3  }
0x37: {  	[smem:$0x3FB2] =	sst s10  }
0x38: {  	s10 =	sld [smem:$0x3FB3]  }
0x39: {  	_ = 	snop;
	(pc) =	sbr.ind lr, $3  }
0x3a: {  	_ = 	snop  }
0x3b: {  	_ = 	snop  }
0x3c: {  	p2 =	seq.s32 s10, $0x1;
	s10 =	sld [smem:$0x3FB2]  }
0x3d: {  	_ =	shalt  }
0x3e: {  	_ =	shalt  }
0x3f: {  	_ =	shalt  }
0x40: {  	_ =	shalt  }
0x41: {  	_ =	shalt  }
0x42: {  	_ =	shalt  }
0x43: {  	_ =	shalt  }
0x44: {  	_ =	shalt  }
0x45: {  	_ =	shalt  }
0x46: {  	_ =	shalt  }
0x47: {  	_ =	shalt  }
0x48: {  	_ =	shalt  }
0x49: {  	_ =	shalt  }
0x4a: {  	_ =	shalt  }
0x4b: {  	_ =	shalt  }
0x4c: {  	_ =	shalt  }
0x4d: {  	_ =	shalt  }
0x4e: {  	_ =	shalt  }
0x4f: {  	_ =	shalt  }
0x50: {  	_ =	shalt  }
0x51: {  	_ =	shalt  }
0x52: {  	_ =	shalt  }
0x53: {  	_ =	shalt  }
0x54: {  	_ =	shalt  }
0x55: {  	_ =	shalt  }
0x56: {  	_ =	shalt  }
0x57: {  	_ =	shalt  }
0x58: {  	_ =	shalt  }
0x59: {  	_ =	shalt  }
0x5a: {  	_ =	shalt  }
0x5b: {  	_ =	shalt  }
0x5c: {  	_ =	shalt  }
0x5d: {  	_ =	shalt  }
0x5e: {  	_ =	shalt  }
0x5f: {  	_ =	shalt  }
0x60: {  	_ =	shalt  }
0x61: {  	_ =	shalt  }
0x62: {  	_ =	shalt  }
0x63: {  	_ =	shalt  }
0x64: {  	_ =	shalt  }
0x65: {  	_ =	shalt  }
0x66: {  	_ =	shalt  }
0x67: {  	_ =	shalt  }
0x68: {  	_ =	shalt  }
0x69: {  	_ =	shalt  }
0x6a: {  	_ =	shalt  }
0x6b: {  	_ =	shalt  }
0x6c: {  	_ =	shalt  }
0x6d: {  	_ =	shalt  }
0x6e: {  	_ =	shalt  }
0x6f: {  	_ =	shalt  }
0x70: {  	_ =	shalt  }
0x71: {  	_ =	shalt  }
0x72: {  	_ =	shalt  }
0x73: {  	_ =	shalt  }
0x74: {  	_ =	shalt  }
0x75: {  	_ =	shalt  }
0x76: {  	_ =	shalt  }
0x77: {  	_ =	shalt  }
0x78: {  	_ =	shalt  }
0x79: {  	_ =	shalt  }
0x7a: {  	_ =	shalt  }
0x7b: {  	_ =	shalt  }
0x7c: {  	_ =	shalt  }
0x7d: {  	_ =	shalt  }
0x7e: {  	_ =	shalt  }
0x7f: {  	_ =	shalt  }
0x80: {  	_ =	shalt  }
0x81: {  	_ =	shalt  }
0x82: {  	_ =	shalt  }
0x83: {  	_ =	shalt  }
0x84: {  	_ =	shalt  }
0x85: {  	_ =	shalt  }
0x86: {  	_ =	shalt  }
0x87: {  	_ =	shalt  }
.Lfunc_end0:
.L_simem_size_0:
called_computation.2_lowered:
.L_overlay_start_0:
0x88: {  	s0 =	sld [smem:$0x3FD9]  }
0x89: {  	s1 =	sld [smem:$0x3FFE];
	_ =	sdelay $0x3  }
0x8a: {  	s0 =	sadd.s32 s1, s0  }
0x8b: {  	[smem:$0x3FBE] =	sst s0  }
0x8c: {  	_ = 	snop  }
0x8d: {  	(tm) =	ssettm $0x1  }
0x8e: {  	s15 =	sld [smem:$0x3FFB];
	_ =	sdelay $0x3  }
0x8f: {  	_ =	strace s15  }
0x90: {  	s0 =	sld [smem:$0x3FFC];
	_ =	sdelay $0x3  }
0x91: {  	_ =	strace s0  }
0x92: {  	s0 =	sld [smem:$0x3FFD];
	_ =	sdelay $0x3  }
0x93: {  	_ =	strace s0  }
0x94: {  	_ =	strace $0x8FFFFFFF  }
0x95: {  	s16 =	sld [smem:$0x3FDB];
	_ =	sdelay $0x1  }
0x96: {  	s17 =	simm.s32 $_scs_section_size  }
0x97: {  	s2 =	simm.s32 $_size__tile_overlayer_lowered;
	s3 =	simm.s32 $_tile_overlayer_lowered  }
0x98: {  	s20 =	simm.s32 $0x1BFF;
	s19 =	sshll.u32 s3, $0x1;
	s0 =	sadd.s32 s17, s16  }
0x99: {  	s4 =	simm.s32 $0x0;
	s18 =	sshll.u32 s2, $0x1;
	s2 =	sadd.s32 s19, s0  }
0x9a: {  	[timem:s4], [sflag:s20] =	dma.local [hbm:s2], s18  }
0x9b: {  	_ =	swait.ge [sflag:s20], s18  }
0x9c: {  	s1 =	ssub.s32 $0x0, s18;
	[sflag:s20] =	ssyncset.done $0x0  }
0x9d: {  	[sflag:s20] =	ssyncadd.s32 s1;
	_ =	sdelay $0x1  }
0x9e: {  	s21 =	simm.s32 $0x1B8B  }
0x9f: {  	_ =	swait.ge [sflag:s21], $0x1  }
0xa0: {  	[sflag:s21] =	ssyncset.done $0x0  }
0xa1: {  	s23 =	simm.s32 $0x1B8E;
	s22 =	sld [smem:$0x3FFE];
	[sflag:s21] =	ssyncadd.s32 $0xFFFFFFFF  }
0xa2: {  	s24 =	simm.s32 $execute0_lowered;
	[smem:$0x3FD2] =	sst s23  }
0xa3: {  	s2 =	sshll.u32 s24, $0x1;
	_ =	strace $0x8000004C;
	[dreg:$0x1] =	wrdreg $0xFFFFFFFF  }
0xa4: {  	s25 =	simm.s32 $_size_execute0_lowered;
	s0 =	sadd.s32 s0, s2;
	[dreg:$0x0] =	wrdreg $0x0  }
0xa5: {  	s2 =	sshll.u32 s25, $0x1;
	[dreg:$0x2] =	wrdreg s0  }
0xa6: {  	[dreg:$0x3] =	wrdreg s2  }
0xa7: {  	[dreg:$0x4] =	wrdreg $0xC0  }
0xa8: {  	_ =	task [dreg:s4], $0x5FFFF  }
0xa9: {  	[dreg:$0x1] =	wrdreg $0xFFFFFFFF  }
0xaa: {  	[dreg:$0x0] =	wrdreg $0x60  }
0xab: {  	[dreg:$0x2] =	wrdreg s22  }
0xac: {  	[dreg:$0x3] =	wrdreg $0x0  }
0xad: {  	[dreg:$0x4] =	wrdreg $0x9  }
0xae: {  	_ =	task.clear_ibuf [dreg:s4], $0x5FFFF;
	_ =	strace $0x9000004C  }
0xaf: {  	s26 =	simm.s32 $0x9;
	_ =	strace $0x8000004E  }
0xb0: {  	_ =	swait.ge [sflag:s26], $0x1  }
0xb1: {  	[sflag:s26] =	ssyncadd.s32 $0xFFFFFFFF  }
0xb2: {  	_ =	strace $0x9000004E  }
0xb3: {  	_ =	sfence  }
0xb4: {  	s28 =	sld [smem:$0x0];
	_ =	sdelay $0x1  }
0xb5: {  	s29 =	srdreg.scid  }
0xb6: {  	s30 =	sshll.u32 s29, $0xD;
	s31 =	sshrl.u32 s29, $0x2  }
0xb7: {  	s1 =	sand.u32 $0x1, s29;
	s2 =	sand.u32 $0x4000, s30;
	s0 =	sadd.s32 s31, s28  }
0xb8: {  	s1 =	sor.u32 s2, s1;
	s0 =	sshll.u32 s0, $0x11  }
0xb9: {  	s0 =	sor.u32 s0, s1  }
0xba: {  	s0 =	sadd.s32 $0x8F2B, s0  }
0xbb: {  	[sflag:s0] =	ssyncadd.remote.s32 $0x1  }
0xbc: {  	_ =	sfence.sel $0xFFFF  }
0xbd: {  	[dreg:$0x0] =	wrdreg $0xFFFFFFFF;
	(pc) =	sbr.abs _section_cstart, $3  }
0xbe: {  	[dreg:$0x1] =	wrdreg $0xFFFFFFFF  }
0xbf: {  	_ =	task.clear_ibuf [dreg:s4], $0x2FFFF;
	_ =	strace $0x9FFFFFFF  }
0xc0: {  	(tm) =	ssettm $0x7FFFFFFF  }
0xc1: {  	_ =	shalt  }
tec
execute0_lowered:
.L_overlay_start_1:
0x0: {  	(tag) =	ssettag $0x1  }
0x1: {  	s1 =	rddreg [dreg:$0x0]  }
0x2: {  	s4 =	rddreg [dreg:$0x1];
	s2 =	simm.s32 $0x0  }
0x3: {  	s5 =	simm.s32 $0x0;
	s3 =	simm.s32 $0x200;
	[smem:$0x7FF] =	sst s2  }
0x4: {  	s6 =	sadd.s32 $0xBE00, s1;
	s7 =	sadd.s32 $0x1E00, s1;
	s0 =	sadd.s32 $0x15E00, s1  }
0x5: {  	v0 =	vimm.f32 $0.0e+00;
	_ =	strace $0x8000004D;
	[dreg:$0x3] =	wrdreg s0;
	s0 =	stileid.u32  }
.LBB2_1:
0x6: {  	p0 =	sne.s32 s3, $0x13E00;
	[tilespmem:s5+$0x19070] =	vst v0  }
0x7: {  	[tilespmem:s5+$0x19000] =	vst v0  }
0x8: {  	[tilespmem:s5+$0x19010] =	vst v0  }
.Ltmp0:
0x9: {  	[tilespmem:s5+$0x19020] =	vst v0;
	(pc) =	sbr.rel @p0 .LBB2_1-.Ltmp0, $4  }
0xa: {  	[tilespmem:s5+$0x19030] =	vst v0  }
0xb: {  	[tilespmem:s5+$0x19040] =	vst v0  }
0xc: {  	[tilespmem:s5+$0x19050] =	vst v0  }
0xd: {  	[tilespmem:s5+$0x19060] =	vst v0;
	s5 =	sshra.s32 s3, $0x2;
	s3 =	sadd.s32 $0x200, s3  }
0xe: {  	[tilespmem:s5+$0x19070] =	vst v0  }
0xf: {  	[tilespmem:s5+$0x19000] =	vst v0  }
0x10: {  	[tilespmem:s5+$0x19010] =	vst v0  }
0x11: {  	[tilespmem:s5+$0x19020] =	vst v0  }
0x12: {  	[tilespmem:s5+$0x19030] =	vst v0  }
0x13: {  	[tilespmem:s5+$0x19040] =	vst v0;
	s1 =	smul.u32 $0x5000, s0  }
0x14: {  	[tilespmem:s5+$0x19050] =	vst v0;
	s8 =	simm.s32 $0x19000  }
0x15: {  	[tilespmem:s5+$0x19060] =	vst v0;
	s9 =	simm.s32 $0x15;
	[dreg:$0x4] =	wrdreg s1;
	s5 =	sadd.s32 s1, s4  }
0x16: {  	[spmem:s5] =	stream.linear.scatter [tilespmem:s8], [sflag:$0x15], $0x5000, $0x38;
	[tilespmem:$0x1E000] =	vst v63  }
0x17: {  	s30 =	smul.u32 $0xA00, s0;
	_ =	swait.ge [sflag:s9], $0x5000  }
0x18: {  	s31 =	simm.s32 $0x0;
	[sflag:s9] =	ssyncset.done $0x0  }
0x19: {  	s10 =	simm.s32 $0x5000;
	s7 =	sadd.s32 s7, s30;
	[sflag:s9] =	ssyncadd.s32 $0xFFFFB000  }
0x1a: {  	[tilespmem:s10], [sflag:$0x15] =	stream.linear.gather [hbm4b:s7+s31], $0x5000, $0x38;
	[tilespmem:$0x1E000] =	vst v63  }
0x1b: {  	_ =	swait.ge [sflag:s9], $0x5000  }
0x1c: {  	[sflag:s9] =	ssyncset.done $0x0  }
0x1d: {  	s7 =	simm.s32 $0x0;
	[sflag:s9] =	ssyncadd.s32 $0xFFFFB000  }
0x1e: {  	v1 =	vld [tilespmem:s7+$0x5000]  }
0x1f: {  	v2 =	vld [tilespmem:s7+$0x5010];
	_ =	sdelay $0x3  }
0x20: {  	v0 =	vand.u32 $0xFFFF, v1  }
0x21: {  	s8 =	simm.s32 $0x20;
	v3 =	vand.u32 $0xFFFF, v2;
	[tilespmem:s7+$0x5000] =	vst v0  }
0x22: {  	s9 =	simm.s32 $0x100;
	v1 =	vshrl.u32 v1, $0x10;
	v2 =	vshrl.u32 v2, $0x10;
	v0 =	vld [tilespmem:s8+$0x5000];
	[tilespmem:s7+$0x5010] =	vst v3  }
.LBB2_3:
0x23: {  	p0 =	sne.s32 s9, $0x13F80;
	v3 =	vld [tilespmem:s8+$0x5010];
	[tilespmem:s7+$0xA000] =	vst v1  }
0x24: {  	[tilespmem:s7+$0xA010] =	vst v2;
	s7 =	smov.u32 s8  }
.Ltmp1:
0x25: {  	(pc) =	sbr.rel @p0 .LBB2_3-.Ltmp1, $4  }
0x26: {  	_ = 	snop  }
0x27: {  	v1 =	vshrl.u32 v0, $0x10;
	v0 =	vand.u32 $0xFFFF, v0  }
0x28: {  	s8 =	sshra.s32 s9, $0x2;
	[tilespmem:s7+$0x5000] =	vst v0;
	v2 =	vshrl.u32 v3, $0x10;
	v3 =	vand.u32 $0xFFFF, v3  }
0x29: {  	s9 =	sadd.s32 $0x80, s9;
	v0 =	vld [tilespmem:s8+$0x5000];
	[tilespmem:s7+$0x5010] =	vst v3  }
0x2a: {  	_ = 	snop  }
0x2b: {  	v3 =	vld [tilespmem:s8+$0x5010];
	_ =	sdelay $0x1  }
0x2c: {  	[tilespmem:s7+$0xA000] =	vst v1  }
0x2d: {  	[tilespmem:s7+$0xA010] =	vst v2;
	v60 =	vand.u32 $0xFFFF, v0  }
0x2e: {  	v62 =	vshrl.u32 v0, $0x10;
	[tilespmem:s8+$0x5000] =	vst v60  }
0x2f: {  	s7 =	simm.s32 $0x80;
	s9 =	simm.s32 $0x5000;
	s10 =	simm.s32 $0x5080;
	v61 =	vand.u32 $0xFFFF, v3;
	[tilespmem:s8+$0xA000] =	vst v62  }
0x30: {  	s11 =	simm.s32 $0x5100;
	s12 =	simm.s32 $0x5180;
	s13 =	simm.s32 $0x5200;
	v63 =	vshrl.u32 v3, $0x10;
	[tilespmem:s8+$0x5010] =	vst v61  }
0x31: {  	s14 =	simm.s32 $0x1;
	s15 =	simm.s32 $0x14000;
	s16 =	simm.s32 $0x2;
	[tilespmem:s8+$0xA010] =	vst v63  }
0x32: {  	s17 =	simm.s32 $0x15000;
	s8 =	simm.s32 $0xF000;
	[bflag:$0x0] =	sbarrier.arrive $0xFFFF  }
0x33: {  	[tilespmem:s8], [sflag:$0x1] =	stream.indirect.gather [hbm4b:s6+s7], $0x20, s9, s7, $0xb8;
	[tilespmem:$0x1E000] =	vst v63  }
0x34: {  	s18 =	simm.s32 $0x3;
	s19 =	simm.s32 $0x16000;
	s9 =	simm.s32 $0x10000  }
0x35: {  	[tilespmem:s9], [sflag:$0x2] =	stream.indirect.gather [hbm4b:s6+s7], $0x20, s10, s7, $0xb8;
	[tilespmem:$0x1E000] =	vst v63  }
0x36: {  	s20 =	simm.s32 $0x4;
	s21 =	simm.s32 $0x17000;
	s10 =	simm.s32 $0x11000  }
0x37: {  	[tilespmem:s10], [sflag:$0x3] =	stream.indirect.gather [hbm4b:s6+s7], $0x20, s11, s7, $0xb8;
	[tilespmem:$0x1E000] =	vst v63  }
0x38: {  	s22 =	simm.s32 $0x5;
	s23 =	simm.s32 $0x18000;
	s11 =	simm.s32 $0x12000  }
0x39: {  	[tilespmem:s11], [sflag:$0x4] =	stream.indirect.gather [hbm4b:s6+s7], $0x20, s12, s7, $0xb8;
	[tilespmem:$0x1E000] =	vst v63  }
0x3a: {  	s24 =	simm.s32 $0x6;
	s25 =	simm.s32 $0x8;
	s12 =	simm.s32 $0x13000  }
0x3b: {  	[tilespmem:s12], [sflag:$0x5] =	stream.indirect.gather [hbm4b:s6+s7], $0x20, s13, s7, $0xb8;
	[tilespmem:$0x1E000] =	vst v63  }
0x3c: {  	s26 =	simm.s32 $0xA;
	s28 =	simm.s32 $0xF;
	s13 =	simm.s32 $0x0  }
.LBB2_5:
0x3d: {  	_ =	swait.ge [sflag:s14], $0x1000  }
0x3e: {  	s29 =	sshra.s32 s13, $0x2;
	[sflag:s14] =	ssyncset.done $0x0  }
0x3f: {  	p0 =	seq.s32 s13, $0x0;
	s30 =	sadd.s32 $0xA000, s29;
	[sflag:s14] =	ssyncadd.s32 $0xFFFFF000  }
0x40: {  	[spmem:s4] =	stream.indirect.scatter.add.f32 [tilespmem:s8], [sflag:$0xB], $0x20, s30, s7, $0xb8;
	[tilespmem:$0x1E000] =	vst v63  }
0x41: {  	s30 =	simm.s32 @!p0 $0x10  }
0x42: {  	_ =	swait.ge @!p0 [sflag:s30], $0x1000  }
0x43: {  	[sflag:s30] =	ssyncset.done @!p0 $0x0  }
0x44: {  	s31 =	sadd.s32 $0x5280, s29;
	[sflag:s30] =	ssyncadd.s32 @!p0 $0xFFFFF000  }
0x45: {  	[tilespmem:s15], [sflag:$0x6] =	stream.indirect.gather [hbm4b:s6+s7], $0x20, s31, s7, $0xb8;
	[tilespmem:$0x1E000] =	vst v63  }
0x46: {  	_ =	swait.ge [sflag:s16], $0x1000  }
0x47: {  	[sflag:s16] =	ssyncset.done $0x0  }
0x48: {  	s0 =	sadd.s32 $0xA080, s29;
	s30 =	simm.s32 @!p0 $0x11;
	[sflag:s16] =	ssyncadd.s32 $0xFFFFF000  }
0x49: {  	[spmem:s4] =	stream.indirect.scatter.add.f32 [tilespmem:s9], [sflag:$0xC], $0x20, s0, s7, $0xb8;
	[tilespmem:$0x1E000] =	vst v63  }
0x4a: {  	_ =	swait.ge @!p0 [sflag:s30], $0x1000  }
0x4b: {  	[sflag:s30] =	ssyncset.done @!p0 $0x0  }
0x4c: {  	s1 =	sadd.s32 $0x5300, s29;
	[sflag:s30] =	ssyncadd.s32 @!p0 $0xFFFFF000  }
0x4d: {  	[tilespmem:s17], [sflag:$0x7] =	stream.indirect.gather [hbm4b:s6+s7], $0x20, s1, s7, $0xb8;
	[tilespmem:$0x1E000] =	vst v63  }
0x4e: {  	_ =	swait.ge [sflag:s18], $0x1000  }
0x4f: {  	[sflag:s18] =	ssyncset.done $0x0  }
0x50: {  	s2 =	sadd.s32 $0xA100, s29;
	s30 =	simm.s32 @!p0 $0x12;
	[sflag:s18] =	ssyncadd.s32 $0xFFFFF000  }
0x51: {  	[spmem:s4] =	stream.indirect.scatter.add.f32 [tilespmem:s10], [sflag:$0xD], $0x20, s2, s7, $0xb8;
	[tilespmem:$0x1E000] =	vst v63  }
0x52: {  	_ =	swait.ge @!p0 [sflag:s30], $0x1000  }
0x53: {  	[sflag:s30] =	ssyncset.done @!p0 $0x0  }
0x54: {  	s3 =	sadd.s32 $0x5380, s29;
	[sflag:s30] =	ssyncadd.s32 @!p0 $0xFFFFF000  }
0x55: {  	[tilespmem:s19], [sflag:$0x8] =	stream.indirect.gather [hbm4b:s6+s7], $0x20, s3, s7, $0xb8;
	[tilespmem:$0x1E000] =	vst v63  }
0x56: {  	_ =	swait.ge [sflag:s20], $0x1000  }
0x57: {  	[sflag:s20] =	ssyncset.done $0x0  }
0x58: {  	s31 =	sadd.s32 $0xA180, s29;
	s30 =	simm.s32 @!p0 $0x13;
	[sflag:s20] =	ssyncadd.s32 $0xFFFFF000  }
0x59: {  	[spmem:s4] =	stream.indirect.scatter.add.f32 [tilespmem:s11], [sflag:$0xE], $0x20, s31, s7, $0xb8;
	[tilespmem:$0x1E000] =	vst v63  }
0x5a: {  	_ =	swait.ge @!p0 [sflag:s30], $0x1000  }
0x5b: {  	[sflag:s30] =	ssyncset.done @!p0 $0x0  }
0x5c: {  	s0 =	sadd.s32 $0x5400, s29;
	[sflag:s30] =	ssyncadd.s32 @!p0 $0xFFFFF000  }
0x5d: {  	[tilespmem:s21], [sflag:$0x9] =	stream.indirect.gather [hbm4b:s6+s7], $0x20, s0, s7, $0xb8;
	[tilespmem:$0x1E000] =	vst v63  }
0x5e: {  	_ =	swait.ge [sflag:s22], $0x1000  }
0x5f: {  	[sflag:s22] =	ssyncset.done $0x0  }
0x60: {  	s1 =	sadd.s32 $0xA200, s29;
	s30 =	simm.s32 @!p0 $0x14;
	[sflag:s22] =	ssyncadd.s32 $0xFFFFF000  }
0x61: {  	[spmem:s4] =	stream.indirect.scatter.add.f32 [tilespmem:s12], [sflag:$0xF], $0x20, s1, s7, $0xb8;
	[tilespmem:$0x1E000] =	vst v63  }
0x62: {  	_ =	swait.ge @!p0 [sflag:s30], $0x1000  }
0x63: {  	[sflag:s30] =	ssyncset.done @!p0 $0x0  }
0x64: {  	s2 =	sadd.s32 $0x5480, s29;
	[sflag:s30] =	ssyncadd.s32 @!p0 $0xFFFFF000  }
0x65: {  	[tilespmem:s23], [sflag:$0xA] =	stream.indirect.gather [hbm4b:s6+s7], $0x20, s2, s7, $0xb8;
	[tilespmem:$0x1E000] =	vst v63  }
0x66: {  	_ =	swait.ge [sflag:s24], $0x1000  }
0x67: {  	p0 =	seq.s32 s13, $0x12C00;
	[sflag:s24] =	ssyncset.done $0x0  }
0x68: {  	s3 =	sadd.s32 $0xA280, s29;
	s30 =	simm.s32 @p0 $0x7;
	[sflag:s24] =	ssyncadd.s32 $0xFFFFF000  }
0x69: {  	[spmem:s4] =	stream.indirect.scatter.add.f32 [tilespmem:s15], [sflag:$0x10], $0x20, s3, s7, $0xb8;
	[tilespmem:$0x1E000] =	vst v63  }
0x6a: {  	_ =	swait.ge @p0 [sflag:s30], $0x1000  }
0x6b: {  	[sflag:s30] =	ssyncset.done @p0 $0x0  }
0x6c: {  	[sflag:s30] =	ssyncadd.s32 @p0 $0xFFFFF000;
	s30 =	sshra.s32 @p0 s13, $0x2  }
0x6d: {  	s0 =	simm.s32 @p0 $0x80;
	s1 =	simm.s32 @p0 $0x15000;
	s31 =	sadd.s32 @p0 $0xA300, s30  }
0x6e: {  	[spmem:s4] =	stream.indirect.scatter.add.f32 @p0 [tilespmem:s1], [sflag:$0x11], $0x20, s31, s0, $0xb8;
	[tilespmem:$0x1E000] =	vst v63  }
0x6f: {  	s1 =	simm.s32 @!p0 $0xB  }
0x70: {  	_ =	swait.ge @!p0 [sflag:s1], $0x1000  }
0x71: {  	[sflag:s1] =	ssyncset.done @!p0 $0x0  }
0x72: {  	[sflag:s1] =	ssyncadd.s32 @!p0 $0xFFFFF000;
	s1 =	sshra.s32 @!p0 s13, $0x2  }
0x73: {  	s2 =	simm.s32 @!p0 $0x80;
	s3 =	simm.s32 @!p0 $0xF000;
	s31 =	sadd.s32 @!p0 $0x5500, s1  }
0x74: {  	[tilespmem:s3], [sflag:$0x1] =	stream.indirect.gather @!p0 [hbm4b:s6+s2], $0x20, s31, s2, $0xb8;
	[tilespmem:$0x1E000] =	vst v63  }
0x75: {  	s3 =	simm.s32 @!p0 $0x7  }
0x76: {  	_ =	swait.ge @!p0 [sflag:s3], $0x1000  }
0x77: {  	[sflag:s3] =	ssyncset.done @!p0 $0x0  }
0x78: {  	s31 =	simm.s32 @!p0 $0x15000;
	[sflag:s3] =	ssyncadd.s32 @!p0 $0xFFFFF000;
	s3 =	sadd.s32 @!p0 $0xA300, s1  }
0x79: {  	[spmem:s4] =	stream.indirect.scatter.add.f32 @!p0 [tilespmem:s31], [sflag:$0x11], $0x20, s3, s2, $0xb8;
	[tilespmem:$0x1E000] =	vst v63  }
0x7a: {  	s3 =	simm.s32 @!p0 $0xC  }
0x7b: {  	_ =	swait.ge @!p0 [sflag:s3], $0x1000  }
0x7c: {  	[sflag:s3] =	ssyncset.done @!p0 $0x0  }
0x7d: {  	s31 =	simm.s32 @!p0 $0x10000;
	[sflag:s3] =	ssyncadd.s32 @!p0 $0xFFFFF000;
	s3 =	sadd.s32 @!p0 $0x5580, s1  }
0x7e: {  	[tilespmem:s31], [sflag:$0x2] =	stream.indirect.gather @!p0 [hbm4b:s6+s2], $0x20, s3, s2, $0xb8;
	[tilespmem:$0x1E000] =	vst v63  }
0x7f: {  	_ =	swait.ge [sflag:s25], $0x1000  }
0x80: {  	[sflag:s25] =	ssyncset.done $0x0  }
0x81: {  	s31 =	sadd.s32 $0xA380, s29;
	s3 =	simm.s32 @p0 $0x9;
	[sflag:s25] =	ssyncadd.s32 $0xFFFFF000  }
0x82: {  	[spmem:s4] =	stream.indirect.scatter.add.f32 [tilespmem:s19], [sflag:$0x12], $0x20, s31, s7, $0xb8;
	[tilespmem:$0x1E000] =	vst v63  }
0x83: {  	_ =	swait.ge @p0 [sflag:s3], $0x1000  }
0x84: {  	[sflag:s3] =	ssyncset.done @p0 $0x0  }
0x85: {  	[sflag:s3] =	ssyncadd.s32 @p0 $0xFFFFF000;
	s3 =	sadd.s32 @p0 $0xA400, s30;
	s30 =	simm.s32 @p0 $0x17000  }
0x86: {  	[spmem:s4] =	stream.indirect.scatter.add.f32 @p0 [tilespmem:s30], [sflag:$0x13], $0x20, s3, s0, $0xb8;
	[tilespmem:$0x1E000] =	vst v63  }
0x87: {  	s0 =	simm.s32 @!p0 $0xD  }
0x88: {  	_ =	swait.ge @!p0 [sflag:s0], $0x1000  }
0x89: {  	[sflag:s0] =	ssyncset.done @!p0 $0x0  }
0x8a: {  	s3 =	simm.s32 @!p0 $0x11000;
	[sflag:s0] =	ssyncadd.s32 @!p0 $0xFFFFF000;
	s0 =	sadd.s32 @!p0 $0x5600, s1  }
0x8b: {  	[tilespmem:s3], [sflag:$0x3] =	stream.indirect.gather @!p0 [hbm4b:s6+s2], $0x20, s0, s2, $0xb8;
	[tilespmem:$0x1E000] =	vst v63  }
0x8c: {  	s0 =	simm.s32 @!p0 $0x9  }
0x8d: {  	_ =	swait.ge @!p0 [sflag:s0], $0x1000  }
0x8e: {  	[sflag:s0] =	ssyncset.done @!p0 $0x0  }
0x8f: {  	s3 =	simm.s32 @!p0 $0x17000;
	[sflag:s0] =	ssyncadd.s32 @!p0 $0xFFFFF000;
	s0 =	sadd.s32 @!p0 $0xA400, s1  }
0x90: {  	[spmem:s4] =	stream.indirect.scatter.add.f32 @!p0 [tilespmem:s3], [sflag:$0x13], $0x20, s0, s2, $0xb8;
	[tilespmem:$0x1E000] =	vst v63  }
0x91: {  	s0 =	simm.s32 @!p0 $0xE  }
0x92: {  	_ =	swait.ge @!p0 [sflag:s0], $0x1000  }
0x93: {  	[sflag:s0] =	ssyncset.done @!p0 $0x0  }
0x94: {  	[sflag:s0] =	ssyncadd.s32 @!p0 $0xFFFFF000;
	s0 =	sadd.s32 @!p0 $0x5680, s1;
	s1 =	simm.s32 @!p0 $0x12000  }
0x95: {  	[tilespmem:s1], [sflag:$0x4] =	stream.indirect.gather @!p0 [hbm4b:s6+s2], $0x20, s0, s2, $0xb8;
	[tilespmem:$0x1E000] =	vst v63  }
.Ltmp2:
0x96: {  	_ = 	snop;
	(pc) =	sbr.rel @p0 .LBB2_7-.Ltmp2, $4  }
0x97: {  	_ =	swait.ge [sflag:s26], $0x1000  }
0x98: {  	[sflag:s26] =	ssyncset.done $0x0  }
0x99: {  	s31 =	sadd.s32 $0xA480, s29;
	[sflag:s26] =	ssyncadd.s32 $0xFFFFF000  }
0x9a: {  	[spmem:s4] =	stream.indirect.scatter.add.f32 [tilespmem:s23], [sflag:$0x14], $0x20, s31, s7, $0xb8;
	[tilespmem:$0x1E000] =	vst v63  }
.Ltmp3:
0x9b: {  	(pc) =	sbr.rel .LBB2_5-.Ltmp3, $4  }
0x9c: {  	_ =	swait.ge [sflag:s28], $0x1000  }
0x9d: {  	[sflag:s28] =	ssyncset.done $0x0  }
0x9e: {  	s0 =	sadd.s32 $0x5700, s29;
	s13 =	sadd.s32 $0x1400, s13;
	[sflag:s28] =	ssyncadd.s32 $0xFFFFF000  }
0x9f: {  	[tilespmem:s12], [sflag:$0x5] =	stream.indirect.gather [hbm4b:s6+s7], $0x20, s0, s7, $0xb8;
	[tilespmem:$0x1E000] =	vst v63  }
.LBB2_7:
0xa0: {  	s0 =	simm.s32 $0xB  }
0xa1: {  	_ =	swait.ge [sflag:s0], $0x1000  }
0xa2: {  	[sflag:s0] =	ssyncset.done $0x0  }
0xa3: {  	s19 =	simm.s32 $0xC;
	[sflag:s0] =	ssyncadd.s32 $0xFFFFF000  }
0xa4: {  	_ =	swait.ge [sflag:s19], $0x1000  }
0xa5: {  	[sflag:s19] =	ssyncset.done $0x0  }
0xa6: {  	s20 =	simm.s32 $0xD;
	[sflag:s19] =	ssyncadd.s32 $0xFFFFF000  }
0xa7: {  	_ =	swait.ge [sflag:s20], $0x1000  }
0xa8: {  	[sflag:s20] =	ssyncset.done $0x0  }
0xa9: {  	s21 =	simm.s32 $0xE;
	[sflag:s20] =	ssyncadd.s32 $0xFFFFF000  }
0xaa: {  	_ =	swait.ge [sflag:s21], $0x1000  }
0xab: {  	[sflag:s21] =	ssyncset.done $0x0  }
0xac: {  	s22 =	simm.s32 $0xF;
	[sflag:s21] =	ssyncadd.s32 $0xFFFFF000  }
0xad: {  	_ =	swait.ge [sflag:s22], $0x1000  }
0xae: {  	[sflag:s22] =	ssyncset.done $0x0  }
0xaf: {  	s23 =	simm.s32 $0x10;
	[sflag:s22] =	ssyncadd.s32 $0xFFFFF000  }
0xb0: {  	_ =	swait.ge [sflag:s23], $0x1000  }
0xb1: {  	[sflag:s23] =	ssyncset.done $0x0  }
0xb2: {  	s24 =	simm.s32 $0x11;
	[sflag:s23] =	ssyncadd.s32 $0xFFFFF000  }
0xb3: {  	_ =	swait.ge [sflag:s24], $0x1000  }
0xb4: {  	[sflag:s24] =	ssyncset.done $0x0  }
0xb5: {  	s25 =	simm.s32 $0x12;
	[sflag:s24] =	ssyncadd.s32 $0xFFFFF000  }
0xb6: {  	_ =	swait.ge [sflag:s25], $0x1000  }
0xb7: {  	[sflag:s25] =	ssyncset.done $0x0  }
0xb8: {  	s26 =	simm.s32 $0x13;
	[sflag:s25] =	ssyncadd.s32 $0xFFFFF000  }
0xb9: {  	_ =	swait.ge [sflag:s26], $0x1000  }
0xba: {  	[sflag:s26] =	ssyncset.done $0x0  }
0xbb: {  	s28 =	simm.s32 $0x14;
	[sflag:s26] =	ssyncadd.s32 $0xFFFFF000  }
0xbc: {  	_ =	swait.ge [sflag:s28], $0x1000  }
0xbd: {  	[sflag:s28] =	ssyncset.done $0x0  }
0xbe: {  	[sflag:s28] =	ssyncadd.s32 $0xFFFFF000  }
0xbf: {  	s29 =	simm.s32 $0x19000;
	s1 =	simm.s32 $0x15;
	[bflag:$0x0] =	sbarrier.arrive $0xFFFF  }
0xc0: {  	[tilespmem:s29], [sflag:$0x15] =	stream.linear.gather [spmem:s5], $0x5000, $0x38;
	[tilespmem:$0x1E000] =	vst v63  }
0xc1: {  	_ =	swait.ge [sflag:s1], $0x5000  }
0xc2: {  	s2 =	rddreg [dreg:$0x4]  }
0xc3: {  	[sflag:s1] =	ssyncset.done $0x0;
	s3 =	rddreg [dreg:$0x3];
	s2 =	sshrl.u32 s2, $0x3  }
0xc4: {  	s30 =	simm.s32 $0x0;
	[sflag:s1] =	ssyncadd.s32 $0xFFFFB000;
	s2 =	sadd.s32 s3, s2  }
0xc5: {  	[hbm4b:s2+s30] =	stream.linear.scatter [tilespmem:s29], [sflag:$0x15], $0x5000, $0x38;
	[tilespmem:$0x1E000] =	vst v63  }
0xc6: {  	_ =	swait.ge [sflag:s1], $0x5000  }
0xc7: {  	[sflag:s1] =	ssyncset.done $0x0  }
0xc8: {  	[sflag:s1] =	ssyncadd.s32 $0xFFFFB000  }
0xc9: {  	_ =	sfence.sel $0x180000  }
0xca: {  	[bflag:$0x0] =	sbarrier.arrive $0xFFFF  }
0xcb: {  	_ =	strace $0x9000004D  }
0xcc: {  	s31 =	stileid.u32;
	[bflag:$0x2] =	sbarrier.arrive $0xFFFF  }
0xcd: {  	p0 =	sne.s32 s31, $0x0;
	s0 =	rddreg [dreg:$0x2]  }
0xce: {  	s0 =	sadd.s32 @!p0 $0x100000, s0  }
0xcf: {  	[sflag:s0] =	ssyncadd.tile.s32 @!p0 $0x1;
	_ =	shalt  }
.Lfunc_end2:
_tile_overlayer_lowered:
.L_overlay_start_2:
0xd0: {  	(tag) =	ssettag $0x2  }
0xd1: {  	s0 =	rddreg [dreg:$0x0];
	s2 =	stileid.u32  }
0xd2: {  	s1 =	rddreg [dreg:$0x1];
	p0 =	sne.s32 s2, $0x0  }
0xd3: {  	s3 =	rddreg [dreg:$0x2];
	[bflag:$0x3] =	sbarrier.arrive $0xFFFF;
	s2 =	simm.s32 @!p0 $0x1C15  }
0xd4: {  	[timem:s3], [sflag:s2] =	dma.local @!p0 [hbm:s0], s1  }
0xd5: {  	s0 =	simm.s32 @!p0 $0x15  }
0xd6: {  	_ =	swait.ge @!p0 [sflag:s0], s1  }
0xd7: {  	s1 =	ssub.s32 @!p0 $0x0, s1;
	[sflag:s0] =	ssyncset.done @!p0 $0x0  }
0xd8: {  	[sflag:s0] =	ssyncadd.s32 @!p0 s1  }
0xd9: {  	[bflag:$0x3] =	sbarrier.arrive $0xFFFF  }
0xda: {  	_ =	shalt  }

// kernel: kernel.8.cloned.1.call-start
scs
__scs_entry_jumppad:
0x0: {  	(pc) =	sbr.rel $0x88, $3  }
0x1: {  	(tag) =	ssettag $0x0;
	lr =	simm.s32 $0x1  }
0x2: {  	[smem:$0x3F97] =	sst lr;
	_ =	strace $0xD0000000  }
0x3: {  	_ = 	snop  }
0x4: {  	_ = 	snop  }
0x5: {  	_ = 	snop  }
0x6: {  	_ = 	snop  }
0x7: {  	_ = 	snop  }
__scs_overlays_trampoline_lowered:
0x8: {  	[smem:$0x3FA6] =	sst s0  }
0x9: {  	[smem:$0x3FA7] =	sst s1  }
0xa: {  	[smem:$0x3FA8] =	sst s2  }
0xb: {  	[smem:$0x3FA9] =	sst s3  }
0xc: {  	[smem:$0x3FAA] =	sst s4  }
0xd: {  	[smem:$0x3FAB] =	sst s5  }
0xe: {  	[smem:$0x3FAC] =	sst s6  }
0xf: {  	[smem:$0x3FAD] =	sst s7  }
0x10: {  	[smem:$0x3FAE] =	sst s8  }
0x11: {  	[smem:$0x3FAF] =	sst s9;
	s0 =	simm.s32 @!p0 $0x0  }
0x12: {  	s1 =	sld [smem:$0x3F95];
	s0 =	simm.s32 @p0 $0x1  }
0x13: {  	[smem:$0x3FB0] =	sst s0;
	s0 =	simm.s32 @!p1 $0x0  }
0x14: {  	s2 =	sld [smem:$0x3F94];
	s0 =	simm.s32 @p1 $0x1  }
0x15: {  	[smem:$0x3FB1] =	sst s0;
	s0 =	simm.s32 @!p2 $0x0  }
0x16: {  	s3 =	sld [smem:$0x3FDB];
	s0 =	simm.s32 @p2 $0x1  }
0x17: {  	s4 =	simm.s32 $0x1BF5;
	[smem:$0x3FB3] =	sst s0  }
0x18: {  	s0 =	sld [smem:$0x3F96];
	_ =	swait.ge [sflag:s4], $0x0  }
0x19: {  	s7 =	sld [smem:$0x3F97]  }
0x1a: {  	s8 =	sadd.s32 $0xFFFFE003, lr  }
0x1b: {  	s9 =	sadd.s32 $0xFFFFFEF7, lr;
	s5 =	simm.s32 $0xFFFFFFFF;
	p2 =	slt.u32 s8, $0xFFFFF086  }
0x1c: {  	p1 =	slt.u32 s9, $0xF7A;
	s5 =	simm.s32 @!p2 $0x0  }
0x1d: {  	s5 =	simm.s32 @p1 $0x1;
	p0 =	seq.s32 s7, s2  }
0x1e: {  	s7 =	smul.u32 @!p0 $0xF7A, s2;
	p2 =	seq.s32 @!p0 s5, $0x0  }
0x1f: {  	s9 =	smul.u32 $0xF7A, s1;
	s8 =	simm.s32 @!p0 $0x1BF5;
	p2 =	por !p2, p0  }
0x20: {  	[sflag:s8] =	ssyncset.s32 @!p0 $0xFFFFF086;
	s6 =	sadd.s32 @!p0 s3, s7;
	s7 =	simm.s32 @!p0 $0x108  }
0x21: {  	s3 =	sadd.s32 s3, s9;
	s6 =	sadd.s32 @!p0 $0x88, s6;
	s7 =	simm.s32 @p2 $0x1082  }
0x22: {  	[simem:s7], [sflag:s8] =	dma.local @!p0 [hbm:s6], $0xF7A  }
0x23: {  	s9 =	sor.u32 $0xD0000000, s2;
	s6 =	simm.s32 $0x108;
	_ =	swait.ge @!p0 [sflag:s8], $0x0  }
0x24: {  	s3 =	sadd.s32 $0x88, s3;
	s6 =	simm.s32 @!p1 $0x1082;
	[sflag:s4] =	ssyncset.s32 $0xFFFFF086  }
0x25: {  	[simem:s6], [sflag:s4] =	dma.local [hbm:s3], $0xF7A  }
0x26: {  	[smem:$0x3F97] =	sst s1;
	(tag) =	ssettag s2;
	_ =	strace s9  }
0x27: {  	s1 =	sld [smem:$0x3FA7]  }
0x28: {  	s2 =	sld [smem:$0x3FA8]  }
0x29: {  	s4 =	sld [smem:$0x3FAA]  }
0x2a: {  	p0 =	seq.s32 s5, $0x0;
	s5 =	sld [smem:$0x3FAB]  }
0x2b: {  	s6 =	sld [smem:$0x3FAC]  }
0x2c: {  	s7 =	sld [smem:$0x3FAD]  }
0x2d: {  	s3 =	simm.s32 $0x108;
	s8 =	sld [smem:$0x3FAE]  }
0x2e: {  	s3 =	simm.s32 @!p0 $0x1082;
	s9 =	sld [smem:$0x3FAF]  }
0x2f: {  	lr =	sadd.s32 s0, s3;
	s0 =	sld [smem:$0x3FA6]  }
0x30: {  	s3 =	sld [smem:$0x3FA9]  }
0x31: {  	[smem:$0x3FB2] =	sst s10  }
0x32: {  	s10 =	sld [smem:$0x3FB0];
	_ =	sdelay $0x3  }
0x33: {  	p0 =	seq.s32 s10, $0x1;
	s10 =	sld [smem:$0x3FB2];
	_ =	sdelay $0x3  }
0x34: {  	[smem:$0x3FB2] =	sst s10  }
0x35: {  	s10 =	sld [smem:$0x3FB1];
	_ =	sdelay $0x3  }
0x36: {  	p1 =	seq.s32 s10, $0x1;
	s10 =	sld [smem:$0x3FB2];
	_ =	sdelay $0x3  }
0x37: {  	[smem:$0x3FB2] =	sst s10  }
0x38: {  	s10 =	sld [smem:$0x3FB3]  }
0x39: {  	_ = 	snop;
	(pc) =	sbr.ind lr, $3  }
0x3a: {  	_ = 	snop  }
0x3b: {  	_ = 	snop  }
0x3c: {  	p2 =	seq.s32 s10, $0x1;
	s10 =	sld [smem:$0x3FB2]  }
0x3d: {  	_ =	shalt  }
0x3e: {  	_ =	shalt  }
0x3f: {  	_ =	shalt  }
0x40: {  	_ =	shalt  }
0x41: {  	_ =	shalt  }
0x42: {  	_ =	shalt  }
0x43: {  	_ =	shalt  }
0x44: {  	_ =	shalt  }
0x45: {  	_ =	shalt  }
0x46: {  	_ =	shalt  }
0x47: {  	_ =	shalt  }
0x48: {  	_ =	shalt  }
0x49: {  	_ =	shalt  }
0x4a: {  	_ =	shalt  }
0x4b: {  	_ =	shalt  }
0x4c: {  	_ =	shalt  }
0x4d: {  	_ =	shalt  }
0x4e: {  	_ =	shalt  }
0x4f: {  	_ =	shalt  }
0x50: {  	_ =	shalt  }
0x51: {  	_ =	shalt  }
0x52: {  	_ =	shalt  }
0x53: {  	_ =	shalt  }
0x54: {  	_ =	shalt  }
0x55: {  	_ =	shalt  }
0x56: {  	_ =	shalt  }
0x57: {  	_ =	shalt  }
0x58: {  	_ =	shalt  }
0x59: {  	_ =	shalt  }
0x5a: {  	_ =	shalt  }
0x5b: {  	_ =	shalt  }
0x5c: {  	_ =	shalt  }
0x5d: {  	_ =	shalt  }
0x5e: {  	_ =	shalt  }
0x5f: {  	_ =	shalt  }
0x60: {  	_ =	shalt  }
0x61: {  	_ =	shalt  }
0x62: {  	_ =	shalt  }
0x63: {  	_ =	shalt  }
0x64: {  	_ =	shalt  }
0x65: {  	_ =	shalt  }
0x66: {  	_ =	shalt  }
0x67: {  	_ =	shalt  }
0x68: {  	_ =	shalt  }
0x69: {  	_ =	shalt  }
0x6a: {  	_ =	shalt  }
0x6b: {  	_ =	shalt  }
0x6c: {  	_ =	shalt  }
0x6d: {  	_ =	shalt  }
0x6e: {  	_ =	shalt  }
0x6f: {  	_ =	shalt  }
0x70: {  	_ =	shalt  }
0x71: {  	_ =	shalt  }
0x72: {  	_ =	shalt  }
0x73: {  	_ =	shalt  }
0x74: {  	_ =	shalt  }
0x75: {  	_ =	shalt  }
0x76: {  	_ =	shalt  }
0x77: {  	_ =	shalt  }
0x78: {  	_ =	shalt  }
0x79: {  	_ =	shalt  }
0x7a: {  	_ =	shalt  }
0x7b: {  	_ =	shalt  }
0x7c: {  	_ =	shalt  }
0x7d: {  	_ =	shalt  }
0x7e: {  	_ =	shalt  }
0x7f: {  	_ =	shalt  }
0x80: {  	_ =	shalt  }
0x81: {  	_ =	shalt  }
0x82: {  	_ =	shalt  }
0x83: {  	_ =	shalt  }
0x84: {  	_ =	shalt  }
0x85: {  	_ =	shalt  }
0x86: {  	_ =	shalt  }
0x87: {  	_ =	shalt  }
.Lfunc_end0:
.L_simem_size_0:
called_computation_lowered:
.L_overlay_start_0:
0x88: {  	s2 =	sld [smem:$0x3FD9]  }
0x89: {  	s3 =	sld [smem:$0x3FFE];
	_ =	sdelay $0x1  }
0x8a: {  	s1 =	srdreg.scid  }
0x8b: {  	s0 =	sand.u32 $0x1, s1  }
0x8c: {  	s16 =	sshll.u32 s0, $0xA;
	s2 =	sadd.s32 s3, s2  }
0x8d: {  	s2 =	sadd.s32 s2, s16  }
0x8e: {  	[smem:$0x3FBE] =	sst s2  }
0x8f: {  	_ = 	snop  }
0x90: {  	(tm) =	ssettm $0x1  }
0x91: {  	s17 =	sld [smem:$0x3FFB];
	_ =	sdelay $0x3  }
0x92: {  	_ =	strace s17  }
0x93: {  	s2 =	sld [smem:$0x3FFC];
	_ =	sdelay $0x3  }
0x94: {  	_ =	strace s2  }
0x95: {  	s2 =	sld [smem:$0x3FFD];
	_ =	sdelay $0x3  }
0x96: {  	_ =	strace s2  }
0x97: {  	_ =	strace $0x8FFFFFFF  }
0x98: {  	s18 =	sld [smem:$0x3FDB];
	_ =	sdelay $0x1  }
0x99: {  	s19 =	simm.s32 $_scs_section_size  }
0x9a: {  	s4 =	simm.s32 $_size__tile_overlayer_lowered;
	s5 =	simm.s32 $_tile_overlayer_lowered  }
0x9b: {  	s22 =	simm.s32 $0x1BFF;
	s21 =	sshll.u32 s5, $0x1;
	s2 =	sadd.s32 s19, s18  }
0x9c: {  	s6 =	simm.s32 $0x0;
	s20 =	sshll.u32 s4, $0x1;
	s4 =	sadd.s32 s21, s2  }
0x9d: {  	[timem:s6], [sflag:s22] =	dma.local [hbm:s4], s20  }
0x9e: {  	_ =	swait.ge [sflag:s22], s20  }
0x9f: {  	s3 =	ssub.s32 $0x0, s20;
	[sflag:s22] =	ssyncset.done $0x0  }
0xa0: {  	[sflag:s22] =	ssyncadd.s32 s3;
	_ =	sdelay $0x1  }
0xa1: {  	s23 =	simm.s32 $0x1B8B  }
0xa2: {  	_ =	swait.ge [sflag:s23], $0x1  }
0xa3: {  	[sflag:s23] =	ssyncset.done $0x0  }
0xa4: {  	s25 =	simm.s32 $0x1B8E;
	s24 =	sld [smem:$0x3FFE];
	[sflag:s23] =	ssyncadd.s32 $0xFFFFFFFF  }
0xa5: {  	s26 =	simm.s32 $execute0_lowered;
	[smem:$0x3FD2] =	sst s25  }
0xa6: {  	s4 =	sshll.u32 s26, $0x1;
	_ =	strace $0x80000046;
	[dreg:$0x1] =	wrdreg $0xFFFFFFFF  }
0xa7: {  	s28 =	simm.s32 $_size_execute0_lowered;
	s2 =	sadd.s32 s2, s4;
	[dreg:$0x0] =	wrdreg $0x0  }
0xa8: {  	s4 =	sshll.u32 s28, $0x1;
	[dreg:$0x2] =	wrdreg s2  }
0xa9: {  	[dreg:$0x3] =	wrdreg s4  }
0xaa: {  	[dreg:$0x4] =	wrdreg $0xC0  }
0xab: {  	_ =	task [dreg:s6], $0x5FFFF  }
0xac: {  	[dreg:$0x1] =	wrdreg $0xFFFFFFFF  }
0xad: {  	[dreg:$0x0] =	wrdreg $0x60  }
0xae: {  	[dreg:$0x2] =	wrdreg s24  }
0xaf: {  	[dreg:$0x3] =	wrdreg $0x9  }
0xb0: {  	_ =	task.clear_ibuf [dreg:s6], $0x4FFFF;
	_ =	strace $0x90000046  }
0xb1: {  	s29 =	simm.s32 $0x9;
	_ =	strace $0x80000048  }
0xb2: {  	_ =	swait.ge [sflag:s29], $0x1  }
0xb3: {  	[sflag:s29] =	ssyncadd.s32 $0xFFFFFFFF  }
0xb4: {  	_ =	strace $0x90000048  }
0xb5: {  	_ =	sfence  }
0xb6: {  	s30 =	sld [smem:$0x0];
	_ =	sdelay $0x2  }
0xb7: {  	s31 =	sshll.u32 s1, $0xD;
	s1 =	sshrl.u32 s1, $0x2  }
0xb8: {  	s3 =	sand.u32 $0x4000, s31;
	s1 =	sadd.s32 s1, s30  }
0xb9: {  	s0 =	sor.u32 s3, s0;
	s1 =	sshll.u32 s1, $0x11  }
0xba: {  	s0 =	sor.u32 s1, s0  }
0xbb: {  	s0 =	sadd.s32 $0x8F2B, s0  }
0xbc: {  	[sflag:s0] =	ssyncadd.remote.s32 $0x1  }
0xbd: {  	_ =	sfence.sel $0xFFFF  }
0xbe: {  	[dreg:$0x0] =	wrdreg $0xFFFFFFFF;
	(pc) =	sbr.abs _section_cstart, $3  }
0xbf: {  	[dreg:$0x1] =	wrdreg $0xFFFFFFFF  }
0xc0: {  	_ =	task.clear_ibuf [dreg:s6], $0x2FFFF;
	_ =	strace $0x9FFFFFFF  }
0xc1: {  	(tm) =	ssettm $0x7FFFFFFF  }
tec
execute0_lowered:
.L_overlay_start_1:
0x0: {  	(tag) =	ssettag $0x1  }
0x1: {  	s1 =	srdreg.scid  }
0x2: {  	s0 =	stileid.u32;
	s4 =	rddreg [dreg:$0x0]  }
0x3: {  	s2 =	simm.s32 $0x0;
	s3 =	sand.u32 $0x1, s1;
	s30 =	sshll.u32 s0, $0x1  }
0x4: {  	s7 =	simm.s32 $0x1;
	s8 =	simm.s32 $0x2800;
	s1 =	sor.u32 s3, s30  }
0x5: {  	s9 =	simm.s32 $0x5000;
	s3 =	ssub.s32 $0x2, s3;
	s5 =	smul.u32 $0x2800, s1  }
0x6: {  	s10 =	simm.s32 $0x0;
	[smem:$0x7FF] =	sst s2;
	s31 =	sshrl.u32 s3, $0x1  }
0x7: {  	s1 =	rddreg [dreg:$0x1];
	s6 =	ssub.s32 s3, s31;
	s5 =	sshrl.u32 s5, $0x3  }
0x8: {  	_ =	strace $0x80000047;
	s6 =	smax.u32 s6, $0x1;
	s5 =	sadd.s32 s5, s4  }
0x9: {  	v0 =	vimm.f32 $0.0e+00;
	v1 =	vimm.f32 $1.000000000e+00;
	s3 =	sadd.s32 $0x1E00, s5;
	s4 =	sadd.s32 $0xBE00, s5;
	s5 =	sadd.s32 $0x15E00, s5  }
.LBB2_1:
0xa: {  	s11 =	simm.s32 $0x0;
	s12 =	simm.s32 $0x100  }
.LBB2_2:
0xb: {  	p0 =	sne.s32 s12, $0x9F00;
	[tilespmem:s11+$0x5030] =	vst v0  }
0xc: {  	[tilespmem:s11+$0x2800] =	vst v0  }
0xd: {  	[tilespmem:s11+$0x5000] =	vst v0  }
.Ltmp0:
0xe: {  	[tilespmem:s11+$0x2810] =	vst v0;
	(pc) =	sbr.rel @p0 .LBB2_2-.Ltmp0, $4  }
0xf: {  	[tilespmem:s11+$0x5010] =	vst v0  }
0x10: {  	[tilespmem:s11+$0x2820] =	vst v0  }
0x11: {  	[tilespmem:s11+$0x5020] =	vst v0  }
0x12: {  	[tilespmem:s11+$0x2830] =	vst v0;
	s11 =	sshra.s32 s12, $0x2;
	s12 =	sadd.s32 $0x100, s12  }
0x13: {  	[tilespmem:s11+$0x5030] =	vst v0  }
0x14: {  	[tilespmem:s11+$0x2800] =	vst v0  }
0x15: {  	[tilespmem:s11+$0x5000] =	vst v0  }
0x16: {  	[tilespmem:s11+$0x2810] =	vst v0  }
0x17: {  	[tilespmem:s11+$0x5010] =	vst v0  }
0x18: {  	[tilespmem:s11+$0x2820] =	vst v0  }
0x19: {  	[tilespmem:s11+$0x5020] =	vst v0  }
0x1a: {  	[tilespmem:s11+$0x2830] =	vst v0;
	s11 =	simm.s32 $0x0  }
0x1b: {  	[tilespmem:s11], [sflag:$0x1] =	stream.linear.gather [hbm4b:s3+s11], $0x2800, $0x38;
	[tilespmem:$0x7800] =	vst v63  }
0x1c: {  	_ =	swait.ge [sflag:s7], $0x2800  }
0x1d: {  	[sflag:s7] =	ssyncset.done $0x0  }
0x1e: {  	[sflag:s7] =	ssyncadd.s32 $0xFFFFD800  }
.LBB2_4:
0x1f: {  	s12 =	sshra.s32 s11, $0x2  }
0x20: {  	v2 =	vld [tilespmem:s12+$0x0];
	_ =	sdelay $0x4  }
0x21: {  	v3 =	vand.u32 $0xFFFF, v2  }
0x22: {  	v2 =	vshrl.u32 v2, $0x10;
	_ =	sdelay $0x3  }
0x23: {  	[tilespmem:v3+s8+$0x0] =	vst.idx.add.f32.msk $0xffff, v1  }
0x24: {  	[tilespmem:v2+s9+$0x0] =	vst.idx.add.f32.msk $0xffff, v1  }
0x25: {  	v2 =	vld [tilespmem:s12+$0x10];
	_ =	sdelay $0x4  }
0x26: {  	v3 =	vand.u32 $0xFFFF, v2  }
0x27: {  	p0 =	sne.s32 s11, $0x9F80;
	v2 =	vshrl.u32 v2, $0x10  }
.Ltmp1:
0x28: {  	_ = 	snop;
	(pc) =	sbr.rel @p0 .LBB2_4-.Ltmp1, $3  }
0x29: {  	_ =	sdelay $0x1  }
0x2a: {  	[tilespmem:v3+s8+$0x0] =	vst.idx.add.f32.msk $0xffff, v1  }
0x2b: {  	s11 =	sadd.s32 $0x80, s11;
	[tilespmem:v2+s9+$0x0] =	vst.idx.add.f32.msk $0xffff, v1  }
0x2c: {  	[hbm4b:s4+s2] =	stream.linear.scatter [tilespmem:s8], [sflag:$0x1], $0x2800, $0x38;
	[tilespmem:$0x7800] =	vst v63  }
0x2d: {  	s10 =	sadd.s32 $0x1, s10;
	_ =	swait.ge [sflag:s7], $0x2800  }
0x2e: {  	p0 =	sne.s32 s10, s6;
	[sflag:s7] =	ssyncset.done $0x0  }
.Ltmp2:
0x2f: {  	[sflag:s7] =	ssyncadd.s32 $0xFFFFD800;
	(pc) =	sbr.rel @p0 .LBB2_1-.Ltmp2, $4  }
0x30: {  	[hbm4b:s5+s2] =	stream.linear.scatter [tilespmem:s9], [sflag:$0x1], $0x2800, $0x38;
	[tilespmem:$0x7800] =	vst v63  }
0x31: {  	_ =	swait.ge [sflag:s7], $0x2800  }
0x32: {  	[sflag:s7] =	ssyncset.done $0x0  }
0x33: {  	[sflag:s7] =	ssyncadd.s32 $0xFFFFD800  }
0x34: {  	_ =	sfence.sel $0x180000  }
0x35: {  	[bflag:$0x0] =	sbarrier.arrive $0xFFFF  }
0x36: {  	p0 =	sne.s32 s0, $0x0;
	_ =	strace $0x90000047  }
0x37: {  	s0 =	sadd.s32 @!p0 $0x100000, s1;
	[bflag:$0x2] =	sbarrier.arrive $0xFFFF  }
0x38: {  	[sflag:s0] =	ssyncadd.tile.s32 @!p0 $0x1;
	_ =	shalt  }
.Lfunc_end2:
_tile_overlayer_lowered:
.L_overlay_start_2:
0x39: {  	(tag) =	ssettag $0x2  }
0x3a: {  	s0 =	rddreg [dreg:$0x0];
	s2 =	stileid.u32  }
0x3b: {  	s1 =	rddreg [dreg:$0x1];
	p0 =	sne.s32 s2, $0x0  }
0x3c: {  	s3 =	rddreg [dreg:$0x2];
	[bflag:$0x3] =	sbarrier.arrive $0xFFFF;
	s2 =	simm.s32 @!p0 $0x1C01  }
0x3d: {  	[timem:s3], [sflag:s2] =	dma.local @!p0 [hbm:s0], s1  }
0x3e: {  	s0 =	simm.s32 @!p0 $0x1  }
0x3f: {  	_ =	swait.ge @!p0 [sflag:s0], s1  }
0x40: {  	s1 =	ssub.s32 @!p0 $0x0, s1;
	[sflag:s0] =	ssyncset.done @!p0 $0x0  }
0x41: {  	[sflag:s0] =	ssyncadd.s32 @!p0 s1  }
0x42: {  	[bflag:$0x3] =	sbarrier.arrive $0xFFFF  }
0x43: {  	_ =	shalt  }

</sc_bundles>
